<compile_context>
chip_gen: v7x
topology: tpu7x:2x2x1
jax: 0.10.2.dev20260603
libtpu: 0.0.44.dev20260713+nightly
codegen_flags: <defaults>
</compile_context>

<pallas_src>
import functools

import jax
import jax.numpy as jnp
from jax import lax
from jax.experimental import pallas as pl
from jax.experimental.pallas import tpu as pltpu
from jax.experimental.pallas import tpu_sc as plsc

_B = 1024
_D = 64
_BK = 4096
_L16 = 16
_PRELU_A = 0.25


def _sc_gather6(t_big0, t_big1, t_big2, t_tiny0, t_tiny1, t_tiny2,
                i_big0, i_big1, i_big2, i_tiny0, i_tiny1, i_tiny2):
    info = plsc.get_sparse_core_info()
    nw = info.num_cores * info.num_subcores
    rows_per_w = _D // nw
    v_big = t_big0.shape[1]
    v_small = max(t_big1.shape[1], t_big2.shape[1])
    mesh = plsc.VectorSubcoreMesh(core_axis_name="c", subcore_axis_name="s")

    @functools.partial(
        pl.kernel,
        mesh=mesh,
        out_type=[jax.ShapeDtypeStruct((_D, _B), jnp.float32)] * 6,
        scratch_types=[
            pltpu.VMEM((v_big,), jnp.float32),
            pltpu.VMEM((v_small,), jnp.float32),
            pltpu.VMEM(t_tiny0.shape, jnp.float32),
            pltpu.VMEM(t_tiny1.shape, jnp.float32),
            pltpu.VMEM(t_tiny2.shape, jnp.float32),
            pltpu.VMEM((_B,), jnp.int32),
            pltpu.VMEM((_B,), jnp.float32),
        ],
        compiler_params=pltpu.CompilerParams(use_tc_tiling_on_sc=True,
                                             needs_layout_passes=False),
    )
    def k(tb0, tb1, tb2, tt0, tt1, tt2, ib0, ib1, ib2, it0, it1, it2,
          ob0, ob1, ob2, ot0, ot1, ot2,
          row_big, row_small, tv0, tv1, tv2, idx_v, out_v):
        wid = lax.axis_index("s") * info.num_cores + lax.axis_index("c")
        for th, tv in ((tt0, tv0), (tt1, tv1), (tt2, tv2)):
            pltpu.sync_copy(th, tv)

        def do_table(ih, oh, prep, gather16):
            pltpu.sync_copy(ih, idx_v)
            for r in range(rows_per_w):
                d = wid * rows_per_w + r
                prep(d)

                def body(j, carry):
                    for u in range(4):
                        base = j * (4 * _L16) + u * _L16
                        idx16 = idx_v[pl.ds(base, _L16)]
                        out_v[pl.ds(base, _L16)] = gather16(d, idx16)
                    return carry

                lax.fori_loop(0, _B // (4 * _L16), body, 0)
                pltpu.sync_copy(out_v, oh.at[d])

        for th, ih, oh, row_ref in ((tb0, ib0, ob0, row_big),
                                    (tb1, ib1, ob1, row_small),
                                    (tb2, ib2, ob2, row_small)):
            v = th.shape[1]

            def prep(d, th=th, row_ref=row_ref, v=v):
                pltpu.sync_copy(th.at[d, pl.ds(0, v)],
                                row_ref.at[pl.ds(0, v)])

            def g16(d, idx16, row_ref=row_ref):
                return plsc.load_gather(row_ref, [idx16])

            do_table(ih, oh, prep, g16)

        for tv, ih, oh in ((tv0, it0, ot0), (tv1, it1, ot1), (tv2, it2, ot2)):
            def g16(d, idx16, tv=tv):
                d16 = jnp.broadcast_to(d, (_L16,))
                return plsc.load_gather(tv, [idx16, d16])

            do_table(ih, oh, lambda d: None, g16)

    return k(t_big0, t_big1, t_big2, t_tiny0, t_tiny1, t_tiny2,
             i_big0, i_big1, i_big2, i_tiny0, i_tiny1, i_tiny2)


def _dot_body(x_ref, o_ref, *, K):
    k = pl.program_id(0)
    nk = pl.num_programs(0)

    @pl.when(k == 0)
    def _():
        o_ref[...] = jnp.zeros_like(o_ref)

    @pl.when(k < nk - 1)
    def _():
        ones = jnp.ones((1, _BK), jnp.float32)
        o_ref[...] += jnp.dot(ones, x_ref[...],
                              preferred_element_type=jnp.float32)

    @pl.when(k == nk - 1)
    def _():
        rem = K - (nk - 1) * _BK
        lane = lax.broadcasted_iota(jnp.int32, (1, _BK), 1)
        row = lax.broadcasted_iota(jnp.int32, (_BK, 1), 0)
        wm = jnp.where(lane < rem, 1.0, 0.0)
        xm = jnp.where(row < rem, x_ref[...], 0.0)
        o_ref[...] += jnp.dot(wm, xm, preferred_element_type=jnp.float32)


def _stream_dot(xT):
    K = xT.shape[0]
    nk = pl.cdiv(K, _BK)
    return pl.pallas_call(
        functools.partial(_dot_body, K=K),
        grid=(nk,),
        in_specs=[
            pl.BlockSpec((_BK, _B), lambda k: (k, 0)),
        ],
        out_specs=pl.BlockSpec((1, _B), lambda k: (0, 0)),
        out_shape=jax.ShapeDtypeStruct((1, _B), jnp.float32),
        compiler_params=pltpu.CompilerParams(
            dimension_semantics=("arbitrary",),
        ),
    )(xT)


def _epilogue_body(dot_ref, eu_ref, em_ref, eg_ref, ea_ref, eo_ref, ez_ref,
                   gen_ref, tgen_ref, w1_ref, w2_ref, w3_ref, out_ref):
    gen = gen_ref[...]
    nl = gen.shape[0]
    counts = jnp.zeros((32, _B), jnp.float32)
    ids = lax.broadcasted_iota(jnp.int32, (32, 1), 0)
    for l in range(nl):
        counts += (ids == gen[l:l + 1, :]).astype(jnp.float32)
    e_genres = lax.dot_general(
        tgen_ref[...], counts, (((0,), (0,)), ((), ())),
        preferred_element_type=jnp.float32) * (1.0 / nl)

    embs = [eu_ref[...], em_ref[...], eg_ref[...], ea_ref[...], eo_ref[...],
            ez_ref[...], e_genres]
    two = jnp.zeros((1, _B), jnp.float32)
    for e in embs:
        s = jnp.sum(e, axis=0, keepdims=True)
        q = jnp.sum(e * e, axis=0, keepdims=True)
        two += s * s - q
    two = 0.5 * two

    concat = jnp.concatenate(embs, axis=0)

    def prelu(x):
        return jnp.maximum(x, 0.0) + _PRELU_A * jnp.minimum(x, 0.0)

    h = prelu(jnp.dot(w1_ref[...], concat, preferred_element_type=jnp.float32))
    h = prelu(jnp.dot(w2_ref[...], h, preferred_element_type=jnp.float32))
    res = jnp.dot(w3_ref[...], h, preferred_element_type=jnp.float32)

    out_ref[...] = jax.nn.sigmoid(2.0 * dot_ref[...] + two + res)


def _epilogue(dot_out, eu_t, em_t, eg_t, ea_t, eo_t, ez_t, genres,
              T_genres, W1, W2, W3):
    args = (dot_out, eu_t, em_t, eg_t, ea_t, eo_t, ez_t,
            genres.astype(jnp.int32).T, T_genres, W1.T, W2.T, W3.T)
    return pl.pallas_call(
        _epilogue_body,
        out_shape=jax.ShapeDtypeStruct((1, _B), jnp.float32),
    )(*args)


def kernel(uid, movieid, gender, age, occ, zip_code, genres, data_vector,
           T_uid, T_movieid, T_gender, T_age, T_occ, T_zip_code, T_genres,
           w, b, W1, bias1, W2, bias2, W3, bias3, a1, a2):
    eu_t, em_t, ez_t, eg_t, ea_t, eo_t = _sc_gather6(
        T_uid.T, T_movieid.T, T_zip_code.T,
        T_gender, T_age, T_occ,
        uid.astype(jnp.int32), movieid.astype(jnp.int32),
        zip_code.astype(jnp.int32), gender.astype(jnp.int32),
        age.astype(jnp.int32), occ.astype(jnp.int32))
    dot_out = _stream_dot(data_vector.T)
    out_t = _epilogue(dot_out, eu_t, em_t, eg_t, ea_t, eo_t, ez_t,
                      genres, T_genres, W1, W2, W3)
    return out_t.reshape(_B, 1)

# --- scband reference (transcript-rebuilt; emitter-appended) ---
"""Pipeline reference for scband-deep-fm-54966991454515 (READ-ONLY COPY).

The authoritative reference and input builder live on the scoring server;
editing this copy changes nothing except your own understanding.
"""

import jax, jax.numpy as jnp
import numpy as np

B = 1024
D = 64
L = 20
VOCABS = {'uid': 100000, 'movieid': 4000, 'gender': 4, 'age': 8, 'occ': 32, 'zip_code': 4000, 'genres': 32}
SUMV = sum(VOCABS.values())
FEATS = ['uid', 'movieid', 'gender', 'age', 'occ', 'zip_code', 'genres']

def prelu(x, a):
    return jnp.maximum(x, 0.0) + a * jnp.minimum(x, 0.0)

def setup_inputs(seed: int = 0):
    key = jax.random.key(seed)
    ks = jax.random.split(key, 24)
    inp = {}
    inp['uid'] = jax.random.randint(ks[0], (B,), 0, VOCABS['uid'])
    inp['movieid'] = jax.random.randint(ks[1], (B,), 0, VOCABS['movieid'])
    inp['gender'] = jax.random.randint(ks[2], (B,), 0, VOCABS['gender'])
    inp['age'] = jax.random.randint(ks[3], (B,), 0, VOCABS['age'])
    inp['occ'] = jax.random.randint(ks[4], (B,), 0, VOCABS['occ'])
    inp['zip_code'] = jax.random.randint(ks[5], (B,), 0, VOCABS['zip_code'])
    inp['genres'] = jax.random.randint(ks[6], (B, L), 0, VOCABS['genres'])
    inp['data_vector'] = jax.random.uniform(ks[7], (B, SUMV), dtype=jnp.float32)
    for i, f in enumerate(FEATS):
        t = jax.random.normal(ks[8 + i], (VOCABS[f], D), dtype=jnp.float32) * 0.05
        t = t.at[0].set(0.0)
        inp['T_' + f] = t
    inp['w'] = jnp.ones((SUMV, 1), dtype=jnp.float32)
    inp['b'] = jnp.zeros((1,), dtype=jnp.float32)
    dims = [7 * D, 64, 32, 1]
    for i in range(3):
        inp['W%d' % (i + 1)] = jax.random.normal(ks[16 + i], (dims[i], dims[i + 1]), dtype=jnp.float32) * (1.0 / np.sqrt(dims[i]))
        inp['bias%d' % (i + 1)] = jnp.zeros((dims[i + 1],), dtype=jnp.float32)
    inp['a1'] = jnp.full((1,), 0.25, dtype=jnp.float32)
    inp['a2'] = jnp.full((1,), 0.25, dtype=jnp.float32)
    return inp

def reference(uid, movieid, gender, age, occ, zip_code, genres, data_vector, T_uid, T_movieid, T_gender, T_age, T_occ, T_zip_code, T_genres, w, b, W1, bias1, W2, bias2, W3, bias3, a1, a2):
    one_stage = data_vector @ w + b
    e_uid = jnp.take(T_uid, uid, axis=0)
    e_movieid = jnp.take(T_movieid, movieid, axis=0)
    e_gender = jnp.take(T_gender, gender, axis=0)
    e_age = jnp.take(T_age, age, axis=0)
    e_occ = jnp.take(T_occ, occ, axis=0)
    e_zip = jnp.take(T_zip_code, zip_code, axis=0)
    e_genres = jnp.mean(jnp.take(T_genres, genres, axis=0), axis=-2)
    embs = [e_uid, e_movieid, e_gender, e_age, e_occ, e_zip, e_genres]
    cat = jnp.stack(embs, axis=1)
    squared_sum_feature_embs = jnp.sum(jnp.square(cat), axis=-1)
    sum_feature_embs = jnp.sum(cat, axis=-1)
    sum_square_feature_embs = jnp.square(sum_feature_embs)
    two_stage = 0.5 * jnp.sum(sum_square_feature_embs - squared_sum_feature_embs, axis=-1, keepdims=True)
    fm_stage = one_stage + two_stage
    concat = jnp.concatenate(embs, axis=-1)
    h = prelu(concat @ W1 + bias1, a1)
    h = prelu(h @ W2 + bias2, a2)
    result = h @ W3 + bias3
    return jax.nn.sigmoid(one_stage + fm_stage + result)

if __name__ == "__main__":
    import jax
    _d = setup_inputs()
    print(jax.jit(kernel)(*tuple(_d.values())))

</pallas_src>

<mosaic_0001>
#map = affine_map<(d0, d1) -> (0, 0)>
#map1 = affine_map<(d0, d1) -> (0)>
module attributes {stable_mosaic.version = 14 : i64} {
  func.func @k(%arg0: i32, %arg1: i32, %arg2: memref<64x100000xf32, #tpu.memory_space<hbm>>, %arg3: memref<64x4000xf32, #tpu.memory_space<hbm>>, %arg4: memref<64x4000xf32, #tpu.memory_space<hbm>>, %arg5: memref<4x64xf32, #tpu.memory_space<hbm>>, %arg6: memref<8x64xf32, #tpu.memory_space<hbm>>, %arg7: memref<32x64xf32, #tpu.memory_space<hbm>>, %arg8: memref<1024xi32, #tpu.memory_space<hbm>>, %arg9: memref<1024xi32, #tpu.memory_space<hbm>>, %arg10: memref<1024xi32, #tpu.memory_space<hbm>>, %arg11: memref<1024xi32, #tpu.memory_space<hbm>>, %arg12: memref<1024xi32, #tpu.memory_space<hbm>>, %arg13: memref<1024xi32, #tpu.memory_space<hbm>>, %arg14: memref<64x1024xf32, #tpu.memory_space<hbm>>, %arg15: memref<64x1024xf32, #tpu.memory_space<hbm>>, %arg16: memref<64x1024xf32, #tpu.memory_space<hbm>>, %arg17: memref<64x1024xf32, #tpu.memory_space<hbm>>, %arg18: memref<64x1024xf32, #tpu.memory_space<hbm>>, %arg19: memref<64x1024xf32, #tpu.memory_space<hbm>>, %arg20: memref<100000xf32, #tpu.memory_space<vmem>>, %arg21: memref<4000xf32, #tpu.memory_space<vmem>>, %arg22: memref<4x64xf32, #tpu.memory_space<vmem>>, %arg23: memref<8x64xf32, #tpu.memory_space<vmem>>, %arg24: memref<32x64xf32, #tpu.memory_space<vmem>>, %arg25: memref<1024xi32, #tpu.memory_space<vmem>>, %arg26: memref<1024xf32, #tpu.memory_space<vmem>>) attributes {dimension_semantics = [#tpu.dimension_semantics<core_parallel>, #tpu.dimension_semantics<subcore_parallel>], iteration_bounds = array<i64: 2, 16>, scalar_prefetch = 0 : i64, scratch_operands = 7 : i64, tpu.core_type = #tpu.core_type<sc_vector_subcore>, window_params = [{transform_indices = #map}, {transform_indices = #map}, {transform_indices = #map}, {transform_indices = #map}, {transform_indices = #map}, {transform_indices = #map}, {transform_indices = #map1}, {transform_indices = #map1}, {transform_indices = #map1}, {transform_indices = #map1}, {transform_indices = #map1}, {transform_indices = #map1}, {transform_indices = #map}, {transform_indices = #map}, {transform_indices = #map}, {transform_indices = #map}, {transform_indices = #map}, {transform_indices = #map}]} {
    %mul3A = arith.constant 2 : i32
    %mul3A_0 = arith.muli %arg1, %mul3A : i32
    %add3A = arith.addi %mul3A_0, %arg0 : i32
    "tpu.region"() ({
      %run_scoped3A = tpu.sem_alloc : memref<!tpu.dma_semaphore, #tpu.memory_space<semaphore_mem>>
      tpu.enqueue_dma source(%arg5 : memref<4x64xf32, #tpu.memory_space<hbm>>) target(%arg22 : memref<4x64xf32, #tpu.memory_space<vmem>>) target_semaphore(%run_scoped3A : memref<!tpu.dma_semaphore, #tpu.memory_space<semaphore_mem>>)
      tpu.wait_dma2 semaphore(%run_scoped3A : memref<!tpu.dma_semaphore, #tpu.memory_space<semaphore_mem>>) src(%arg5 : memref<4x64xf32, #tpu.memory_space<hbm>>) dst(%arg22 : memref<4x64xf32, #tpu.memory_space<vmem>>)
      tpu.yield
    }) : () -> ()
    "tpu.region"() ({
      %run_scoped3A = tpu.sem_alloc : memref<!tpu.dma_semaphore, #tpu.memory_space<semaphore_mem>>
      tpu.enqueue_dma source(%arg6 : memref<8x64xf32, #tpu.memory_space<hbm>>) target(%arg23 : memref<8x64xf32, #tpu.memory_space<vmem>>) target_semaphore(%run_scoped3A : memref<!tpu.dma_semaphore, #tpu.memory_space<semaphore_mem>>)
      tpu.wait_dma2 semaphore(%run_scoped3A : memref<!tpu.dma_semaphore, #tpu.memory_space<semaphore_mem>>) src(%arg6 : memref<8x64xf32, #tpu.memory_space<hbm>>) dst(%arg23 : memref<8x64xf32, #tpu.memory_space<vmem>>)
      tpu.yield
    }) : () -> ()
    "tpu.region"() ({
      %run_scoped3A = tpu.sem_alloc : memref<!tpu.dma_semaphore, #tpu.memory_space<semaphore_mem>>
      tpu.enqueue_dma source(%arg7 : memref<32x64xf32, #tpu.memory_space<hbm>>) target(%arg24 : memref<32x64xf32, #tpu.memory_space<vmem>>) target_semaphore(%run_scoped3A : memref<!tpu.dma_semaphore, #tpu.memory_space<semaphore_mem>>)
      tpu.wait_dma2 semaphore(%run_scoped3A : memref<!tpu.dma_semaphore, #tpu.memory_space<semaphore_mem>>) src(%arg7 : memref<32x64xf32, #tpu.memory_space<hbm>>) dst(%arg24 : memref<32x64xf32, #tpu.memory_space<vmem>>)
      tpu.yield
    }) : () -> ()
    "tpu.region"() ({
      %run_scoped3A = tpu.sem_alloc : memref<!tpu.dma_semaphore, #tpu.memory_space<semaphore_mem>>
      tpu.enqueue_dma source(%arg8 : memref<1024xi32, #tpu.memory_space<hbm>>) target(%arg25 : memref<1024xi32, #tpu.memory_space<vmem>>) target_semaphore(%run_scoped3A : memref<!tpu.dma_semaphore, #tpu.memory_space<semaphore_mem>>)
      tpu.wait_dma2 semaphore(%run_scoped3A : memref<!tpu.dma_semaphore, #tpu.memory_space<semaphore_mem>>) src(%arg8 : memref<1024xi32, #tpu.memory_space<hbm>>) dst(%arg25 : memref<1024xi32, #tpu.memory_space<vmem>>)
      tpu.yield
    }) : () -> ()
    %mul3A_1 = arith.constant 2 : i32
    %mul3A_2 = arith.muli %add3A, %mul3A_1 : i32
    %add3A_3 = arith.constant 0 : i32
    %add3A_4 = arith.addi %mul3A_2, %add3A_3 : i32
    "tpu.region"() ({
      %run_scoped3A = tpu.sem_alloc : memref<!tpu.dma_semaphore, #tpu.memory_space<semaphore_mem>>
      %dma_start3A = arith.constant 0 : i32
      %dma_start3A_120 = tpu.memref_slice %arg20[%dma_start3A] : memref<100000xf32, #tpu.memory_space<vmem>> -> memref<100000xf32, #tpu.memory_space<vmem>>
      %dma_start3A_121 = arith.constant 0 : i32
      %dma_start3A_122 = tpu.memref_slice %arg2[%add3A_4, %dma_start3A_121] : memref<64x100000xf32, #tpu.memory_space<hbm>> -> memref<1x100000xf32, #tpu.memory_space<hbm>>
      %dma_start3A_123 = tpu.memref_squeeze %dma_start3A_122 : memref<1x100000xf32, #tpu.memory_space<hbm>> -> memref<100000xf32, #tpu.memory_space<hbm>>
      %dma_start3A_124 = arith.constant 0 : i32
      %dma_start3A_125 = tpu.memref_slice %arg20[%dma_start3A_124] : memref<100000xf32, #tpu.memory_space<vmem>> -> memref<100000xf32, #tpu.memory_space<vmem>>
      %dma_start3A_126 = arith.constant 0 : i32
      %dma_start3A_127 = tpu.memref_slice %arg2[%add3A_4, %dma_start3A_126] : memref<64x100000xf32, #tpu.memory_space<hbm>> -> memref<1x100000xf32, #tpu.memory_space<hbm>>
      %dma_start3A_128 = tpu.memref_squeeze %dma_start3A_127 : memref<1x100000xf32, #tpu.memory_space<hbm>> -> memref<100000xf32, #tpu.memory_space<hbm>>
      tpu.enqueue_dma source(%dma_start3A_128 : memref<100000xf32, #tpu.memory_space<hbm>>) target(%dma_start3A_125 : memref<100000xf32, #tpu.memory_space<vmem>>) target_semaphore(%run_scoped3A : memref<!tpu.dma_semaphore, #tpu.memory_space<semaphore_mem>>)
      %dma_wait3A = arith.constant 0 : i32
      %dma_wait3A_129 = tpu.memref_slice %arg20[%dma_wait3A] : memref<100000xf32, #tpu.memory_space<vmem>> -> memref<100000xf32, #tpu.memory_space<vmem>>
      %dma_wait3A_130 = arith.constant 0 : i32
      %dma_wait3A_131 = tpu.memref_slice %arg2[%add3A_4, %dma_wait3A_130] : memref<64x100000xf32, #tpu.memory_space<hbm>> -> memref<1x100000xf32, #tpu.memory_space<hbm>>
      %dma_wait3A_132 = tpu.memref_squeeze %dma_wait3A_131 : memref<1x100000xf32, #tpu.memory_space<hbm>> -> memref<100000xf32, #tpu.memory_space<hbm>>
      %dma_wait3A_133 = arith.constant 0 : i32
      %dma_wait3A_134 = tpu.memref_slice %arg20[%dma_wait3A_133] : memref<100000xf32, #tpu.memory_space<vmem>> -> memref<100000xf32, #tpu.memory_space<vmem>>
      %dma_wait3A_135 = arith.constant 0 : i32
      %dma_wait3A_136 = tpu.memref_slice %arg2[%add3A_4, %dma_wait3A_135] : memref<64x100000xf32, #tpu.memory_space<hbm>> -> memref<1x100000xf32, #tpu.memory_space<hbm>>
      %dma_wait3A_137 = tpu.memref_squeeze %dma_wait3A_136 : memref<1x100000xf32, #tpu.memory_space<hbm>> -> memref<100000xf32, #tpu.memory_space<hbm>>
      tpu.wait_dma2 semaphore(%run_scoped3A : memref<!tpu.dma_semaphore, #tpu.memory_space<semaphore_mem>>) src(%dma_wait3A_137 : memref<100000xf32, #tpu.memory_space<hbm>>) dst(%dma_wait3A_134 : memref<100000xf32, #tpu.memory_space<vmem>>)
      tpu.yield
    }) : () -> ()
    %scan3A = arith.constant 0 : i32
    %scan3A_5 = arith.constant 0 : i32
    %scan3A_6 = arith.constant 16 : i32
    %scan3A_7 = arith.addi %scan3A_5, %scan3A_6 : i32
    %scan3A_8 = arith.constant 1 : i32
    scf.for %scan3A_120 = %scan3A_5 to %scan3A_7 step %scan3A_8  : i32 {
      %mul3A_121 = arith.constant 64 : i32
      %mul3A_122 = arith.muli %scan3A_120, %mul3A_121 : i32
      %add3A_123 = arith.constant 0 : i32
      %add3A_124 = arith.addi %mul3A_122, %add3A_123 : i32
      %get3A = arith.index_cast %add3A_124 : i32 to index
      %get3A_125 = tpu.vector_load %arg25[%get3A] {strides = array<i32>} : memref<1024xi32, #tpu.memory_space<vmem>>, vector<16xi32>,
      %gather3A = tpu.vector_load_idx %arg20[%get3A_125] : memref<100000xf32, #tpu.memory_space<vmem>>[vector<16xi32>], vector<16xf32>,
      %swap3A = arith.index_cast %add3A_124 : i32 to index
      %swap3A_126 = tpu.vector_load %arg26[%swap3A] {strides = array<i32>} : memref<1024xf32, #tpu.memory_space<vmem>>, vector<16xf32>,
      tpu.vector_store %arg26[%swap3A], %gather3A {strides = array<i32>} : memref<1024xf32, #tpu.memory_space<vmem>>, vector<16xf32>,
      %mul3A_127 = arith.constant 64 : i32
      %mul3A_128 = arith.muli %scan3A_120, %mul3A_127 : i32
      %add3A_129 = arith.constant 16 : i32
      %add3A_130 = arith.addi %mul3A_128, %add3A_129 : i32
      %get3A_131 = arith.index_cast %add3A_130 : i32 to index
      %get3A_132 = tpu.vector_load %arg25[%get3A_131] {strides = array<i32>} : memref<1024xi32, #tpu.memory_space<vmem>>, vector<16xi32>,
      %gather3A_133 = tpu.vector_load_idx %arg20[%get3A_132] : memref<100000xf32, #tpu.memory_space<vmem>>[vector<16xi32>], vector<16xf32>,
      %swap3A_134 = arith.index_cast %add3A_130 : i32 to index
      %swap3A_135 = tpu.vector_load %arg26[%swap3A_134] {strides = array<i32>} : memref<1024xf32, #tpu.memory_space<vmem>>, vector<16xf32>,
      tpu.vector_store %arg26[%swap3A_134], %gather3A_133 {strides = array<i32>} : memref<1024xf32, #tpu.memory_space<vmem>>, vector<16xf32>,
      %mul3A_136 = arith.constant 64 : i32
      %mul3A_137 = arith.muli %scan3A_120, %mul3A_136 : i32
      %add3A_138 = arith.constant 32 : i32
      %add3A_139 = arith.addi %mul3A_137, %add3A_138 : i32
      %get3A_140 = arith.index_cast %add3A_139 : i32 to index
      %get3A_141 = tpu.vector_load %arg25[%get3A_140] {strides = array<i32>} : memref<1024xi32, #tpu.memory_space<vmem>>, vector<16xi32>,
      %gather3A_142 = tpu.vector_load_idx %arg20[%get3A_141] : memref<100000xf32, #tpu.memory_space<vmem>>[vector<16xi32>], vector<16xf32>,
      %swap3A_143 = arith.index_cast %add3A_139 : i32 to index
      %swap3A_144 = tpu.vector_load %arg26[%swap3A_143] {strides = array<i32>} : memref<1024xf32, #tpu.memory_space<vmem>>, vector<16xf32>,
      tpu.vector_store %arg26[%swap3A_143], %gather3A_142 {strides = array<i32>} : memref<1024xf32, #tpu.memory_space<vmem>>, vector<16xf32>,
      %mul3A_145 = arith.constant 64 : i32
      %mul3A_146 = arith.muli %scan3A_120, %mul3A_145 : i32
      %add3A_147 = arith.constant 48 : i32
      %add3A_148 = arith.addi %mul3A_146, %add3A_147 : i32
      %get3A_149 = arith.index_cast %add3A_148 : i32 to index
      %get3A_150 = tpu.vector_load %arg25[%get3A_149] {strides = array<i32>} : memref<1024xi32, #tpu.memory_space<vmem>>, vector<16xi32>,
      %gather3A_151 = tpu.vector_load_idx %arg20[%get3A_150] : memref<100000xf32, #tpu.memory_space<vmem>>[vector<16xi32>], vector<16xf32>,
      %swap3A_152 = arith.index_cast %add3A_148 : i32 to index
      %swap3A_153 = tpu.vector_load %arg26[%swap3A_152] {strides = array<i32>} : memref<1024xf32, #tpu.memory_space<vmem>>, vector<16xf32>,
      tpu.vector_store %arg26[%swap3A_152], %gather3A_151 {strides = array<i32>} : memref<1024xf32, #tpu.memory_space<vmem>>, vector<16xf32>,
    }
    %scan3A_9 = arith.constant 16 : i32
    "tpu.region"() ({
      %run_scoped3A = tpu.sem_alloc : memref<!tpu.dma_semaphore, #tpu.memory_space<semaphore_mem>>
      %dma_start3A = arith.constant 0 : i32
      %dma_start3A_120 = tpu.memref_slice %arg14[%add3A_4, %dma_start3A] : memref<64x1024xf32, #tpu.memory_space<hbm>> -> memref<1x1024xf32, #tpu.memory_space<hbm>>
      %dma_start3A_121 = tpu.memref_squeeze %dma_start3A_120 : memref<1x1024xf32, #tpu.memory_space<hbm>> -> memref<1024xf32, #tpu.memory_space<hbm>>
      %dma_start3A_122 = arith.constant 0 : i32
      %dma_start3A_123 = tpu.memref_slice %arg14[%add3A_4, %dma_start3A_122] : memref<64x1024xf32, #tpu.memory_space<hbm>> -> memref<1x1024xf32, #tpu.memory_space<hbm>>
      %dma_start3A_124 = tpu.memref_squeeze %dma_start3A_123 : memref<1x1024xf32, #tpu.memory_space<hbm>> -> memref<1024xf32, #tpu.memory_space<hbm>>
      tpu.enqueue_dma source(%arg26 : memref<1024xf32, #tpu.memory_space<vmem>>) target(%dma_start3A_124 : memref<1024xf32, #tpu.memory_space<hbm>>) target_semaphore(%run_scoped3A : memref<!tpu.dma_semaphore, #tpu.memory_space<semaphore_mem>>)
      %dma_wait3A = arith.constant 0 : i32
      %dma_wait3A_125 = tpu.memref_slice %arg14[%add3A_4, %dma_wait3A] : memref<64x1024xf32, #tpu.memory_space<hbm>> -> memref<1x1024xf32, #tpu.memory_space<hbm>>
      %dma_wait3A_126 = tpu.memref_squeeze %dma_wait3A_125 : memref<1x1024xf32, #tpu.memory_space<hbm>> -> memref<1024xf32, #tpu.memory_space<hbm>>
      %dma_wait3A_127 = arith.constant 0 : i32
      %dma_wait3A_128 = tpu.memref_slice %arg14[%add3A_4, %dma_wait3A_127] : memref<64x1024xf32, #tpu.memory_space<hbm>> -> memref<1x1024xf32, #tpu.memory_space<hbm>>
      %dma_wait3A_129 = tpu.memref_squeeze %dma_wait3A_128 : memref<1x1024xf32, #tpu.memory_space<hbm>> -> memref<1024xf32, #tpu.memory_space<hbm>>
      tpu.wait_dma2 semaphore(%run_scoped3A : memref<!tpu.dma_semaphore, #tpu.memory_space<semaphore_mem>>) src(%arg26 : memref<1024xf32, #tpu.memory_space<vmem>>) dst(%dma_wait3A_129 : memref<1024xf32, #tpu.memory_space<hbm>>)
      tpu.yield
    }) : () -> ()
    %mul3A_10 = arith.constant 2 : i32
    %mul3A_11 = arith.muli %add3A, %mul3A_10 : i32
    %add3A_12 = arith.constant 1 : i32
    %add3A_13 = arith.addi %mul3A_11, %add3A_12 : i32
    "tpu.region"() ({
      %run_scoped3A = tpu.sem_alloc : memref<!tpu.dma_semaphore, #tpu.memory_space<semaphore_mem>>
      %dma_start3A = arith.constant 0 : i32
      %dma_start3A_120 = tpu.memref_slice %arg20[%dma_start3A] : memref<100000xf32, #tpu.memory_space<vmem>> -> memref<100000xf32, #tpu.memory_space<vmem>>
      %dma_start3A_121 = arith.constant 0 : i32
      %dma_start3A_122 = tpu.memref_slice %arg2[%add3A_13, %dma_start3A_121] : memref<64x100000xf32, #tpu.memory_space<hbm>> -> memref<1x100000xf32, #tpu.memory_space<hbm>>
      %dma_start3A_123 = tpu.memref_squeeze %dma_start3A_122 : memref<1x100000xf32, #tpu.memory_space<hbm>> -> memref<100000xf32, #tpu.memory_space<hbm>>
      %dma_start3A_124 = arith.constant 0 : i32
      %dma_start3A_125 = tpu.memref_slice %arg20[%dma_start3A_124] : memref<100000xf32, #tpu.memory_space<vmem>> -> memref<100000xf32, #tpu.memory_space<vmem>>
      %dma_start3A_126 = arith.constant 0 : i32
      %dma_start3A_127 = tpu.memref_slice %arg2[%add3A_13, %dma_start3A_126] : memref<64x100000xf32, #tpu.memory_space<hbm>> -> memref<1x100000xf32, #tpu.memory_space<hbm>>
      %dma_start3A_128 = tpu.memref_squeeze %dma_start3A_127 : memref<1x100000xf32, #tpu.memory_space<hbm>> -> memref<100000xf32, #tpu.memory_space<hbm>>
      tpu.enqueue_dma source(%dma_start3A_128 : memref<100000xf32, #tpu.memory_space<hbm>>) target(%dma_start3A_125 : memref<100000xf32, #tpu.memory_space<vmem>>) target_semaphore(%run_scoped3A : memref<!tpu.dma_semaphore, #tpu.memory_space<semaphore_mem>>)
      %dma_wait3A = arith.constant 0 : i32
      %dma_wait3A_129 = tpu.memref_slice %arg20[%dma_wait3A] : memref<100000xf32, #tpu.memory_space<vmem>> -> memref<100000xf32, #tpu.memory_space<vmem>>
      %dma_wait3A_130 = arith.constant 0 : i32
      %dma_wait3A_131 = tpu.memref_slice %arg2[%add3A_13, %dma_wait3A_130] : memref<64x100000xf32, #tpu.memory_space<hbm>> -> memref<1x100000xf32, #tpu.memory_space<hbm>>
      %dma_wait3A_132 = tpu.memref_squeeze %dma_wait3A_131 : memref<1x100000xf32, #tpu.memory_space<hbm>> -> memref<100000xf32, #tpu.memory_space<hbm>>
      %dma_wait3A_133 = arith.constant 0 : i32
      %dma_wait3A_134 = tpu.memref_slice %arg20[%dma_wait3A_133] : memref<100000xf32, #tpu.memory_space<vmem>> -> memref<100000xf32, #tpu.memory_space<vmem>>
      %dma_wait3A_135 = arith.constant 0 : i32
      %dma_wait3A_136 = tpu.memref_slice %arg2[%add3A_13, %dma_wait3A_135] : memref<64x100000xf32, #tpu.memory_space<hbm>> -> memref<1x100000xf32, #tpu.memory_space<hbm>>
      %dma_wait3A_137 = tpu.memref_squeeze %dma_wait3A_136 : memref<1x100000xf32, #tpu.memory_space<hbm>> -> memref<100000xf32, #tpu.memory_space<hbm>>
      tpu.wait_dma2 semaphore(%run_scoped3A : memref<!tpu.dma_semaphore, #tpu.memory_space<semaphore_mem>>) src(%dma_wait3A_137 : memref<100000xf32, #tpu.memory_space<hbm>>) dst(%dma_wait3A_134 : memref<100000xf32, #tpu.memory_space<vmem>>)
      tpu.yield
    }) : () -> ()
    %scan3A_14 = arith.constant 0 : i32
    %scan3A_15 = arith.constant 0 : i32
    %scan3A_16 = arith.constant 16 : i32
    %scan3A_17 = arith.addi %scan3A_15, %scan3A_16 : i32
    %scan3A_18 = arith.constant 1 : i32
    scf.for %scan3A_120 = %scan3A_15 to %scan3A_17 step %scan3A_18  : i32 {
      %mul3A_121 = arith.constant 64 : i32
      %mul3A_122 = arith.muli %scan3A_120, %mul3A_121 : i32
      %add3A_123 = arith.constant 0 : i32
      %add3A_124 = arith.addi %mul3A_122, %add3A_123 : i32
      %get3A = arith.index_cast %add3A_124 : i32 to index
      %get3A_125 = tpu.vector_load %arg25[%get3A] {strides = array<i32>} : memref<1024xi32, #tpu.memory_space<vmem>>, vector<16xi32>,
      %gather3A = tpu.vector_load_idx %arg20[%get3A_125] : memref<100000xf32, #tpu.memory_space<vmem>>[vector<16xi32>], vector<16xf32>,
      %swap3A = arith.index_cast %add3A_124 : i32 to index
      %swap3A_126 = tpu.vector_load %arg26[%swap3A] {strides = array<i32>} : memref<1024xf32, #tpu.memory_space<vmem>>, vector<16xf32>,
      tpu.vector_store %arg26[%swap3A], %gather3A {strides = array<i32>} : memref<1024xf32, #tpu.memory_space<vmem>>, vector<16xf32>,
      %mul3A_127 = arith.constant 64 : i32
      %mul3A_128 = arith.muli %scan3A_120, %mul3A_127 : i32
      %add3A_129 = arith.constant 16 : i32
      %add3A_130 = arith.addi %mul3A_128, %add3A_129 : i32
      %get3A_131 = arith.index_cast %add3A_130 : i32 to index
      %get3A_132 = tpu.vector_load %arg25[%get3A_131] {strides = array<i32>} : memref<1024xi32, #tpu.memory_space<vmem>>, vector<16xi32>,
      %gather3A_133 = tpu.vector_load_idx %arg20[%get3A_132] : memref<100000xf32, #tpu.memory_space<vmem>>[vector<16xi32>], vector<16xf32>,
      %swap3A_134 = arith.index_cast %add3A_130 : i32 to index
      %swap3A_135 = tpu.vector_load %arg26[%swap3A_134] {strides = array<i32>} : memref<1024xf32, #tpu.memory_space<vmem>>, vector<16xf32>,
      tpu.vector_store %arg26[%swap3A_134], %gather3A_133 {strides = array<i32>} : memref<1024xf32, #tpu.memory_space<vmem>>, vector<16xf32>,
      %mul3A_136 = arith.constant 64 : i32
      %mul3A_137 = arith.muli %scan3A_120, %mul3A_136 : i32
      %add3A_138 = arith.constant 32 : i32
      %add3A_139 = arith.addi %mul3A_137, %add3A_138 : i32
      %get3A_140 = arith.index_cast %add3A_139 : i32 to index
      %get3A_141 = tpu.vector_load %arg25[%get3A_140] {strides = array<i32>} : memref<1024xi32, #tpu.memory_space<vmem>>, vector<16xi32>,
      %gather3A_142 = tpu.vector_load_idx %arg20[%get3A_141] : memref<100000xf32, #tpu.memory_space<vmem>>[vector<16xi32>], vector<16xf32>,
      %swap3A_143 = arith.index_cast %add3A_139 : i32 to index
      %swap3A_144 = tpu.vector_load %arg26[%swap3A_143] {strides = array<i32>} : memref<1024xf32, #tpu.memory_space<vmem>>, vector<16xf32>,
      tpu.vector_store %arg26[%swap3A_143], %gather3A_142 {strides = array<i32>} : memref<1024xf32, #tpu.memory_space<vmem>>, vector<16xf32>,
      %mul3A_145 = arith.constant 64 : i32
      %mul3A_146 = arith.muli %scan3A_120, %mul3A_145 : i32
      %add3A_147 = arith.constant 48 : i32
      %add3A_148 = arith.addi %mul3A_146, %add3A_147 : i32
      %get3A_149 = arith.index_cast %add3A_148 : i32 to index
      %get3A_150 = tpu.vector_load %arg25[%get3A_149] {strides = array<i32>} : memref<1024xi32, #tpu.memory_space<vmem>>, vector<16xi32>,
      %gather3A_151 = tpu.vector_load_idx %arg20[%get3A_150] : memref<100000xf32, #tpu.memory_space<vmem>>[vector<16xi32>], vector<16xf32>,
      %swap3A_152 = arith.index_cast %add3A_148 : i32 to index
      %swap3A_153 = tpu.vector_load %arg26[%swap3A_152] {strides = array<i32>} : memref<1024xf32, #tpu.memory_space<vmem>>, vector<16xf32>,
      tpu.vector_store %arg26[%swap3A_152], %gather3A_151 {strides = array<i32>} : memref<1024xf32, #tpu.memory_space<vmem>>, vector<16xf32>,
    }
    %scan3A_19 = arith.constant 16 : i32
    "tpu.region"() ({
      %run_scoped3A = tpu.sem_alloc : memref<!tpu.dma_semaphore, #tpu.memory_space<semaphore_mem>>
      %dma_start3A = arith.constant 0 : i32
      %dma_start3A_120 = tpu.memref_slice %arg14[%add3A_13, %dma_start3A] : memref<64x1024xf32, #tpu.memory_space<hbm>> -> memref<1x1024xf32, #tpu.memory_space<hbm>>
      %dma_start3A_121 = tpu.memref_squeeze %dma_start3A_120 : memref<1x1024xf32, #tpu.memory_space<hbm>> -> memref<1024xf32, #tpu.memory_space<hbm>>
      %dma_start3A_122 = arith.constant 0 : i32
      %dma_start3A_123 = tpu.memref_slice %arg14[%add3A_13, %dma_start3A_122] : memref<64x1024xf32, #tpu.memory_space<hbm>> -> memref<1x1024xf32, #tpu.memory_space<hbm>>
      %dma_start3A_124 = tpu.memref_squeeze %dma_start3A_123 : memref<1x1024xf32, #tpu.memory_space<hbm>> -> memref<1024xf32, #tpu.memory_space<hbm>>
      tpu.enqueue_dma source(%arg26 : memref<1024xf32, #tpu.memory_space<vmem>>) target(%dma_start3A_124 : memref<1024xf32, #tpu.memory_space<hbm>>) target_semaphore(%run_scoped3A : memref<!tpu.dma_semaphore, #tpu.memory_space<semaphore_mem>>)
      %dma_wait3A = arith.constant 0 : i32
      %dma_wait3A_125 = tpu.memref_slice %arg14[%add3A_13, %dma_wait3A] : memref<64x1024xf32, #tpu.memory_space<hbm>> -> memref<1x1024xf32, #tpu.memory_space<hbm>>
      %dma_wait3A_126 = tpu.memref_squeeze %dma_wait3A_125 : memref<1x1024xf32, #tpu.memory_space<hbm>> -> memref<1024xf32, #tpu.memory_space<hbm>>
      %dma_wait3A_127 = arith.constant 0 : i32
      %dma_wait3A_128 = tpu.memref_slice %arg14[%add3A_13, %dma_wait3A_127] : memref<64x1024xf32, #tpu.memory_space<hbm>> -> memref<1x1024xf32, #tpu.memory_space<hbm>>
      %dma_wait3A_129 = tpu.memref_squeeze %dma_wait3A_128 : memref<1x1024xf32, #tpu.memory_space<hbm>> -> memref<1024xf32, #tpu.memory_space<hbm>>
      tpu.wait_dma2 semaphore(%run_scoped3A : memref<!tpu.dma_semaphore, #tpu.memory_space<semaphore_mem>>) src(%arg26 : memref<1024xf32, #tpu.memory_space<vmem>>) dst(%dma_wait3A_129 : memref<1024xf32, #tpu.memory_space<hbm>>)
      tpu.yield
    }) : () -> ()
    "tpu.region"() ({
      %run_scoped3A = tpu.sem_alloc : memref<!tpu.dma_semaphore, #tpu.memory_space<semaphore_mem>>
      tpu.enqueue_dma source(%arg9 : memref<1024xi32, #tpu.memory_space<hbm>>) target(%arg25 : memref<1024xi32, #tpu.memory_space<vmem>>) target_semaphore(%run_scoped3A : memref<!tpu.dma_semaphore, #tpu.memory_space<semaphore_mem>>)
      tpu.wait_dma2 semaphore(%run_scoped3A : memref<!tpu.dma_semaphore, #tpu.memory_space<semaphore_mem>>) src(%arg9 : memref<1024xi32, #tpu.memory_space<hbm>>) dst(%arg25 : memref<1024xi32, #tpu.memory_space<vmem>>)
      tpu.yield
    }) : () -> ()
    %mul3A_20 = arith.constant 2 : i32
    %mul3A_21 = arith.muli %add3A, %mul3A_20 : i32
    %add3A_22 = arith.constant 0 : i32
    %add3A_23 = arith.addi %mul3A_21, %add3A_22 : i32
    "tpu.region"() ({
      %run_scoped3A = tpu.sem_alloc : memref<!tpu.dma_semaphore, #tpu.memory_space<semaphore_mem>>
      %dma_start3A = arith.constant 0 : i32
      %dma_start3A_120 = tpu.memref_slice %arg21[%dma_start3A] : memref<4000xf32, #tpu.memory_space<vmem>> -> memref<4000xf32, #tpu.memory_space<vmem>>
      %dma_start3A_121 = arith.constant 0 : i32
      %dma_start3A_122 = tpu.memref_slice %arg3[%add3A_23, %dma_start3A_121] : memref<64x4000xf32, #tpu.memory_space<hbm>> -> memref<1x4000xf32, #tpu.memory_space<hbm>>
      %dma_start3A_123 = tpu.memref_squeeze %dma_start3A_122 : memref<1x4000xf32, #tpu.memory_space<hbm>> -> memref<4000xf32, #tpu.memory_space<hbm>>
      %dma_start3A_124 = arith.constant 0 : i32
      %dma_start3A_125 = tpu.memref_slice %arg21[%dma_start3A_124] : memref<4000xf32, #tpu.memory_space<vmem>> -> memref<4000xf32, #tpu.memory_space<vmem>>
      %dma_start3A_126 = arith.constant 0 : i32
      %dma_start3A_127 = tpu.memref_slice %arg3[%add3A_23, %dma_start3A_126] : memref<64x4000xf32, #tpu.memory_space<hbm>> -> memref<1x4000xf32, #tpu.memory_space<hbm>>
      %dma_start3A_128 = tpu.memref_squeeze %dma_start3A_127 : memref<1x4000xf32, #tpu.memory_space<hbm>> -> memref<4000xf32, #tpu.memory_space<hbm>>
      tpu.enqueue_dma source(%dma_start3A_128 : memref<4000xf32, #tpu.memory_space<hbm>>) target(%dma_start3A_125 : memref<4000xf32, #tpu.memory_space<vmem>>) target_semaphore(%run_scoped3A : memref<!tpu.dma_semaphore, #tpu.memory_space<semaphore_mem>>)
      %dma_wait3A = arith.constant 0 : i32
      %dma_wait3A_129 = tpu.memref_slice %arg21[%dma_wait3A] : memref<4000xf32, #tpu.memory_space<vmem>> -> memref<4000xf32, #tpu.memory_space<vmem>>
      %dma_wait3A_130 = arith.constant 0 : i32
      %dma_wait3A_131 = tpu.memref_slice %arg3[%add3A_23, %dma_wait3A_130] : memref<64x4000xf32, #tpu.memory_space<hbm>> -> memref<1x4000xf32, #tpu.memory_space<hbm>>
      %dma_wait3A_132 = tpu.memref_squeeze %dma_wait3A_131 : memref<1x4000xf32, #tpu.memory_space<hbm>> -> memref<4000xf32, #tpu.memory_space<hbm>>
      %dma_wait3A_133 = arith.constant 0 : i32
      %dma_wait3A_134 = tpu.memref_slice %arg21[%dma_wait3A_133] : memref<4000xf32, #tpu.memory_space<vmem>> -> memref<4000xf32, #tpu.memory_space<vmem>>
      %dma_wait3A_135 = arith.constant 0 : i32
      %dma_wait3A_136 = tpu.memref_slice %arg3[%add3A_23, %dma_wait3A_135] : memref<64x4000xf32, #tpu.memory_space<hbm>> -> memref<1x4000xf32, #tpu.memory_space<hbm>>
      %dma_wait3A_137 = tpu.memref_squeeze %dma_wait3A_136 : memref<1x4000xf32, #tpu.memory_space<hbm>> -> memref<4000xf32, #tpu.memory_space<hbm>>
      tpu.wait_dma2 semaphore(%run_scoped3A : memref<!tpu.dma_semaphore, #tpu.memory_space<semaphore_mem>>) src(%dma_wait3A_137 : memref<4000xf32, #tpu.memory_space<hbm>>) dst(%dma_wait3A_134 : memref<4000xf32, #tpu.memory_space<vmem>>)
      tpu.yield
    }) : () -> ()
    %scan3A_24 = arith.constant 0 : i32
    %scan3A_25 = arith.constant 0 : i32
    %scan3A_26 = arith.constant 16 : i32
    %scan3A_27 = arith.addi %scan3A_25, %scan3A_26 : i32
    %scan3A_28 = arith.constant 1 : i32
    scf.for %scan3A_120 = %scan3A_25 to %scan3A_27 step %scan3A_28  : i32 {
      %mul3A_121 = arith.constant 64 : i32
      %mul3A_122 = arith.muli %scan3A_120, %mul3A_121 : i32
      %add3A_123 = arith.constant 0 : i32
      %add3A_124 = arith.addi %mul3A_122, %add3A_123 : i32
      %get3A = arith.index_cast %add3A_124 : i32 to index
      %get3A_125 = tpu.vector_load %arg25[%get3A] {strides = array<i32>} : memref<1024xi32, #tpu.memory_space<vmem>>, vector<16xi32>,
      %gather3A = tpu.vector_load_idx %arg21[%get3A_125] : memref<4000xf32, #tpu.memory_space<vmem>>[vector<16xi32>], vector<16xf32>,
      %swap3A = arith.index_cast %add3A_124 : i32 to index
      %swap3A_126 = tpu.vector_load %arg26[%swap3A] {strides = array<i32>} : memref<1024xf32, #tpu.memory_space<vmem>>, vector<16xf32>,
      tpu.vector_store %arg26[%swap3A], %gather3A {strides = array<i32>} : memref<1024xf32, #tpu.memory_space<vmem>>, vector<16xf32>,
      %mul3A_127 = arith.constant 64 : i32
      %mul3A_128 = arith.muli %scan3A_120, %mul3A_127 : i32
      %add3A_129 = arith.constant 16 : i32
      %add3A_130 = arith.addi %mul3A_128, %add3A_129 : i32
      %get3A_131 = arith.index_cast %add3A_130 : i32 to index
      %get3A_132 = tpu.vector_load %arg25[%get3A_131] {strides = array<i32>} : memref<1024xi32, #tpu.memory_space<vmem>>, vector<16xi32>,
      %gather3A_133 = tpu.vector_load_idx %arg21[%get3A_132] : memref<4000xf32, #tpu.memory_space<vmem>>[vector<16xi32>], vector<16xf32>,
      %swap3A_134 = arith.index_cast %add3A_130 : i32 to index
      %swap3A_135 = tpu.vector_load %arg26[%swap3A_134] {strides = array<i32>} : memref<1024xf32, #tpu.memory_space<vmem>>, vector<16xf32>,
      tpu.vector_store %arg26[%swap3A_134], %gather3A_133 {strides = array<i32>} : memref<1024xf32, #tpu.memory_space<vmem>>, vector<16xf32>,
      %mul3A_136 = arith.constant 64 : i32
      %mul3A_137 = arith.muli %scan3A_120, %mul3A_136 : i32
      %add3A_138 = arith.constant 32 : i32
      %add3A_139 = arith.addi %mul3A_137, %add3A_138 : i32
      %get3A_140 = arith.index_cast %add3A_139 : i32 to index
      %get3A_141 = tpu.vector_load %arg25[%get3A_140] {strides = array<i32>} : memref<1024xi32, #tpu.memory_space<vmem>>, vector<16xi32>,
      %gather3A_142 = tpu.vector_load_idx %arg21[%get3A_141] : memref<4000xf32, #tpu.memory_space<vmem>>[vector<16xi32>], vector<16xf32>,
      %swap3A_143 = arith.index_cast %add3A_139 : i32 to index
      %swap3A_144 = tpu.vector_load %arg26[%swap3A_143] {strides = array<i32>} : memref<1024xf32, #tpu.memory_space<vmem>>, vector<16xf32>,
      tpu.vector_store %arg26[%swap3A_143], %gather3A_142 {strides = array<i32>} : memref<1024xf32, #tpu.memory_space<vmem>>, vector<16xf32>,
      %mul3A_145 = arith.constant 64 : i32
      %mul3A_146 = arith.muli %scan3A_120, %mul3A_145 : i32
      %add3A_147 = arith.constant 48 : i32
      %add3A_148 = arith.addi %mul3A_146, %add3A_147 : i32
      %get3A_149 = arith.index_cast %add3A_148 : i32 to index
      %get3A_150 = tpu.vector_load %arg25[%get3A_149] {strides = array<i32>} : memref<1024xi32, #tpu.memory_space<vmem>>, vector<16xi32>,
      %gather3A_151 = tpu.vector_load_idx %arg21[%get3A_150] : memref<4000xf32, #tpu.memory_space<vmem>>[vector<16xi32>], vector<16xf32>,
      %swap3A_152 = arith.index_cast %add3A_148 : i32 to index
      %swap3A_153 = tpu.vector_load %arg26[%swap3A_152] {strides = array<i32>} : memref<1024xf32, #tpu.memory_space<vmem>>, vector<16xf32>,
      tpu.vector_store %arg26[%swap3A_152], %gather3A_151 {strides = array<i32>} : memref<1024xf32, #tpu.memory_space<vmem>>, vector<16xf32>,
    }
    %scan3A_29 = arith.constant 16 : i32
    "tpu.region"() ({
      %run_scoped3A = tpu.sem_alloc : memref<!tpu.dma_semaphore, #tpu.memory_space<semaphore_mem>>
      %dma_start3A = arith.constant 0 : i32
      %dma_start3A_120 = tpu.memref_slice %arg15[%add3A_23, %dma_start3A] : memref<64x1024xf32, #tpu.memory_space<hbm>> -> memref<1x1024xf32, #tpu.memory_space<hbm>>
      %dma_start3A_121 = tpu.memref_squeeze %dma_start3A_120 : memref<1x1024xf32, #tpu.memory_space<hbm>> -> memref<1024xf32, #tpu.memory_space<hbm>>
      %dma_start3A_122 = arith.constant 0 : i32
      %dma_start3A_123 = tpu.memref_slice %arg15[%add3A_23, %dma_start3A_122] : memref<64x1024xf32, #tpu.memory_space<hbm>> -> memref<1x1024xf32, #tpu.memory_space<hbm>>
      %dma_start3A_124 = tpu.memref_squeeze %dma_start3A_123 : memref<1x1024xf32, #tpu.memory_space<hbm>> -> memref<1024xf32, #tpu.memory_space<hbm>>
      tpu.enqueue_dma source(%arg26 : memref<1024xf32, #tpu.memory_space<vmem>>) target(%dma_start3A_124 : memref<1024xf32, #tpu.memory_space<hbm>>) target_semaphore(%run_scoped3A : memref<!tpu.dma_semaphore, #tpu.memory_space<semaphore_mem>>)
      %dma_wait3A = arith.constant 0 : i32
      %dma_wait3A_125 = tpu.memref_slice %arg15[%add3A_23, %dma_wait3A] : memref<64x1024xf32, #tpu.memory_space<hbm>> -> memref<1x1024xf32, #tpu.memory_space<hbm>>
      %dma_wait3A_126 = tpu.memref_squeeze %dma_wait3A_125 : memref<1x1024xf32, #tpu.memory_space<hbm>> -> memref<1024xf32, #tpu.memory_space<hbm>>
      %dma_wait3A_127 = arith.constant 0 : i32
      %dma_wait3A_128 = tpu.memref_slice %arg15[%add3A_23, %dma_wait3A_127] : memref<64x1024xf32, #tpu.memory_space<hbm>> -> memref<1x1024xf32, #tpu.memory_space<hbm>>
      %dma_wait3A_129 = tpu.memref_squeeze %dma_wait3A_128 : memref<1x1024xf32, #tpu.memory_space<hbm>> -> memref<1024xf32, #tpu.memory_space<hbm>>
      tpu.wait_dma2 semaphore(%run_scoped3A : memref<!tpu.dma_semaphore, #tpu.memory_space<semaphore_mem>>) src(%arg26 : memref<1024xf32, #tpu.memory_space<vmem>>) dst(%dma_wait3A_129 : memref<1024xf32, #tpu.memory_space<hbm>>)
      tpu.yield
    }) : () -> ()
    %mul3A_30 = arith.constant 2 : i32
    %mul3A_31 = arith.muli %add3A, %mul3A_30 : i32
    %add3A_32 = arith.constant 1 : i32
    %add3A_33 = arith.addi %mul3A_31, %add3A_32 : i32
    "tpu.region"() ({
      %run_scoped3A = tpu.sem_alloc : memref<!tpu.dma_semaphore, #tpu.memory_space<semaphore_mem>>
      %dma_start3A = arith.constant 0 : i32
      %dma_start3A_120 = tpu.memref_slice %arg21[%dma_start3A] : memref<4000xf32, #tpu.memory_space<vmem>> -> memref<4000xf32, #tpu.memory_space<vmem>>
      %dma_start3A_121 = arith.constant 0 : i32
      %dma_start3A_122 = tpu.memref_slice %arg3[%add3A_33, %dma_start3A_121] : memref<64x4000xf32, #tpu.memory_space<hbm>> -> memref<1x4000xf32, #tpu.memory_space<hbm>>
      %dma_start3A_123 = tpu.memref_squeeze %dma_start3A_122 : memref<1x4000xf32, #tpu.memory_space<hbm>> -> memref<4000xf32, #tpu.memory_space<hbm>>
      %dma_start3A_124 = arith.constant 0 : i32
      %dma_start3A_125 = tpu.memref_slice %arg21[%dma_start3A_124] : memref<4000xf32, #tpu.memory_space<vmem>> -> memref<4000xf32, #tpu.memory_space<vmem>>
      %dma_start3A_126 = arith.constant 0 : i32
      %dma_start3A_127 = tpu.memref_slice %arg3[%add3A_33, %dma_start3A_126] : memref<64x4000xf32, #tpu.memory_space<hbm>> -> memref<1x4000xf32, #tpu.memory_space<hbm>>
      %dma_start3A_128 = tpu.memref_squeeze %dma_start3A_127 : memref<1x4000xf32, #tpu.memory_space<hbm>> -> memref<4000xf32, #tpu.memory_space<hbm>>
      tpu.enqueue_dma source(%dma_start3A_128 : memref<4000xf32, #tpu.memory_space<hbm>>) target(%dma_start3A_125 : memref<4000xf32, #tpu.memory_space<vmem>>) target_semaphore(%run_scoped3A : memref<!tpu.dma_semaphore, #tpu.memory_space<semaphore_mem>>)
      %dma_wait3A = arith.constant 0 : i32
      %dma_wait3A_129 = tpu.memref_slice %arg21[%dma_wait3A] : memref<4000xf32, #tpu.memory_space<vmem>> -> memref<4000xf32, #tpu.memory_space<vmem>>
      %dma_wait3A_130 = arith.constant 0 : i32
      %dma_wait3A_131 = tpu.memref_slice %arg3[%add3A_33, %dma_wait3A_130] : memref<64x4000xf32, #tpu.memory_space<hbm>> -> memref<1x4000xf32, #tpu.memory_space<hbm>>
      %dma_wait3A_132 = tpu.memref_squeeze %dma_wait3A_131 : memref<1x4000xf32, #tpu.memory_space<hbm>> -> memref<4000xf32, #tpu.memory_space<hbm>>
      %dma_wait3A_133 = arith.constant 0 : i32
      %dma_wait3A_134 = tpu.memref_slice %arg21[%dma_wait3A_133] : memref<4000xf32, #tpu.memory_space<vmem>> -> memref<4000xf32, #tpu.memory_space<vmem>>
      %dma_wait3A_135 = arith.constant 0 : i32
      %dma_wait3A_136 = tpu.memref_slice %arg3[%add3A_33, %dma_wait3A_135] : memref<64x4000xf32, #tpu.memory_space<hbm>> -> memref<1x4000xf32, #tpu.memory_space<hbm>>
      %dma_wait3A_137 = tpu.memref_squeeze %dma_wait3A_136 : memref<1x4000xf32, #tpu.memory_space<hbm>> -> memref<4000xf32, #tpu.memory_space<hbm>>
      tpu.wait_dma2 semaphore(%run_scoped3A : memref<!tpu.dma_semaphore, #tpu.memory_space<semaphore_mem>>) src(%dma_wait3A_137 : memref<4000xf32, #tpu.memory_space<hbm>>) dst(%dma_wait3A_134 : memref<4000xf32, #tpu.memory_space<vmem>>)
      tpu.yield
    }) : () -> ()
    %scan3A_34 = arith.constant 0 : i32
    %scan3A_35 = arith.constant 0 : i32
    %scan3A_36 = arith.constant 16 : i32
    %scan3A_37 = arith.addi %scan3A_35, %scan3A_36 : i32
    %scan3A_38 = arith.constant 1 : i32
    scf.for %scan3A_120 = %scan3A_35 to %scan3A_37 step %scan3A_38  : i32 {
      %mul3A_121 = arith.constant 64 : i32
      %mul3A_122 = arith.muli %scan3A_120, %mul3A_121 : i32
      %add3A_123 = arith.constant 0 : i32
      %add3A_124 = arith.addi %mul3A_122, %add3A_123 : i32
      %get3A = arith.index_cast %add3A_124 : i32 to index
      %get3A_125 = tpu.vector_load %arg25[%get3A] {strides = array<i32>} : memref<1024xi32, #tpu.memory_space<vmem>>, vector<16xi32>,
      %gather3A = tpu.vector_load_idx %arg21[%get3A_125] : memref<4000xf32, #tpu.memory_space<vmem>>[vector<16xi32>], vector<16xf32>,
      %swap3A = arith.index_cast %add3A_124 : i32 to index
      %swap3A_126 = tpu.vector_load %arg26[%swap3A] {strides = array<i32>} : memref<1024xf32, #tpu.memory_space<vmem>>, vector<16xf32>,
      tpu.vector_store %arg26[%swap3A], %gather3A {strides = array<i32>} : memref<1024xf32, #tpu.memory_space<vmem>>, vector<16xf32>,
      %mul3A_127 = arith.constant 64 : i32
      %mul3A_128 = arith.muli %scan3A_120, %mul3A_127 : i32
      %add3A_129 = arith.constant 16 : i32
      %add3A_130 = arith.addi %mul3A_128, %add3A_129 : i32
      %get3A_131 = arith.index_cast %add3A_130 : i32 to index
      %get3A_132 = tpu.vector_load %arg25[%get3A_131] {strides = array<i32>} : memref<1024xi32, #tpu.memory_space<vmem>>, vector<16xi32>,
      %gather3A_133 = tpu.vector_load_idx %arg21[%get3A_132] : memref<4000xf32, #tpu.memory_space<vmem>>[vector<16xi32>], vector<16xf32>,
      %swap3A_134 = arith.index_cast %add3A_130 : i32 to index
      %swap3A_135 = tpu.vector_load %arg26[%swap3A_134] {strides = array<i32>} : memref<1024xf32, #tpu.memory_space<vmem>>, vector<16xf32>,
      tpu.vector_store %arg26[%swap3A_134], %gather3A_133 {strides = array<i32>} : memref<1024xf32, #tpu.memory_space<vmem>>, vector<16xf32>,
      %mul3A_136 = arith.constant 64 : i32
      %mul3A_137 = arith.muli %scan3A_120, %mul3A_136 : i32
      %add3A_138 = arith.constant 32 : i32
      %add3A_139 = arith.addi %mul3A_137, %add3A_138 : i32
      %get3A_140 = arith.index_cast %add3A_139 : i32 to index
      %get3A_141 = tpu.vector_load %arg25[%get3A_140] {strides = array<i32>} : memref<1024xi32, #tpu.memory_space<vmem>>, vector<16xi32>,
      %gather3A_142 = tpu.vector_load_idx %arg21[%get3A_141] : memref<4000xf32, #tpu.memory_space<vmem>>[vector<16xi32>], vector<16xf32>,
      %swap3A_143 = arith.index_cast %add3A_139 : i32 to index
      %swap3A_144 = tpu.vector_load %arg26[%swap3A_143] {strides = array<i32>} : memref<1024xf32, #tpu.memory_space<vmem>>, vector<16xf32>,
      tpu.vector_store %arg26[%swap3A_143], %gather3A_142 {strides = array<i32>} : memref<1024xf32, #tpu.memory_space<vmem>>, vector<16xf32>,
      %mul3A_145 = arith.constant 64 : i32
      %mul3A_146 = arith.muli %scan3A_120, %mul3A_145 : i32
      %add3A_147 = arith.constant 48 : i32
      %add3A_148 = arith.addi %mul3A_146, %add3A_147 : i32
      %get3A_149 = arith.index_cast %add3A_148 : i32 to index
      %get3A_150 = tpu.vector_load %arg25[%get3A_149] {strides = array<i32>} : memref<1024xi32, #tpu.memory_space<vmem>>, vector<16xi32>,
      %gather3A_151 = tpu.vector_load_idx %arg21[%get3A_150] : memref<4000xf32, #tpu.memory_space<vmem>>[vector<16xi32>], vector<16xf32>,
      %swap3A_152 = arith.index_cast %add3A_148 : i32 to index
      %swap3A_153 = tpu.vector_load %arg26[%swap3A_152] {strides = array<i32>} : memref<1024xf32, #tpu.memory_space<vmem>>, vector<16xf32>,
      tpu.vector_store %arg26[%swap3A_152], %gather3A_151 {strides = array<i32>} : memref<1024xf32, #tpu.memory_space<vmem>>, vector<16xf32>,
    }
    %scan3A_39 = arith.constant 16 : i32
    "tpu.region"() ({
      %run_scoped3A = tpu.sem_alloc : memref<!tpu.dma_semaphore, #tpu.memory_space<semaphore_mem>>
      %dma_start3A = arith.constant 0 : i32
      %dma_start3A_120 = tpu.memref_slice %arg15[%add3A_33, %dma_start3A] : memref<64x1024xf32, #tpu.memory_space<hbm>> -> memref<1x1024xf32, #tpu.memory_space<hbm>>
      %dma_start3A_121 = tpu.memref_squeeze %dma_start3A_120 : memref<1x1024xf32, #tpu.memory_space<hbm>> -> memref<1024xf32, #tpu.memory_space<hbm>>
      %dma_start3A_122 = arith.constant 0 : i32
      %dma_start3A_123 = tpu.memref_slice %arg15[%add3A_33, %dma_start3A_122] : memref<64x1024xf32, #tpu.memory_space<hbm>> -> memref<1x1024xf32, #tpu.memory_space<hbm>>
      %dma_start3A_124 = tpu.memref_squeeze %dma_start3A_123 : memref<1x1024xf32, #tpu.memory_space<hbm>> -> memref<1024xf32, #tpu.memory_space<hbm>>
      tpu.enqueue_dma source(%arg26 : memref<1024xf32, #tpu.memory_space<vmem>>) target(%dma_start3A_124 : memref<1024xf32, #tpu.memory_space<hbm>>) target_semaphore(%run_scoped3A : memref<!tpu.dma_semaphore, #tpu.memory_space<semaphore_mem>>)
      %dma_wait3A = arith.constant 0 : i32
      %dma_wait3A_125 = tpu.memref_slice %arg15[%add3A_33, %dma_wait3A] : memref<64x1024xf32, #tpu.memory_space<hbm>> -> memref<1x1024xf32, #tpu.memory_space<hbm>>
      %dma_wait3A_126 = tpu.memref_squeeze %dma_wait3A_125 : memref<1x1024xf32, #tpu.memory_space<hbm>> -> memref<1024xf32, #tpu.memory_space<hbm>>
      %dma_wait3A_127 = arith.constant 0 : i32
      %dma_wait3A_128 = tpu.memref_slice %arg15[%add3A_33, %dma_wait3A_127] : memref<64x1024xf32, #tpu.memory_space<hbm>> -> memref<1x1024xf32, #tpu.memory_space<hbm>>
      %dma_wait3A_129 = tpu.memref_squeeze %dma_wait3A_128 : memref<1x1024xf32, #tpu.memory_space<hbm>> -> memref<1024xf32, #tpu.memory_space<hbm>>
      tpu.wait_dma2 semaphore(%run_scoped3A : memref<!tpu.dma_semaphore, #tpu.memory_space<semaphore_mem>>) src(%arg26 : memref<1024xf32, #tpu.memory_space<vmem>>) dst(%dma_wait3A_129 : memref<1024xf32, #tpu.memory_space<hbm>>)
      tpu.yield
    }) : () -> ()
    "tpu.region"() ({
      %run_scoped3A = tpu.sem_alloc : memref<!tpu.dma_semaphore, #tpu.memory_space<semaphore_mem>>
      tpu.enqueue_dma source(%arg10 : memref<1024xi32, #tpu.memory_space<hbm>>) target(%arg25 : memref<1024xi32, #tpu.memory_space<vmem>>) target_semaphore(%run_scoped3A : memref<!tpu.dma_semaphore, #tpu.memory_space<semaphore_mem>>)
      tpu.wait_dma2 semaphore(%run_scoped3A : memref<!tpu.dma_semaphore, #tpu.memory_space<semaphore_mem>>) src(%arg10 : memref<1024xi32, #tpu.memory_space<hbm>>) dst(%arg25 : memref<1024xi32, #tpu.memory_space<vmem>>)
      tpu.yield
    }) : () -> ()
    %mul3A_40 = arith.constant 2 : i32
    %mul3A_41 = arith.muli %add3A, %mul3A_40 : i32
    %add3A_42 = arith.constant 0 : i32
    %add3A_43 = arith.addi %mul3A_41, %add3A_42 : i32
    "tpu.region"() ({
      %run_scoped3A = tpu.sem_alloc : memref<!tpu.dma_semaphore, #tpu.memory_space<semaphore_mem>>
      %dma_start3A = arith.constant 0 : i32
      %dma_start3A_120 = tpu.memref_slice %arg21[%dma_start3A] : memref<4000xf32, #tpu.memory_space<vmem>> -> memref<4000xf32, #tpu.memory_space<vmem>>
      %dma_start3A_121 = arith.constant 0 : i32
      %dma_start3A_122 = tpu.memref_slice %arg4[%add3A_43, %dma_start3A_121] : memref<64x4000xf32, #tpu.memory_space<hbm>> -> memref<1x4000xf32, #tpu.memory_space<hbm>>
      %dma_start3A_123 = tpu.memref_squeeze %dma_start3A_122 : memref<1x4000xf32, #tpu.memory_space<hbm>> -> memref<4000xf32, #tpu.memory_space<hbm>>
      %dma_start3A_124 = arith.constant 0 : i32
      %dma_start3A_125 = tpu.memref_slice %arg21[%dma_start3A_124] : memref<4000xf32, #tpu.memory_space<vmem>> -> memref<4000xf32, #tpu.memory_space<vmem>>
      %dma_start3A_126 = arith.constant 0 : i32
      %dma_start3A_127 = tpu.memref_slice %arg4[%add3A_43, %dma_start3A_126] : memref<64x4000xf32, #tpu.memory_space<hbm>> -> memref<1x4000xf32, #tpu.memory_space<hbm>>
      %dma_start3A_128 = tpu.memref_squeeze %dma_start3A_127 : memref<1x4000xf32, #tpu.memory_space<hbm>> -> memref<4000xf32, #tpu.memory_space<hbm>>
      tpu.enqueue_dma source(%dma_start3A_128 : memref<4000xf32, #tpu.memory_space<hbm>>) target(%dma_start3A_125 : memref<4000xf32, #tpu.memory_space<vmem>>) target_semaphore(%run_scoped3A : memref<!tpu.dma_semaphore, #tpu.memory_space<semaphore_mem>>)
      %dma_wait3A = arith.constant 0 : i32
      %dma_wait3A_129 = tpu.memref_slice %arg21[%dma_wait3A] : memref<4000xf32, #tpu.memory_space<vmem>> -> memref<4000xf32, #tpu.memory_space<vmem>>
      %dma_wait3A_130 = arith.constant 0 : i32
      %dma_wait3A_131 = tpu.memref_slice %arg4[%add3A_43, %dma_wait3A_130] : memref<64x4000xf32, #tpu.memory_space<hbm>> -> memref<1x4000xf32, #tpu.memory_space<hbm>>
      %dma_wait3A_132 = tpu.memref_squeeze %dma_wait3A_131 : memref<1x4000xf32, #tpu.memory_space<hbm>> -> memref<4000xf32, #tpu.memory_space<hbm>>
      %dma_wait3A_133 = arith.constant 0 : i32
      %dma_wait3A_134 = tpu.memref_slice %arg21[%dma_wait3A_133] : memref<4000xf32, #tpu.memory_space<vmem>> -> memref<4000xf32, #tpu.memory_space<vmem>>
      %dma_wait3A_135 = arith.constant 0 : i32
      %dma_wait3A_136 = tpu.memref_slice %arg4[%add3A_43, %dma_wait3A_135] : memref<64x4000xf32, #tpu.memory_space<hbm>> -> memref<1x4000xf32, #tpu.memory_space<hbm>>
      %dma_wait3A_137 = tpu.memref_squeeze %dma_wait3A_136 : memref<1x4000xf32, #tpu.memory_space<hbm>> -> memref<4000xf32, #tpu.memory_space<hbm>>
      tpu.wait_dma2 semaphore(%run_scoped3A : memref<!tpu.dma_semaphore, #tpu.memory_space<semaphore_mem>>) src(%dma_wait3A_137 : memref<4000xf32, #tpu.memory_space<hbm>>) dst(%dma_wait3A_134 : memref<4000xf32, #tpu.memory_space<vmem>>)
      tpu.yield
    }) : () -> ()
    %scan3A_44 = arith.constant 0 : i32
    %scan3A_45 = arith.constant 0 : i32
    %scan3A_46 = arith.constant 16 : i32
    %scan3A_47 = arith.addi %scan3A_45, %scan3A_46 : i32
    %scan3A_48 = arith.constant 1 : i32
    scf.for %scan3A_120 = %scan3A_45 to %scan3A_47 step %scan3A_48  : i32 {
      %mul3A_121 = arith.constant 64 : i32
      %mul3A_122 = arith.muli %scan3A_120, %mul3A_121 : i32
      %add3A_123 = arith.constant 0 : i32
      %add3A_124 = arith.addi %mul3A_122, %add3A_123 : i32
      %get3A = arith.index_cast %add3A_124 : i32 to index
      %get3A_125 = tpu.vector_load %arg25[%get3A] {strides = array<i32>} : memref<1024xi32, #tpu.memory_space<vmem>>, vector<16xi32>,
      %gather3A = tpu.vector_load_idx %arg21[%get3A_125] : memref<4000xf32, #tpu.memory_space<vmem>>[vector<16xi32>], vector<16xf32>,
      %swap3A = arith.index_cast %add3A_124 : i32 to index
      %swap3A_126 = tpu.vector_load %arg26[%swap3A] {strides = array<i32>} : memref<1024xf32, #tpu.memory_space<vmem>>, vector<16xf32>,
      tpu.vector_store %arg26[%swap3A], %gather3A {strides = array<i32>} : memref<1024xf32, #tpu.memory_space<vmem>>, vector<16xf32>,
      %mul3A_127 = arith.constant 64 : i32
      %mul3A_128 = arith.muli %scan3A_120, %mul3A_127 : i32
      %add3A_129 = arith.constant 16 : i32
      %add3A_130 = arith.addi %mul3A_128, %add3A_129 : i32
      %get3A_131 = arith.index_cast %add3A_130 : i32 to index
      %get3A_132 = tpu.vector_load %arg25[%get3A_131] {strides = array<i32>} : memref<1024xi32, #tpu.memory_space<vmem>>, vector<16xi32>,
      %gather3A_133 = tpu.vector_load_idx %arg21[%get3A_132] : memref<4000xf32, #tpu.memory_space<vmem>>[vector<16xi32>], vector<16xf32>,
      %swap3A_134 = arith.index_cast %add3A_130 : i32 to index
      %swap3A_135 = tpu.vector_load %arg26[%swap3A_134] {strides = array<i32>} : memref<1024xf32, #tpu.memory_space<vmem>>, vector<16xf32>,
      tpu.vector_store %arg26[%swap3A_134], %gather3A_133 {strides = array<i32>} : memref<1024xf32, #tpu.memory_space<vmem>>, vector<16xf32>,
      %mul3A_136 = arith.constant 64 : i32
      %mul3A_137 = arith.muli %scan3A_120, %mul3A_136 : i32
      %add3A_138 = arith.constant 32 : i32
      %add3A_139 = arith.addi %mul3A_137, %add3A_138 : i32
      %get3A_140 = arith.index_cast %add3A_139 : i32 to index
      %get3A_141 = tpu.vector_load %arg25[%get3A_140] {strides = array<i32>} : memref<1024xi32, #tpu.memory_space<vmem>>, vector<16xi32>,
      %gather3A_142 = tpu.vector_load_idx %arg21[%get3A_141] : memref<4000xf32, #tpu.memory_space<vmem>>[vector<16xi32>], vector<16xf32>,
      %swap3A_143 = arith.index_cast %add3A_139 : i32 to index
      %swap3A_144 = tpu.vector_load %arg26[%swap3A_143] {strides = array<i32>} : memref<1024xf32, #tpu.memory_space<vmem>>, vector<16xf32>,
      tpu.vector_store %arg26[%swap3A_143], %gather3A_142 {strides = array<i32>} : memref<1024xf32, #tpu.memory_space<vmem>>, vector<16xf32>,
      %mul3A_145 = arith.constant 64 : i32
      %mul3A_146 = arith.muli %scan3A_120, %mul3A_145 : i32
      %add3A_147 = arith.constant 48 : i32
      %add3A_148 = arith.addi %mul3A_146, %add3A_147 : i32
      %get3A_149 = arith.index_cast %add3A_148 : i32 to index
      %get3A_150 = tpu.vector_load %arg25[%get3A_149] {strides = array<i32>} : memref<1024xi32, #tpu.memory_space<vmem>>, vector<16xi32>,
      %gather3A_151 = tpu.vector_load_idx %arg21[%get3A_150] : memref<4000xf32, #tpu.memory_space<vmem>>[vector<16xi32>], vector<16xf32>,
      %swap3A_152 = arith.index_cast %add3A_148 : i32 to index
      %swap3A_153 = tpu.vector_load %arg26[%swap3A_152] {strides = array<i32>} : memref<1024xf32, #tpu.memory_space<vmem>>, vector<16xf32>,
      tpu.vector_store %arg26[%swap3A_152], %gather3A_151 {strides = array<i32>} : memref<1024xf32, #tpu.memory_space<vmem>>, vector<16xf32>,
    }
    %scan3A_49 = arith.constant 16 : i32
    "tpu.region"() ({
      %run_scoped3A = tpu.sem_alloc : memref<!tpu.dma_semaphore, #tpu.memory_space<semaphore_mem>>
      %dma_start3A = arith.constant 0 : i32
      %dma_start3A_120 = tpu.memref_slice %arg16[%add3A_43, %dma_start3A] : memref<64x1024xf32, #tpu.memory_space<hbm>> -> memref<1x1024xf32, #tpu.memory_space<hbm>>
      %dma_start3A_121 = tpu.memref_squeeze %dma_start3A_120 : memref<1x1024xf32, #tpu.memory_space<hbm>> -> memref<1024xf32, #tpu.memory_space<hbm>>
      %dma_start3A_122 = arith.constant 0 : i32
      %dma_start3A_123 = tpu.memref_slice %arg16[%add3A_43, %dma_start3A_122] : memref<64x1024xf32, #tpu.memory_space<hbm>> -> memref<1x1024xf32, #tpu.memory_space<hbm>>
      %dma_start3A_124 = tpu.memref_squeeze %dma_start3A_123 : memref<1x1024xf32, #tpu.memory_space<hbm>> -> memref<1024xf32, #tpu.memory_space<hbm>>
      tpu.enqueue_dma source(%arg26 : memref<1024xf32, #tpu.memory_space<vmem>>) target(%dma_start3A_124 : memref<1024xf32, #tpu.memory_space<hbm>>) target_semaphore(%run_scoped3A : memref<!tpu.dma_semaphore, #tpu.memory_space<semaphore_mem>>)
      %dma_wait3A = arith.constant 0 : i32
      %dma_wait3A_125 = tpu.memref_slice %arg16[%add3A_43, %dma_wait3A] : memref<64x1024xf32, #tpu.memory_space<hbm>> -> memref<1x1024xf32, #tpu.memory_space<hbm>>
      %dma_wait3A_126 = tpu.memref_squeeze %dma_wait3A_125 : memref<1x1024xf32, #tpu.memory_space<hbm>> -> memref<1024xf32, #tpu.memory_space<hbm>>
      %dma_wait3A_127 = arith.constant 0 : i32
      %dma_wait3A_128 = tpu.memref_slice %arg16[%add3A_43, %dma_wait3A_127] : memref<64x1024xf32, #tpu.memory_space<hbm>> -> memref<1x1024xf32, #tpu.memory_space<hbm>>
      %dma_wait3A_129 = tpu.memref_squeeze %dma_wait3A_128 : memref<1x1024xf32, #tpu.memory_space<hbm>> -> memref<1024xf32, #tpu.memory_space<hbm>>
      tpu.wait_dma2 semaphore(%run_scoped3A : memref<!tpu.dma_semaphore, #tpu.memory_space<semaphore_mem>>) src(%arg26 : memref<1024xf32, #tpu.memory_space<vmem>>) dst(%dma_wait3A_129 : memref<1024xf32, #tpu.memory_space<hbm>>)
      tpu.yield
    }) : () -> ()
    %mul3A_50 = arith.constant 2 : i32
    %mul3A_51 = arith.muli %add3A, %mul3A_50 : i32
    %add3A_52 = arith.constant 1 : i32
    %add3A_53 = arith.addi %mul3A_51, %add3A_52 : i32
    "tpu.region"() ({
      %run_scoped3A = tpu.sem_alloc : memref<!tpu.dma_semaphore, #tpu.memory_space<semaphore_mem>>
      %dma_start3A = arith.constant 0 : i32
      %dma_start3A_120 = tpu.memref_slice %arg21[%dma_start3A] : memref<4000xf32, #tpu.memory_space<vmem>> -> memref<4000xf32, #tpu.memory_space<vmem>>
      %dma_start3A_121 = arith.constant 0 : i32
      %dma_start3A_122 = tpu.memref_slice %arg4[%add3A_53, %dma_start3A_121] : memref<64x4000xf32, #tpu.memory_space<hbm>> -> memref<1x4000xf32, #tpu.memory_space<hbm>>
      %dma_start3A_123 = tpu.memref_squeeze %dma_start3A_122 : memref<1x4000xf32, #tpu.memory_space<hbm>> -> memref<4000xf32, #tpu.memory_space<hbm>>
      %dma_start3A_124 = arith.constant 0 : i32
      %dma_start3A_125 = tpu.memref_slice %arg21[%dma_start3A_124] : memref<4000xf32, #tpu.memory_space<vmem>> -> memref<4000xf32, #tpu.memory_space<vmem>>
      %dma_start3A_126 = arith.constant 0 : i32
      %dma_start3A_127 = tpu.memref_slice %arg4[%add3A_53, %dma_start3A_126] : memref<64x4000xf32, #tpu.memory_space<hbm>> -> memref<1x4000xf32, #tpu.memory_space<hbm>>
      %dma_start3A_128 = tpu.memref_squeeze %dma_start3A_127 : memref<1x4000xf32, #tpu.memory_space<hbm>> -> memref<4000xf32, #tpu.memory_space<hbm>>
      tpu.enqueue_dma source(%dma_start3A_128 : memref<4000xf32, #tpu.memory_space<hbm>>) target(%dma_start3A_125 : memref<4000xf32, #tpu.memory_space<vmem>>) target_semaphore(%run_scoped3A : memref<!tpu.dma_semaphore, #tpu.memory_space<semaphore_mem>>)
      %dma_wait3A = arith.constant 0 : i32
      %dma_wait3A_129 = tpu.memref_slice %arg21[%dma_wait3A] : memref<4000xf32, #tpu.memory_space<vmem>> -> memref<4000xf32, #tpu.memory_space<vmem>>
      %dma_wait3A_130 = arith.constant 0 : i32
      %dma_wait3A_131 = tpu.memref_slice %arg4[%add3A_53, %dma_wait3A_130] : memref<64x4000xf32, #tpu.memory_space<hbm>> -> memref<1x4000xf32, #tpu.memory_space<hbm>>
      %dma_wait3A_132 = tpu.memref_squeeze %dma_wait3A_131 : memref<1x4000xf32, #tpu.memory_space<hbm>> -> memref<4000xf32, #tpu.memory_space<hbm>>
      %dma_wait3A_133 = arith.constant 0 : i32
      %dma_wait3A_134 = tpu.memref_slice %arg21[%dma_wait3A_133] : memref<4000xf32, #tpu.memory_space<vmem>> -> memref<4000xf32, #tpu.memory_space<vmem>>
      %dma_wait3A_135 = arith.constant 0 : i32
      %dma_wait3A_136 = tpu.memref_slice %arg4[%add3A_53, %dma_wait3A_135] : memref<64x4000xf32, #tpu.memory_space<hbm>> -> memref<1x4000xf32, #tpu.memory_space<hbm>>
      %dma_wait3A_137 = tpu.memref_squeeze %dma_wait3A_136 : memref<1x4000xf32, #tpu.memory_space<hbm>> -> memref<4000xf32, #tpu.memory_space<hbm>>
      tpu.wait_dma2 semaphore(%run_scoped3A : memref<!tpu.dma_semaphore, #tpu.memory_space<semaphore_mem>>) src(%dma_wait3A_137 : memref<4000xf32, #tpu.memory_space<hbm>>) dst(%dma_wait3A_134 : memref<4000xf32, #tpu.memory_space<vmem>>)
      tpu.yield
    }) : () -> ()
    %scan3A_54 = arith.constant 0 : i32
    %scan3A_55 = arith.constant 0 : i32
    %scan3A_56 = arith.constant 16 : i32
    %scan3A_57 = arith.addi %scan3A_55, %scan3A_56 : i32
    %scan3A_58 = arith.constant 1 : i32
    scf.for %scan3A_120 = %scan3A_55 to %scan3A_57 step %scan3A_58  : i32 {
      %mul3A_121 = arith.constant 64 : i32
      %mul3A_122 = arith.muli %scan3A_120, %mul3A_121 : i32
      %add3A_123 = arith.constant 0 : i32
      %add3A_124 = arith.addi %mul3A_122, %add3A_123 : i32
      %get3A = arith.index_cast %add3A_124 : i32 to index
      %get3A_125 = tpu.vector_load %arg25[%get3A] {strides = array<i32>} : memref<1024xi32, #tpu.memory_space<vmem>>, vector<16xi32>,
      %gather3A = tpu.vector_load_idx %arg21[%get3A_125] : memref<4000xf32, #tpu.memory_space<vmem>>[vector<16xi32>], vector<16xf32>,
      %swap3A = arith.index_cast %add3A_124 : i32 to index
      %swap3A_126 = tpu.vector_load %arg26[%swap3A] {strides = array<i32>} : memref<1024xf32, #tpu.memory_space<vmem>>, vector<16xf32>,
      tpu.vector_store %arg26[%swap3A], %gather3A {strides = array<i32>} : memref<1024xf32, #tpu.memory_space<vmem>>, vector<16xf32>,
      %mul3A_127 = arith.constant 64 : i32
      %mul3A_128 = arith.muli %scan3A_120, %mul3A_127 : i32
      %add3A_129 = arith.constant 16 : i32
      %add3A_130 = arith.addi %mul3A_128, %add3A_129 : i32
      %get3A_131 = arith.index_cast %add3A_130 : i32 to index
      %get3A_132 = tpu.vector_load %arg25[%get3A_131] {strides = array<i32>} : memref<1024xi32, #tpu.memory_space<vmem>>, vector<16xi32>,
      %gather3A_133 = tpu.vector_load_idx %arg21[%get3A_132] : memref<4000xf32, #tpu.memory_space<vmem>>[vector<16xi32>], vector<16xf32>,
      %swap3A_134 = arith.index_cast %add3A_130 : i32 to index
      %swap3A_135 = tpu.vector_load %arg26[%swap3A_134] {strides = array<i32>} : memref<1024xf32, #tpu.memory_space<vmem>>, vector<16xf32>,
      tpu.vector_store %arg26[%swap3A_134], %gather3A_133 {strides = array<i32>} : memref<1024xf32, #tpu.memory_space<vmem>>, vector<16xf32>,
      %mul3A_136 = arith.constant 64 : i32
      %mul3A_137 = arith.muli %scan3A_120, %mul3A_136 : i32
      %add3A_138 = arith.constant 32 : i32
      %add3A_139 = arith.addi %mul3A_137, %add3A_138 : i32
      %get3A_140 = arith.index_cast %add3A_139 : i32 to index
      %get3A_141 = tpu.vector_load %arg25[%get3A_140] {strides = array<i32>} : memref<1024xi32, #tpu.memory_space<vmem>>, vector<16xi32>,
      %gather3A_142 = tpu.vector_load_idx %arg21[%get3A_141] : memref<4000xf32, #tpu.memory_space<vmem>>[vector<16xi32>], vector<16xf32>,
      %swap3A_143 = arith.index_cast %add3A_139 : i32 to index
      %swap3A_144 = tpu.vector_load %arg26[%swap3A_143] {strides = array<i32>} : memref<1024xf32, #tpu.memory_space<vmem>>, vector<16xf32>,
      tpu.vector_store %arg26[%swap3A_143], %gather3A_142 {strides = array<i32>} : memref<1024xf32, #tpu.memory_space<vmem>>, vector<16xf32>,
      %mul3A_145 = arith.constant 64 : i32
      %mul3A_146 = arith.muli %scan3A_120, %mul3A_145 : i32
      %add3A_147 = arith.constant 48 : i32
      %add3A_148 = arith.addi %mul3A_146, %add3A_147 : i32
      %get3A_149 = arith.index_cast %add3A_148 : i32 to index
      %get3A_150 = tpu.vector_load %arg25[%get3A_149] {strides = array<i32>} : memref<1024xi32, #tpu.memory_space<vmem>>, vector<16xi32>,
      %gather3A_151 = tpu.vector_load_idx %arg21[%get3A_150] : memref<4000xf32, #tpu.memory_space<vmem>>[vector<16xi32>], vector<16xf32>,
      %swap3A_152 = arith.index_cast %add3A_148 : i32 to index
      %swap3A_153 = tpu.vector_load %arg26[%swap3A_152] {strides = array<i32>} : memref<1024xf32, #tpu.memory_space<vmem>>, vector<16xf32>,
      tpu.vector_store %arg26[%swap3A_152], %gather3A_151 {strides = array<i32>} : memref<1024xf32, #tpu.memory_space<vmem>>, vector<16xf32>,
    }
    %scan3A_59 = arith.constant 16 : i32
    "tpu.region"() ({
      %run_scoped3A = tpu.sem_alloc : memref<!tpu.dma_semaphore, #tpu.memory_space<semaphore_mem>>
      %dma_start3A = arith.constant 0 : i32
      %dma_start3A_120 = tpu.memref_slice %arg16[%add3A_53, %dma_start3A] : memref<64x1024xf32, #tpu.memory_space<hbm>> -> memref<1x1024xf32, #tpu.memory_space<hbm>>
      %dma_start3A_121 = tpu.memref_squeeze %dma_start3A_120 : memref<1x1024xf32, #tpu.memory_space<hbm>> -> memref<1024xf32, #tpu.memory_space<hbm>>
      %dma_start3A_122 = arith.constant 0 : i32
      %dma_start3A_123 = tpu.memref_slice %arg16[%add3A_53, %dma_start3A_122] : memref<64x1024xf32, #tpu.memory_space<hbm>> -> memref<1x1024xf32, #tpu.memory_space<hbm>>
      %dma_start3A_124 = tpu.memref_squeeze %dma_start3A_123 : memref<1x1024xf32, #tpu.memory_space<hbm>> -> memref<1024xf32, #tpu.memory_space<hbm>>
      tpu.enqueue_dma source(%arg26 : memref<1024xf32, #tpu.memory_space<vmem>>) target(%dma_start3A_124 : memref<1024xf32, #tpu.memory_space<hbm>>) target_semaphore(%run_scoped3A : memref<!tpu.dma_semaphore, #tpu.memory_space<semaphore_mem>>)
      %dma_wait3A = arith.constant 0 : i32
      %dma_wait3A_125 = tpu.memref_slice %arg16[%add3A_53, %dma_wait3A] : memref<64x1024xf32, #tpu.memory_space<hbm>> -> memref<1x1024xf32, #tpu.memory_space<hbm>>
      %dma_wait3A_126 = tpu.memref_squeeze %dma_wait3A_125 : memref<1x1024xf32, #tpu.memory_space<hbm>> -> memref<1024xf32, #tpu.memory_space<hbm>>
      %dma_wait3A_127 = arith.constant 0 : i32
      %dma_wait3A_128 = tpu.memref_slice %arg16[%add3A_53, %dma_wait3A_127] : memref<64x1024xf32, #tpu.memory_space<hbm>> -> memref<1x1024xf32, #tpu.memory_space<hbm>>
      %dma_wait3A_129 = tpu.memref_squeeze %dma_wait3A_128 : memref<1x1024xf32, #tpu.memory_space<hbm>> -> memref<1024xf32, #tpu.memory_space<hbm>>
      tpu.wait_dma2 semaphore(%run_scoped3A : memref<!tpu.dma_semaphore, #tpu.memory_space<semaphore_mem>>) src(%arg26 : memref<1024xf32, #tpu.memory_space<vmem>>) dst(%dma_wait3A_129 : memref<1024xf32, #tpu.memory_space<hbm>>)
      tpu.yield
    }) : () -> ()
    "tpu.region"() ({
      %run_scoped3A = tpu.sem_alloc : memref<!tpu.dma_semaphore, #tpu.memory_space<semaphore_mem>>
      tpu.enqueue_dma source(%arg11 : memref<1024xi32, #tpu.memory_space<hbm>>) target(%arg25 : memref<1024xi32, #tpu.memory_space<vmem>>) target_semaphore(%run_scoped3A : memref<!tpu.dma_semaphore, #tpu.memory_space<semaphore_mem>>)
      tpu.wait_dma2 semaphore(%run_scoped3A : memref<!tpu.dma_semaphore, #tpu.memory_space<semaphore_mem>>) src(%arg11 : memref<1024xi32, #tpu.memory_space<hbm>>) dst(%arg25 : memref<1024xi32, #tpu.memory_space<vmem>>)
      tpu.yield
    }) : () -> ()
    %mul3A_60 = arith.constant 2 : i32
    %mul3A_61 = arith.muli %add3A, %mul3A_60 : i32
    %add3A_62 = arith.constant 0 : i32
    %add3A_63 = arith.addi %mul3A_61, %add3A_62 : i32
    %scan3A_64 = arith.constant 0 : i32
    %scan3A_65 = arith.constant 0 : i32
    %scan3A_66 = arith.constant 16 : i32
    %scan3A_67 = arith.addi %scan3A_65, %scan3A_66 : i32
    %scan3A_68 = arith.constant 1 : i32
    scf.for %scan3A_120 = %scan3A_65 to %scan3A_67 step %scan3A_68  : i32 {
      %mul3A_121 = arith.constant 64 : i32
      %mul3A_122 = arith.muli %scan3A_120, %mul3A_121 : i32
      %add3A_123 = arith.constant 0 : i32
      %add3A_124 = arith.addi %mul3A_122, %add3A_123 : i32
      %get3A = arith.index_cast %add3A_124 : i32 to index
      %get3A_125 = tpu.vector_load %arg25[%get3A] {strides = array<i32>} : memref<1024xi32, #tpu.memory_space<vmem>>, vector<16xi32>,
      %broadcast_in_dim3A = vector.broadcast %add3A_63 : i32 to vector<16xi32>
      %gather3A = tpu.vector_load_idx %arg22[%get3A_125, %broadcast_in_dim3A] : memref<4x64xf32, #tpu.memory_space<vmem>>[vector<16xi32>, vector<16xi32>], vector<16xf32>,
      %swap3A = arith.index_cast %add3A_124 : i32 to index
      %swap3A_126 = tpu.vector_load %arg26[%swap3A] {strides = array<i32>} : memref<1024xf32, #tpu.memory_space<vmem>>, vector<16xf32>,
      tpu.vector_store %arg26[%swap3A], %gather3A {strides = array<i32>} : memref<1024xf32, #tpu.memory_space<vmem>>, vector<16xf32>,
      %mul3A_127 = arith.constant 64 : i32
      %mul3A_128 = arith.muli %scan3A_120, %mul3A_127 : i32
      %add3A_129 = arith.constant 16 : i32
      %add3A_130 = arith.addi %mul3A_128, %add3A_129 : i32
      %get3A_131 = arith.index_cast %add3A_130 : i32 to index
      %get3A_132 = tpu.vector_load %arg25[%get3A_131] {strides = array<i32>} : memref<1024xi32, #tpu.memory_space<vmem>>, vector<16xi32>,
      %broadcast_in_dim3A_133 = vector.broadcast %add3A_63 : i32 to vector<16xi32>
      %gather3A_134 = tpu.vector_load_idx %arg22[%get3A_132, %broadcast_in_dim3A_133] : memref<4x64xf32, #tpu.memory_space<vmem>>[vector<16xi32>, vector<16xi32>], vector<16xf32>,
      %swap3A_135 = arith.index_cast %add3A_130 : i32 to index
      %swap3A_136 = tpu.vector_load %arg26[%swap3A_135] {strides = array<i32>} : memref<1024xf32, #tpu.memory_space<vmem>>, vector<16xf32>,
      tpu.vector_store %arg26[%swap3A_135], %gather3A_134 {strides = array<i32>} : memref<1024xf32, #tpu.memory_space<vmem>>, vector<16xf32>,
      %mul3A_137 = arith.constant 64 : i32
      %mul3A_138 = arith.muli %scan3A_120, %mul3A_137 : i32
      %add3A_139 = arith.constant 32 : i32
      %add3A_140 = arith.addi %mul3A_138, %add3A_139 : i32
      %get3A_141 = arith.index_cast %add3A_140 : i32 to index
      %get3A_142 = tpu.vector_load %arg25[%get3A_141] {strides = array<i32>} : memref<1024xi32, #tpu.memory_space<vmem>>, vector<16xi32>,
      %broadcast_in_dim3A_143 = vector.broadcast %add3A_63 : i32 to vector<16xi32>
      %gather3A_144 = tpu.vector_load_idx %arg22[%get3A_142, %broadcast_in_dim3A_143] : memref<4x64xf32, #tpu.memory_space<vmem>>[vector<16xi32>, vector<16xi32>], vector<16xf32>,
      %swap3A_145 = arith.index_cast %add3A_140 : i32 to index
      %swap3A_146 = tpu.vector_load %arg26[%swap3A_145] {strides = array<i32>} : memref<1024xf32, #tpu.memory_space<vmem>>, vector<16xf32>,
      tpu.vector_store %arg26[%swap3A_145], %gather3A_144 {strides = array<i32>} : memref<1024xf32, #tpu.memory_space<vmem>>, vector<16xf32>,
      %mul3A_147 = arith.constant 64 : i32
      %mul3A_148 = arith.muli %scan3A_120, %mul3A_147 : i32
      %add3A_149 = arith.constant 48 : i32
      %add3A_150 = arith.addi %mul3A_148, %add3A_149 : i32
      %get3A_151 = arith.index_cast %add3A_150 : i32 to index
      %get3A_152 = tpu.vector_load %arg25[%get3A_151] {strides = array<i32>} : memref<1024xi32, #tpu.memory_space<vmem>>, vector<16xi32>,
      %broadcast_in_dim3A_153 = vector.broadcast %add3A_63 : i32 to vector<16xi32>
      %gather3A_154 = tpu.vector_load_idx %arg22[%get3A_152, %broadcast_in_dim3A_153] : memref<4x64xf32, #tpu.memory_space<vmem>>[vector<16xi32>, vector<16xi32>], vector<16xf32>,
      %swap3A_155 = arith.index_cast %add3A_150 : i32 to index
      %swap3A_156 = tpu.vector_load %arg26[%swap3A_155] {strides = array<i32>} : memref<1024xf32, #tpu.memory_space<vmem>>, vector<16xf32>,
      tpu.vector_store %arg26[%swap3A_155], %gather3A_154 {strides = array<i32>} : memref<1024xf32, #tpu.memory_space<vmem>>, vector<16xf32>,
    }
    %scan3A_69 = arith.constant 16 : i32
    "tpu.region"() ({
      %run_scoped3A = tpu.sem_alloc : memref<!tpu.dma_semaphore, #tpu.memory_space<semaphore_mem>>
      %dma_start3A = arith.constant 0 : i32
      %dma_start3A_120 = tpu.memref_slice %arg17[%add3A_63, %dma_start3A] : memref<64x1024xf32, #tpu.memory_space<hbm>> -> memref<1x1024xf32, #tpu.memory_space<hbm>>
      %dma_start3A_121 = tpu.memref_squeeze %dma_start3A_120 : memref<1x1024xf32, #tpu.memory_space<hbm>> -> memref<1024xf32, #tpu.memory_space<hbm>>
      %dma_start3A_122 = arith.constant 0 : i32
      %dma_start3A_123 = tpu.memref_slice %arg17[%add3A_63, %dma_start3A_122] : memref<64x1024xf32, #tpu.memory_space<hbm>> -> memref<1x1024xf32, #tpu.memory_space<hbm>>
      %dma_start3A_124 = tpu.memref_squeeze %dma_start3A_123 : memref<1x1024xf32, #tpu.memory_space<hbm>> -> memref<1024xf32, #tpu.memory_space<hbm>>
      tpu.enqueue_dma source(%arg26 : memref<1024xf32, #tpu.memory_space<vmem>>) target(%dma_start3A_124 : memref<1024xf32, #tpu.memory_space<hbm>>) target_semaphore(%run_scoped3A : memref<!tpu.dma_semaphore, #tpu.memory_space<semaphore_mem>>)
      %dma_wait3A = arith.constant 0 : i32
      %dma_wait3A_125 = tpu.memref_slice %arg17[%add3A_63, %dma_wait3A] : memref<64x1024xf32, #tpu.memory_space<hbm>> -> memref<1x1024xf32, #tpu.memory_space<hbm>>
      %dma_wait3A_126 = tpu.memref_squeeze %dma_wait3A_125 : memref<1x1024xf32, #tpu.memory_space<hbm>> -> memref<1024xf32, #tpu.memory_space<hbm>>
      %dma_wait3A_127 = arith.constant 0 : i32
      %dma_wait3A_128 = tpu.memref_slice %arg17[%add3A_63, %dma_wait3A_127] : memref<64x1024xf32, #tpu.memory_space<hbm>> -> memref<1x1024xf32, #tpu.memory_space<hbm>>
      %dma_wait3A_129 = tpu.memref_squeeze %dma_wait3A_128 : memref<1x1024xf32, #tpu.memory_space<hbm>> -> memref<1024xf32, #tpu.memory_space<hbm>>
      tpu.wait_dma2 semaphore(%run_scoped3A : memref<!tpu.dma_semaphore, #tpu.memory_space<semaphore_mem>>) src(%arg26 : memref<1024xf32, #tpu.memory_space<vmem>>) dst(%dma_wait3A_129 : memref<1024xf32, #tpu.memory_space<hbm>>)
      tpu.yield
    }) : () -> ()
    %mul3A_70 = arith.constant 2 : i32
    %mul3A_71 = arith.muli %add3A, %mul3A_70 : i32
    %add3A_72 = arith.constant 1 : i32
    %add3A_73 = arith.addi %mul3A_71, %add3A_72 : i32
    %scan3A_74 = arith.constant 0 : i32
    %scan3A_75 = arith.constant 0 : i32
    %scan3A_76 = arith.constant 16 : i32
    %scan3A_77 = arith.addi %scan3A_75, %scan3A_76 : i32
    %scan3A_78 = arith.constant 1 : i32
    scf.for %scan3A_120 = %scan3A_75 to %scan3A_77 step %scan3A_78  : i32 {
      %mul3A_121 = arith.constant 64 : i32
      %mul3A_122 = arith.muli %scan3A_120, %mul3A_121 : i32
      %add3A_123 = arith.constant 0 : i32
      %add3A_124 = arith.addi %mul3A_122, %add3A_123 : i32
      %get3A = arith.index_cast %add3A_124 : i32 to index
      %get3A_125 = tpu.vector_load %arg25[%get3A] {strides = array<i32>} : memref<1024xi32, #tpu.memory_space<vmem>>, vector<16xi32>,
      %broadcast_in_dim3A = vector.broadcast %add3A_73 : i32 to vector<16xi32>
      %gather3A = tpu.vector_load_idx %arg22[%get3A_125, %broadcast_in_dim3A] : memref<4x64xf32, #tpu.memory_space<vmem>>[vector<16xi32>, vector<16xi32>], vector<16xf32>,
      %swap3A = arith.index_cast %add3A_124 : i32 to index
      %swap3A_126 = tpu.vector_load %arg26[%swap3A] {strides = array<i32>} : memref<1024xf32, #tpu.memory_space<vmem>>, vector<16xf32>,
      tpu.vector_store %arg26[%swap3A], %gather3A {strides = array<i32>} : memref<1024xf32, #tpu.memory_space<vmem>>, vector<16xf32>,
      %mul3A_127 = arith.constant 64 : i32
      %mul3A_128 = arith.muli %scan3A_120, %mul3A_127 : i32
      %add3A_129 = arith.constant 16 : i32
      %add3A_130 = arith.addi %mul3A_128, %add3A_129 : i32
      %get3A_131 = arith.index_cast %add3A_130 : i32 to index
      %get3A_132 = tpu.vector_load %arg25[%get3A_131] {strides = array<i32>} : memref<1024xi32, #tpu.memory_space<vmem>>, vector<16xi32>,
      %broadcast_in_dim3A_133 = vector.broadcast %add3A_73 : i32 to vector<16xi32>
      %gather3A_134 = tpu.vector_load_idx %arg22[%get3A_132, %broadcast_in_dim3A_133] : memref<4x64xf32, #tpu.memory_space<vmem>>[vector<16xi32>, vector<16xi32>], vector<16xf32>,
      %swap3A_135 = arith.index_cast %add3A_130 : i32 to index
      %swap3A_136 = tpu.vector_load %arg26[%swap3A_135] {strides = array<i32>} : memref<1024xf32, #tpu.memory_space<vmem>>, vector<16xf32>,
      tpu.vector_store %arg26[%swap3A_135], %gather3A_134 {strides = array<i32>} : memref<1024xf32, #tpu.memory_space<vmem>>, vector<16xf32>,
      %mul3A_137 = arith.constant 64 : i32
      %mul3A_138 = arith.muli %scan3A_120, %mul3A_137 : i32
      %add3A_139 = arith.constant 32 : i32
      %add3A_140 = arith.addi %mul3A_138, %add3A_139 : i32
      %get3A_141 = arith.index_cast %add3A_140 : i32 to index
      %get3A_142 = tpu.vector_load %arg25[%get3A_141] {strides = array<i32>} : memref<1024xi32, #tpu.memory_space<vmem>>, vector<16xi32>,
      %broadcast_in_dim3A_143 = vector.broadcast %add3A_73 : i32 to vector<16xi32>
      %gather3A_144 = tpu.vector_load_idx %arg22[%get3A_142, %broadcast_in_dim3A_143] : memref<4x64xf32, #tpu.memory_space<vmem>>[vector<16xi32>, vector<16xi32>], vector<16xf32>,
      %swap3A_145 = arith.index_cast %add3A_140 : i32 to index
      %swap3A_146 = tpu.vector_load %arg26[%swap3A_145] {strides = array<i32>} : memref<1024xf32, #tpu.memory_space<vmem>>, vector<16xf32>,
      tpu.vector_store %arg26[%swap3A_145], %gather3A_144 {strides = array<i32>} : memref<1024xf32, #tpu.memory_space<vmem>>, vector<16xf32>,
      %mul3A_147 = arith.constant 64 : i32
      %mul3A_148 = arith.muli %scan3A_120, %mul3A_147 : i32
      %add3A_149 = arith.constant 48 : i32
      %add3A_150 = arith.addi %mul3A_148, %add3A_149 : i32
      %get3A_151 = arith.index_cast %add3A_150 : i32 to index
      %get3A_152 = tpu.vector_load %arg25[%get3A_151] {strides = array<i32>} : memref<1024xi32, #tpu.memory_space<vmem>>, vector<16xi32>,
      %broadcast_in_dim3A_153 = vector.broadcast %add3A_73 : i32 to vector<16xi32>
      %gather3A_154 = tpu.vector_load_idx %arg22[%get3A_152, %broadcast_in_dim3A_153] : memref<4x64xf32, #tpu.memory_space<vmem>>[vector<16xi32>, vector<16xi32>], vector<16xf32>,
      %swap3A_155 = arith.index_cast %add3A_150 : i32 to index
      %swap3A_156 = tpu.vector_load %arg26[%swap3A_155] {strides = array<i32>} : memref<1024xf32, #tpu.memory_space<vmem>>, vector<16xf32>,
      tpu.vector_store %arg26[%swap3A_155], %gather3A_154 {strides = array<i32>} : memref<1024xf32, #tpu.memory_space<vmem>>, vector<16xf32>,
    }
    %scan3A_79 = arith.constant 16 : i32
    "tpu.region"() ({
      %run_scoped3A = tpu.sem_alloc : memref<!tpu.dma_semaphore, #tpu.memory_space<semaphore_mem>>
      %dma_start3A = arith.constant 0 : i32
      %dma_start3A_120 = tpu.memref_slice %arg17[%add3A_73, %dma_start3A] : memref<64x1024xf32, #tpu.memory_space<hbm>> -> memref<1x1024xf32, #tpu.memory_space<hbm>>
      %dma_start3A_121 = tpu.memref_squeeze %dma_start3A_120 : memref<1x1024xf32, #tpu.memory_space<hbm>> -> memref<1024xf32, #tpu.memory_space<hbm>>
      %dma_start3A_122 = arith.constant 0 : i32
      %dma_start3A_123 = tpu.memref_slice %arg17[%add3A_73, %dma_start3A_122] : memref<64x1024xf32, #tpu.memory_space<hbm>> -> memref<1x1024xf32, #tpu.memory_space<hbm>>
      %dma_start3A_124 = tpu.memref_squeeze %dma_start3A_123 : memref<1x1024xf32, #tpu.memory_space<hbm>> -> memref<1024xf32, #tpu.memory_space<hbm>>
      tpu.enqueue_dma source(%arg26 : memref<1024xf32, #tpu.memory_space<vmem>>) target(%dma_start3A_124 : memref<1024xf32, #tpu.memory_space<hbm>>) target_semaphore(%run_scoped3A : memref<!tpu.dma_semaphore, #tpu.memory_space<semaphore_mem>>)
      %dma_wait3A = arith.constant 0 : i32
      %dma_wait3A_125 = tpu.memref_slice %arg17[%add3A_73, %dma_wait3A] : memref<64x1024xf32, #tpu.memory_space<hbm>> -> memref<1x1024xf32, #tpu.memory_space<hbm>>
      %dma_wait3A_126 = tpu.memref_squeeze %dma_wait3A_125 : memref<1x1024xf32, #tpu.memory_space<hbm>> -> memref<1024xf32, #tpu.memory_space<hbm>>
      %dma_wait3A_127 = arith.constant 0 : i32
      %dma_wait3A_128 = tpu.memref_slice %arg17[%add3A_73, %dma_wait3A_127] : memref<64x1024xf32, #tpu.memory_space<hbm>> -> memref<1x1024xf32, #tpu.memory_space<hbm>>
      %dma_wait3A_129 = tpu.memref_squeeze %dma_wait3A_128 : memref<1x1024xf32, #tpu.memory_space<hbm>> -> memref<1024xf32, #tpu.memory_space<hbm>>
      tpu.wait_dma2 semaphore(%run_scoped3A : memref<!tpu.dma_semaphore, #tpu.memory_space<semaphore_mem>>) src(%arg26 : memref<1024xf32, #tpu.memory_space<vmem>>) dst(%dma_wait3A_129 : memref<1024xf32, #tpu.memory_space<hbm>>)
      tpu.yield
    }) : () -> ()
    "tpu.region"() ({
      %run_scoped3A = tpu.sem_alloc : memref<!tpu.dma_semaphore, #tpu.memory_space<semaphore_mem>>
      tpu.enqueue_dma source(%arg12 : memref<1024xi32, #tpu.memory_space<hbm>>) target(%arg25 : memref<1024xi32, #tpu.memory_space<vmem>>) target_semaphore(%run_scoped3A : memref<!tpu.dma_semaphore, #tpu.memory_space<semaphore_mem>>)
      tpu.wait_dma2 semaphore(%run_scoped3A : memref<!tpu.dma_semaphore, #tpu.memory_space<semaphore_mem>>) src(%arg12 : memref<1024xi32, #tpu.memory_space<hbm>>) dst(%arg25 : memref<1024xi32, #tpu.memory_space<vmem>>)
      tpu.yield
    }) : () -> ()
    %mul3A_80 = arith.constant 2 : i32
    %mul3A_81 = arith.muli %add3A, %mul3A_80 : i32
    %add3A_82 = arith.constant 0 : i32
    %add3A_83 = arith.addi %mul3A_81, %add3A_82 : i32
    %scan3A_84 = arith.constant 0 : i32
    %scan3A_85 = arith.constant 0 : i32
    %scan3A_86 = arith.constant 16 : i32
    %scan3A_87 = arith.addi %scan3A_85, %scan3A_86 : i32
    %scan3A_88 = arith.constant 1 : i32
    scf.for %scan3A_120 = %scan3A_85 to %scan3A_87 step %scan3A_88  : i32 {
      %mul3A_121 = arith.constant 64 : i32
      %mul3A_122 = arith.muli %scan3A_120, %mul3A_121 : i32
      %add3A_123 = arith.constant 0 : i32
      %add3A_124 = arith.addi %mul3A_122, %add3A_123 : i32
      %get3A = arith.index_cast %add3A_124 : i32 to index
      %get3A_125 = tpu.vector_load %arg25[%get3A] {strides = array<i32>} : memref<1024xi32, #tpu.memory_space<vmem>>, vector<16xi32>,
      %broadcast_in_dim3A = vector.broadcast %add3A_83 : i32 to vector<16xi32>
      %gather3A = tpu.vector_load_idx %arg23[%get3A_125, %broadcast_in_dim3A] : memref<8x64xf32, #tpu.memory_space<vmem>>[vector<16xi32>, vector<16xi32>], vector<16xf32>,
      %swap3A = arith.index_cast %add3A_124 : i32 to index
      %swap3A_126 = tpu.vector_load %arg26[%swap3A] {strides = array<i32>} : memref<1024xf32, #tpu.memory_space<vmem>>, vector<16xf32>,
      tpu.vector_store %arg26[%swap3A], %gather3A {strides = array<i32>} : memref<1024xf32, #tpu.memory_space<vmem>>, vector<16xf32>,
      %mul3A_127 = arith.constant 64 : i32
      %mul3A_128 = arith.muli %scan3A_120, %mul3A_127 : i32
      %add3A_129 = arith.constant 16 : i32
      %add3A_130 = arith.addi %mul3A_128, %add3A_129 : i32
      %get3A_131 = arith.index_cast %add3A_130 : i32 to index
      %get3A_132 = tpu.vector_load %arg25[%get3A_131] {strides = array<i32>} : memref<1024xi32, #tpu.memory_space<vmem>>, vector<16xi32>,
      %broadcast_in_dim3A_133 = vector.broadcast %add3A_83 : i32 to vector<16xi32>
      %gather3A_134 = tpu.vector_load_idx %arg23[%get3A_132, %broadcast_in_dim3A_133] : memref<8x64xf32, #tpu.memory_space<vmem>>[vector<16xi32>, vector<16xi32>], vector<16xf32>,
      %swap3A_135 = arith.index_cast %add3A_130 : i32 to index
      %swap3A_136 = tpu.vector_load %arg26[%swap3A_135] {strides = array<i32>} : memref<1024xf32, #tpu.memory_space<vmem>>, vector<16xf32>,
      tpu.vector_store %arg26[%swap3A_135], %gather3A_134 {strides = array<i32>} : memref<1024xf32, #tpu.memory_space<vmem>>, vector<16xf32>,
      %mul3A_137 = arith.constant 64 : i32
      %mul3A_138 = arith.muli %scan3A_120, %mul3A_137 : i32
      %add3A_139 = arith.constant 32 : i32
      %add3A_140 = arith.addi %mul3A_138, %add3A_139 : i32
      %get3A_141 = arith.index_cast %add3A_140 : i32 to index
      %get3A_142 = tpu.vector_load %arg25[%get3A_141] {strides = array<i32>} : memref<1024xi32, #tpu.memory_space<vmem>>, vector<16xi32>,
      %broadcast_in_dim3A_143 = vector.broadcast %add3A_83 : i32 to vector<16xi32>
      %gather3A_144 = tpu.vector_load_idx %arg23[%get3A_142, %broadcast_in_dim3A_143] : memref<8x64xf32, #tpu.memory_space<vmem>>[vector<16xi32>, vector<16xi32>], vector<16xf32>,
      %swap3A_145 = arith.index_cast %add3A_140 : i32 to index
      %swap3A_146 = tpu.vector_load %arg26[%swap3A_145] {strides = array<i32>} : memref<1024xf32, #tpu.memory_space<vmem>>, vector<16xf32>,
      tpu.vector_store %arg26[%swap3A_145], %gather3A_144 {strides = array<i32>} : memref<1024xf32, #tpu.memory_space<vmem>>, vector<16xf32>,
      %mul3A_147 = arith.constant 64 : i32
      %mul3A_148 = arith.muli %scan3A_120, %mul3A_147 : i32
      %add3A_149 = arith.constant 48 : i32
      %add3A_150 = arith.addi %mul3A_148, %add3A_149 : i32
      %get3A_151 = arith.index_cast %add3A_150 : i32 to index
      %get3A_152 = tpu.vector_load %arg25[%get3A_151] {strides = array<i32>} : memref<1024xi32, #tpu.memory_space<vmem>>, vector<16xi32>,
      %broadcast_in_dim3A_153 = vector.broadcast %add3A_83 : i32 to vector<16xi32>
      %gather3A_154 = tpu.vector_load_idx %arg23[%get3A_152, %broadcast_in_dim3A_153] : memref<8x64xf32, #tpu.memory_space<vmem>>[vector<16xi32>, vector<16xi32>], vector<16xf32>,
      %swap3A_155 = arith.index_cast %add3A_150 : i32 to index
      %swap3A_156 = tpu.vector_load %arg26[%swap3A_155] {strides = array<i32>} : memref<1024xf32, #tpu.memory_space<vmem>>, vector<16xf32>,
      tpu.vector_store %arg26[%swap3A_155], %gather3A_154 {strides = array<i32>} : memref<1024xf32, #tpu.memory_space<vmem>>, vector<16xf32>,
    }
    %scan3A_89 = arith.constant 16 : i32
    "tpu.region"() ({
      %run_scoped3A = tpu.sem_alloc : memref<!tpu.dma_semaphore, #tpu.memory_space<semaphore_mem>>
      %dma_start3A = arith.constant 0 : i32
      %dma_start3A_120 = tpu.memref_slice %arg18[%add3A_83, %dma_start3A] : memref<64x1024xf32, #tpu.memory_space<hbm>> -> memref<1x1024xf32, #tpu.memory_space<hbm>>
      %dma_start3A_121 = tpu.memref_squeeze %dma_start3A_120 : memref<1x1024xf32, #tpu.memory_space<hbm>> -> memref<1024xf32, #tpu.memory_space<hbm>>
      %dma_start3A_122 = arith.constant 0 : i32
      %dma_start3A_123 = tpu.memref_slice %arg18[%add3A_83, %dma_start3A_122] : memref<64x1024xf32, #tpu.memory_space<hbm>> -> memref<1x1024xf32, #tpu.memory_space<hbm>>
      %dma_start3A_124 = tpu.memref_squeeze %dma_start3A_123 : memref<1x1024xf32, #tpu.memory_space<hbm>> -> memref<1024xf32, #tpu.memory_space<hbm>>
      tpu.enqueue_dma source(%arg26 : memref<1024xf32, #tpu.memory_space<vmem>>) target(%dma_start3A_124 : memref<1024xf32, #tpu.memory_space<hbm>>) target_semaphore(%run_scoped3A : memref<!tpu.dma_semaphore, #tpu.memory_space<semaphore_mem>>)
      %dma_wait3A = arith.constant 0 : i32
      %dma_wait3A_125 = tpu.memref_slice %arg18[%add3A_83, %dma_wait3A] : memref<64x1024xf32, #tpu.memory_space<hbm>> -> memref<1x1024xf32, #tpu.memory_space<hbm>>
      %dma_wait3A_126 = tpu.memref_squeeze %dma_wait3A_125 : memref<1x1024xf32, #tpu.memory_space<hbm>> -> memref<1024xf32, #tpu.memory_space<hbm>>
      %dma_wait3A_127 = arith.constant 0 : i32
      %dma_wait3A_128 = tpu.memref_slice %arg18[%add3A_83, %dma_wait3A_127] : memref<64x1024xf32, #tpu.memory_space<hbm>> -> memref<1x1024xf32, #tpu.memory_space<hbm>>
      %dma_wait3A_129 = tpu.memref_squeeze %dma_wait3A_128 : memref<1x1024xf32, #tpu.memory_space<hbm>> -> memref<1024xf32, #tpu.memory_space<hbm>>
      tpu.wait_dma2 semaphore(%run_scoped3A : memref<!tpu.dma_semaphore, #tpu.memory_space<semaphore_mem>>) src(%arg26 : memref<1024xf32, #tpu.memory_space<vmem>>) dst(%dma_wait3A_129 : memref<1024xf32, #tpu.memory_space<hbm>>)
      tpu.yield
    }) : () -> ()
    %mul3A_90 = arith.constant 2 : i32
    %mul3A_91 = arith.muli %add3A, %mul3A_90 : i32
    %add3A_92 = arith.constant 1 : i32
    %add3A_93 = arith.addi %mul3A_91, %add3A_92 : i32
    %scan3A_94 = arith.constant 0 : i32
    %scan3A_95 = arith.constant 0 : i32
    %scan3A_96 = arith.constant 16 : i32
    %scan3A_97 = arith.addi %scan3A_95, %scan3A_96 : i32
    %scan3A_98 = arith.constant 1 : i32
    scf.for %scan3A_120 = %scan3A_95 to %scan3A_97 step %scan3A_98  : i32 {
      %mul3A_121 = arith.constant 64 : i32
      %mul3A_122 = arith.muli %scan3A_120, %mul3A_121 : i32
      %add3A_123 = arith.constant 0 : i32
      %add3A_124 = arith.addi %mul3A_122, %add3A_123 : i32
      %get3A = arith.index_cast %add3A_124 : i32 to index
      %get3A_125 = tpu.vector_load %arg25[%get3A] {strides = array<i32>} : memref<1024xi32, #tpu.memory_space<vmem>>, vector<16xi32>,
      %broadcast_in_dim3A = vector.broadcast %add3A_93 : i32 to vector<16xi32>
      %gather3A = tpu.vector_load_idx %arg23[%get3A_125, %broadcast_in_dim3A] : memref<8x64xf32, #tpu.memory_space<vmem>>[vector<16xi32>, vector<16xi32>], vector<16xf32>,
      %swap3A = arith.index_cast %add3A_124 : i32 to index
      %swap3A_126 = tpu.vector_load %arg26[%swap3A] {strides = array<i32>} : memref<1024xf32, #tpu.memory_space<vmem>>, vector<16xf32>,
      tpu.vector_store %arg26[%swap3A], %gather3A {strides = array<i32>} : memref<1024xf32, #tpu.memory_space<vmem>>, vector<16xf32>,
      %mul3A_127 = arith.constant 64 : i32
      %mul3A_128 = arith.muli %scan3A_120, %mul3A_127 : i32
      %add3A_129 = arith.constant 16 : i32
      %add3A_130 = arith.addi %mul3A_128, %add3A_129 : i32
      %get3A_131 = arith.index_cast %add3A_130 : i32 to index
      %get3A_132 = tpu.vector_load %arg25[%get3A_131] {strides = array<i32>} : memref<1024xi32, #tpu.memory_space<vmem>>, vector<16xi32>,
      %broadcast_in_dim3A_133 = vector.broadcast %add3A_93 : i32 to vector<16xi32>
      %gather3A_134 = tpu.vector_load_idx %arg23[%get3A_132, %broadcast_in_dim3A_133] : memref<8x64xf32, #tpu.memory_space<vmem>>[vector<16xi32>, vector<16xi32>], vector<16xf32>,
      %swap3A_135 = arith.index_cast %add3A_130 : i32 to index
      %swap3A_136 = tpu.vector_load %arg26[%swap3A_135] {strides = array<i32>} : memref<1024xf32, #tpu.memory_space<vmem>>, vector<16xf32>,
      tpu.vector_store %arg26[%swap3A_135], %gather3A_134 {strides = array<i32>} : memref<1024xf32, #tpu.memory_space<vmem>>, vector<16xf32>,
      %mul3A_137 = arith.constant 64 : i32
      %mul3A_138 = arith.muli %scan3A_120, %mul3A_137 : i32
      %add3A_139 = arith.constant 32 : i32
      %add3A_140 = arith.addi %mul3A_138, %add3A_139 : i32
      %get3A_141 = arith.index_cast %add3A_140 : i32 to index
      %get3A_142 = tpu.vector_load %arg25[%get3A_141] {strides = array<i32>} : memref<1024xi32, #tpu.memory_space<vmem>>, vector<16xi32>,
      %broadcast_in_dim3A_143 = vector.broadcast %add3A_93 : i32 to vector<16xi32>
      %gather3A_144 = tpu.vector_load_idx %arg23[%get3A_142, %broadcast_in_dim3A_143] : memref<8x64xf32, #tpu.memory_space<vmem>>[vector<16xi32>, vector<16xi32>], vector<16xf32>,
      %swap3A_145 = arith.index_cast %add3A_140 : i32 to index
      %swap3A_146 = tpu.vector_load %arg26[%swap3A_145] {strides = array<i32>} : memref<1024xf32, #tpu.memory_space<vmem>>, vector<16xf32>,
      tpu.vector_store %arg26[%swap3A_145], %gather3A_144 {strides = array<i32>} : memref<1024xf32, #tpu.memory_space<vmem>>, vector<16xf32>,
      %mul3A_147 = arith.constant 64 : i32
      %mul3A_148 = arith.muli %scan3A_120, %mul3A_147 : i32
      %add3A_149 = arith.constant 48 : i32
      %add3A_150 = arith.addi %mul3A_148, %add3A_149 : i32
      %get3A_151 = arith.index_cast %add3A_150 : i32 to index
      %get3A_152 = tpu.vector_load %arg25[%get3A_151] {strides = array<i32>} : memref<1024xi32, #tpu.memory_space<vmem>>, vector<16xi32>,
      %broadcast_in_dim3A_153 = vector.broadcast %add3A_93 : i32 to vector<16xi32>
      %gather3A_154 = tpu.vector_load_idx %arg23[%get3A_152, %broadcast_in_dim3A_153] : memref<8x64xf32, #tpu.memory_space<vmem>>[vector<16xi32>, vector<16xi32>], vector<16xf32>,
      %swap3A_155 = arith.index_cast %add3A_150 : i32 to index
      %swap3A_156 = tpu.vector_load %arg26[%swap3A_155] {strides = array<i32>} : memref<1024xf32, #tpu.memory_space<vmem>>, vector<16xf32>,
      tpu.vector_store %arg26[%swap3A_155], %gather3A_154 {strides = array<i32>} : memref<1024xf32, #tpu.memory_space<vmem>>, vector<16xf32>,
    }
    %scan3A_99 = arith.constant 16 : i32
    "tpu.region"() ({
      %run_scoped3A = tpu.sem_alloc : memref<!tpu.dma_semaphore, #tpu.memory_space<semaphore_mem>>
      %dma_start3A = arith.constant 0 : i32
      %dma_start3A_120 = tpu.memref_slice %arg18[%add3A_93, %dma_start3A] : memref<64x1024xf32, #tpu.memory_space<hbm>> -> memref<1x1024xf32, #tpu.memory_space<hbm>>
      %dma_start3A_121 = tpu.memref_squeeze %dma_start3A_120 : memref<1x1024xf32, #tpu.memory_space<hbm>> -> memref<1024xf32, #tpu.memory_space<hbm>>
      %dma_start3A_122 = arith.constant 0 : i32
      %dma_start3A_123 = tpu.memref_slice %arg18[%add3A_93, %dma_start3A_122] : memref<64x1024xf32, #tpu.memory_space<hbm>> -> memref<1x1024xf32, #tpu.memory_space<hbm>>
      %dma_start3A_124 = tpu.memref_squeeze %dma_start3A_123 : memref<1x1024xf32, #tpu.memory_space<hbm>> -> memref<1024xf32, #tpu.memory_space<hbm>>
      tpu.enqueue_dma source(%arg26 : memref<1024xf32, #tpu.memory_space<vmem>>) target(%dma_start3A_124 : memref<1024xf32, #tpu.memory_space<hbm>>) target_semaphore(%run_scoped3A : memref<!tpu.dma_semaphore, #tpu.memory_space<semaphore_mem>>)
      %dma_wait3A = arith.constant 0 : i32
      %dma_wait3A_125 = tpu.memref_slice %arg18[%add3A_93, %dma_wait3A] : memref<64x1024xf32, #tpu.memory_space<hbm>> -> memref<1x1024xf32, #tpu.memory_space<hbm>>
      %dma_wait3A_126 = tpu.memref_squeeze %dma_wait3A_125 : memref<1x1024xf32, #tpu.memory_space<hbm>> -> memref<1024xf32, #tpu.memory_space<hbm>>
      %dma_wait3A_127 = arith.constant 0 : i32
      %dma_wait3A_128 = tpu.memref_slice %arg18[%add3A_93, %dma_wait3A_127] : memref<64x1024xf32, #tpu.memory_space<hbm>> -> memref<1x1024xf32, #tpu.memory_space<hbm>>
      %dma_wait3A_129 = tpu.memref_squeeze %dma_wait3A_128 : memref<1x1024xf32, #tpu.memory_space<hbm>> -> memref<1024xf32, #tpu.memory_space<hbm>>
      tpu.wait_dma2 semaphore(%run_scoped3A : memref<!tpu.dma_semaphore, #tpu.memory_space<semaphore_mem>>) src(%arg26 : memref<1024xf32, #tpu.memory_space<vmem>>) dst(%dma_wait3A_129 : memref<1024xf32, #tpu.memory_space<hbm>>)
      tpu.yield
    }) : () -> ()
    "tpu.region"() ({
      %run_scoped3A = tpu.sem_alloc : memref<!tpu.dma_semaphore, #tpu.memory_space<semaphore_mem>>
      tpu.enqueue_dma source(%arg13 : memref<1024xi32, #tpu.memory_space<hbm>>) target(%arg25 : memref<1024xi32, #tpu.memory_space<vmem>>) target_semaphore(%run_scoped3A : memref<!tpu.dma_semaphore, #tpu.memory_space<semaphore_mem>>)
      tpu.wait_dma2 semaphore(%run_scoped3A : memref<!tpu.dma_semaphore, #tpu.memory_space<semaphore_mem>>) src(%arg13 : memref<1024xi32, #tpu.memory_space<hbm>>) dst(%arg25 : memref<1024xi32, #tpu.memory_space<vmem>>)
      tpu.yield
    }) : () -> ()
    %mul3A_100 = arith.constant 2 : i32
    %mul3A_101 = arith.muli %add3A, %mul3A_100 : i32
    %add3A_102 = arith.constant 0 : i32
    %add3A_103 = arith.addi %mul3A_101, %add3A_102 : i32
    %scan3A_104 = arith.constant 0 : i32
    %scan3A_105 = arith.constant 0 : i32
    %scan3A_106 = arith.constant 16 : i32
    %scan3A_107 = arith.addi %scan3A_105, %scan3A_106 : i32
    %scan3A_108 = arith.constant 1 : i32
    scf.for %scan3A_120 = %scan3A_105 to %scan3A_107 step %scan3A_108  : i32 {
      %mul3A_121 = arith.constant 64 : i32
      %mul3A_122 = arith.muli %scan3A_120, %mul3A_121 : i32
      %add3A_123 = arith.constant 0 : i32
      %add3A_124 = arith.addi %mul3A_122, %add3A_123 : i32
      %get3A = arith.index_cast %add3A_124 : i32 to index
      %get3A_125 = tpu.vector_load %arg25[%get3A] {strides = array<i32>} : memref<1024xi32, #tpu.memory_space<vmem>>, vector<16xi32>,
      %broadcast_in_dim3A = vector.broadcast %add3A_103 : i32 to vector<16xi32>
      %gather3A = tpu.vector_load_idx %arg24[%get3A_125, %broadcast_in_dim3A] : memref<32x64xf32, #tpu.memory_space<vmem>>[vector<16xi32>, vector<16xi32>], vector<16xf32>,
      %swap3A = arith.index_cast %add3A_124 : i32 to index
      %swap3A_126 = tpu.vector_load %arg26[%swap3A] {strides = array<i32>} : memref<1024xf32, #tpu.memory_space<vmem>>, vector<16xf32>,
      tpu.vector_store %arg26[%swap3A], %gather3A {strides = array<i32>} : memref<1024xf32, #tpu.memory_space<vmem>>, vector<16xf32>,
      %mul3A_127 = arith.constant 64 : i32
      %mul3A_128 = arith.muli %scan3A_120, %mul3A_127 : i32
      %add3A_129 = arith.constant 16 : i32
      %add3A_130 = arith.addi %mul3A_128, %add3A_129 : i32
      %get3A_131 = arith.index_cast %add3A_130 : i32 to index
      %get3A_132 = tpu.vector_load %arg25[%get3A_131] {strides = array<i32>} : memref<1024xi32, #tpu.memory_space<vmem>>, vector<16xi32>,
      %broadcast_in_dim3A_133 = vector.broadcast %add3A_103 : i32 to vector<16xi32>
      %gather3A_134 = tpu.vector_load_idx %arg24[%get3A_132, %broadcast_in_dim3A_133] : memref<32x64xf32, #tpu.memory_space<vmem>>[vector<16xi32>, vector<16xi32>], vector<16xf32>,
      %swap3A_135 = arith.index_cast %add3A_130 : i32 to index
      %swap3A_136 = tpu.vector_load %arg26[%swap3A_135] {strides = array<i32>} : memref<1024xf32, #tpu.memory_space<vmem>>, vector<16xf32>,
      tpu.vector_store %arg26[%swap3A_135], %gather3A_134 {strides = array<i32>} : memref<1024xf32, #tpu.memory_space<vmem>>, vector<16xf32>,
      %mul3A_137 = arith.constant 64 : i32
      %mul3A_138 = arith.muli %scan3A_120, %mul3A_137 : i32
      %add3A_139 = arith.constant 32 : i32
      %add3A_140 = arith.addi %mul3A_138, %add3A_139 : i32
      %get3A_141 = arith.index_cast %add3A_140 : i32 to index
      %get3A_142 = tpu.vector_load %arg25[%get3A_141] {strides = array<i32>} : memref<1024xi32, #tpu.memory_space<vmem>>, vector<16xi32>,
      %broadcast_in_dim3A_143 = vector.broadcast %add3A_103 : i32 to vector<16xi32>
      %gather3A_144 = tpu.vector_load_idx %arg24[%get3A_142, %broadcast_in_dim3A_143] : memref<32x64xf32, #tpu.memory_space<vmem>>[vector<16xi32>, vector<16xi32>], vector<16xf32>,
      %swap3A_145 = arith.index_cast %add3A_140 : i32 to index
      %swap3A_146 = tpu.vector_load %arg26[%swap3A_145] {strides = array<i32>} : memref<1024xf32, #tpu.memory_space<vmem>>, vector<16xf32>,
      tpu.vector_store %arg26[%swap3A_145], %gather3A_144 {strides = array<i32>} : memref<1024xf32, #tpu.memory_space<vmem>>, vector<16xf32>,
      %mul3A_147 = arith.constant 64 : i32
      %mul3A_148 = arith.muli %scan3A_120, %mul3A_147 : i32
      %add3A_149 = arith.constant 48 : i32
      %add3A_150 = arith.addi %mul3A_148, %add3A_149 : i32
      %get3A_151 = arith.index_cast %add3A_150 : i32 to index
      %get3A_152 = tpu.vector_load %arg25[%get3A_151] {strides = array<i32>} : memref<1024xi32, #tpu.memory_space<vmem>>, vector<16xi32>,
      %broadcast_in_dim3A_153 = vector.broadcast %add3A_103 : i32 to vector<16xi32>
      %gather3A_154 = tpu.vector_load_idx %arg24[%get3A_152, %broadcast_in_dim3A_153] : memref<32x64xf32, #tpu.memory_space<vmem>>[vector<16xi32>, vector<16xi32>], vector<16xf32>,
      %swap3A_155 = arith.index_cast %add3A_150 : i32 to index
      %swap3A_156 = tpu.vector_load %arg26[%swap3A_155] {strides = array<i32>} : memref<1024xf32, #tpu.memory_space<vmem>>, vector<16xf32>,
      tpu.vector_store %arg26[%swap3A_155], %gather3A_154 {strides = array<i32>} : memref<1024xf32, #tpu.memory_space<vmem>>, vector<16xf32>,
    }
    %scan3A_109 = arith.constant 16 : i32
    "tpu.region"() ({
      %run_scoped3A = tpu.sem_alloc : memref<!tpu.dma_semaphore, #tpu.memory_space<semaphore_mem>>
      %dma_start3A = arith.constant 0 : i32
      %dma_start3A_120 = tpu.memref_slice %arg19[%add3A_103, %dma_start3A] : memref<64x1024xf32, #tpu.memory_space<hbm>> -> memref<1x1024xf32, #tpu.memory_space<hbm>>
      %dma_start3A_121 = tpu.memref_squeeze %dma_start3A_120 : memref<1x1024xf32, #tpu.memory_space<hbm>> -> memref<1024xf32, #tpu.memory_space<hbm>>
      %dma_start3A_122 = arith.constant 0 : i32
      %dma_start3A_123 = tpu.memref_slice %arg19[%add3A_103, %dma_start3A_122] : memref<64x1024xf32, #tpu.memory_space<hbm>> -> memref<1x1024xf32, #tpu.memory_space<hbm>>
      %dma_start3A_124 = tpu.memref_squeeze %dma_start3A_123 : memref<1x1024xf32, #tpu.memory_space<hbm>> -> memref<1024xf32, #tpu.memory_space<hbm>>
      tpu.enqueue_dma source(%arg26 : memref<1024xf32, #tpu.memory_space<vmem>>) target(%dma_start3A_124 : memref<1024xf32, #tpu.memory_space<hbm>>) target_semaphore(%run_scoped3A : memref<!tpu.dma_semaphore, #tpu.memory_space<semaphore_mem>>)
      %dma_wait3A = arith.constant 0 : i32
      %dma_wait3A_125 = tpu.memref_slice %arg19[%add3A_103, %dma_wait3A] : memref<64x1024xf32, #tpu.memory_space<hbm>> -> memref<1x1024xf32, #tpu.memory_space<hbm>>
      %dma_wait3A_126 = tpu.memref_squeeze %dma_wait3A_125 : memref<1x1024xf32, #tpu.memory_space<hbm>> -> memref<1024xf32, #tpu.memory_space<hbm>>
      %dma_wait3A_127 = arith.constant 0 : i32
      %dma_wait3A_128 = tpu.memref_slice %arg19[%add3A_103, %dma_wait3A_127] : memref<64x1024xf32, #tpu.memory_space<hbm>> -> memref<1x1024xf32, #tpu.memory_space<hbm>>
      %dma_wait3A_129 = tpu.memref_squeeze %dma_wait3A_128 : memref<1x1024xf32, #tpu.memory_space<hbm>> -> memref<1024xf32, #tpu.memory_space<hbm>>
      tpu.wait_dma2 semaphore(%run_scoped3A : memref<!tpu.dma_semaphore, #tpu.memory_space<semaphore_mem>>) src(%arg26 : memref<1024xf32, #tpu.memory_space<vmem>>) dst(%dma_wait3A_129 : memref<1024xf32, #tpu.memory_space<hbm>>)
      tpu.yield
    }) : () -> ()
    %mul3A_110 = arith.constant 2 : i32
    %mul3A_111 = arith.muli %add3A, %mul3A_110 : i32
    %add3A_112 = arith.constant 1 : i32
    %add3A_113 = arith.addi %mul3A_111, %add3A_112 : i32
    %scan3A_114 = arith.constant 0 : i32
    %scan3A_115 = arith.constant 0 : i32
    %scan3A_116 = arith.constant 16 : i32
    %scan3A_117 = arith.addi %scan3A_115, %scan3A_116 : i32
    %scan3A_118 = arith.constant 1 : i32
    scf.for %scan3A_120 = %scan3A_115 to %scan3A_117 step %scan3A_118  : i32 {
      %mul3A_121 = arith.constant 64 : i32
      %mul3A_122 = arith.muli %scan3A_120, %mul3A_121 : i32
      %add3A_123 = arith.constant 0 : i32
      %add3A_124 = arith.addi %mul3A_122, %add3A_123 : i32
      %get3A = arith.index_cast %add3A_124 : i32 to index
      %get3A_125 = tpu.vector_load %arg25[%get3A] {strides = array<i32>} : memref<1024xi32, #tpu.memory_space<vmem>>, vector<16xi32>,
      %broadcast_in_dim3A = vector.broadcast %add3A_113 : i32 to vector<16xi32>
      %gather3A = tpu.vector_load_idx %arg24[%get3A_125, %broadcast_in_dim3A] : memref<32x64xf32, #tpu.memory_space<vmem>>[vector<16xi32>, vector<16xi32>], vector<16xf32>,
      %swap3A = arith.index_cast %add3A_124 : i32 to index
      %swap3A_126 = tpu.vector_load %arg26[%swap3A] {strides = array<i32>} : memref<1024xf32, #tpu.memory_space<vmem>>, vector<16xf32>,
      tpu.vector_store %arg26[%swap3A], %gather3A {strides = array<i32>} : memref<1024xf32, #tpu.memory_space<vmem>>, vector<16xf32>,
      %mul3A_127 = arith.constant 64 : i32
      %mul3A_128 = arith.muli %scan3A_120, %mul3A_127 : i32
      %add3A_129 = arith.constant 16 : i32
      %add3A_130 = arith.addi %mul3A_128, %add3A_129 : i32
      %get3A_131 = arith.index_cast %add3A_130 : i32 to index
      %get3A_132 = tpu.vector_load %arg25[%get3A_131] {strides = array<i32>} : memref<1024xi32, #tpu.memory_space<vmem>>, vector<16xi32>,
      %broadcast_in_dim3A_133 = vector.broadcast %add3A_113 : i32 to vector<16xi32>
      %gather3A_134 = tpu.vector_load_idx %arg24[%get3A_132, %broadcast_in_dim3A_133] : memref<32x64xf32, #tpu.memory_space<vmem>>[vector<16xi32>, vector<16xi32>], vector<16xf32>,
      %swap3A_135 = arith.index_cast %add3A_130 : i32 to index
      %swap3A_136 = tpu.vector_load %arg26[%swap3A_135] {strides = array<i32>} : memref<1024xf32, #tpu.memory_space<vmem>>, vector<16xf32>,
      tpu.vector_store %arg26[%swap3A_135], %gather3A_134 {strides = array<i32>} : memref<1024xf32, #tpu.memory_space<vmem>>, vector<16xf32>,
      %mul3A_137 = arith.constant 64 : i32
      %mul3A_138 = arith.muli %scan3A_120, %mul3A_137 : i32
      %add3A_139 = arith.constant 32 : i32
      %add3A_140 = arith.addi %mul3A_138, %add3A_139 : i32
      %get3A_141 = arith.index_cast %add3A_140 : i32 to index
      %get3A_142 = tpu.vector_load %arg25[%get3A_141] {strides = array<i32>} : memref<1024xi32, #tpu.memory_space<vmem>>, vector<16xi32>,
      %broadcast_in_dim3A_143 = vector.broadcast %add3A_113 : i32 to vector<16xi32>
      %gather3A_144 = tpu.vector_load_idx %arg24[%get3A_142, %broadcast_in_dim3A_143] : memref<32x64xf32, #tpu.memory_space<vmem>>[vector<16xi32>, vector<16xi32>], vector<16xf32>,
      %swap3A_145 = arith.index_cast %add3A_140 : i32 to index
      %swap3A_146 = tpu.vector_load %arg26[%swap3A_145] {strides = array<i32>} : memref<1024xf32, #tpu.memory_space<vmem>>, vector<16xf32>,
      tpu.vector_store %arg26[%swap3A_145], %gather3A_144 {strides = array<i32>} : memref<1024xf32, #tpu.memory_space<vmem>>, vector<16xf32>,
      %mul3A_147 = arith.constant 64 : i32
      %mul3A_148 = arith.muli %scan3A_120, %mul3A_147 : i32
      %add3A_149 = arith.constant 48 : i32
      %add3A_150 = arith.addi %mul3A_148, %add3A_149 : i32
      %get3A_151 = arith.index_cast %add3A_150 : i32 to index
      %get3A_152 = tpu.vector_load %arg25[%get3A_151] {strides = array<i32>} : memref<1024xi32, #tpu.memory_space<vmem>>, vector<16xi32>,
      %broadcast_in_dim3A_153 = vector.broadcast %add3A_113 : i32 to vector<16xi32>
      %gather3A_154 = tpu.vector_load_idx %arg24[%get3A_152, %broadcast_in_dim3A_153] : memref<32x64xf32, #tpu.memory_space<vmem>>[vector<16xi32>, vector<16xi32>], vector<16xf32>,
      %swap3A_155 = arith.index_cast %add3A_150 : i32 to index
      %swap3A_156 = tpu.vector_load %arg26[%swap3A_155] {strides = array<i32>} : memref<1024xf32, #tpu.memory_space<vmem>>, vector<16xf32>,
      tpu.vector_store %arg26[%swap3A_155], %gather3A_154 {strides = array<i32>} : memref<1024xf32, #tpu.memory_space<vmem>>, vector<16xf32>,
    }
    %scan3A_119 = arith.constant 16 : i32
    "tpu.region"() ({
      %run_scoped3A = tpu.sem_alloc : memref<!tpu.dma_semaphore, #tpu.memory_space<semaphore_mem>>
      %dma_start3A = arith.constant 0 : i32
      %dma_start3A_120 = tpu.memref_slice %arg19[%add3A_113, %dma_start3A] : memref<64x1024xf32, #tpu.memory_space<hbm>> -> memref<1x1024xf32, #tpu.memory_space<hbm>>
      %dma_start3A_121 = tpu.memref_squeeze %dma_start3A_120 : memref<1x1024xf32, #tpu.memory_space<hbm>> -> memref<1024xf32, #tpu.memory_space<hbm>>
      %dma_start3A_122 = arith.constant 0 : i32
      %dma_start3A_123 = tpu.memref_slice %arg19[%add3A_113, %dma_start3A_122] : memref<64x1024xf32, #tpu.memory_space<hbm>> -> memref<1x1024xf32, #tpu.memory_space<hbm>>
      %dma_start3A_124 = tpu.memref_squeeze %dma_start3A_123 : memref<1x1024xf32, #tpu.memory_space<hbm>> -> memref<1024xf32, #tpu.memory_space<hbm>>
      tpu.enqueue_dma source(%arg26 : memref<1024xf32, #tpu.memory_space<vmem>>) target(%dma_start3A_124 : memref<1024xf32, #tpu.memory_space<hbm>>) target_semaphore(%run_scoped3A : memref<!tpu.dma_semaphore, #tpu.memory_space<semaphore_mem>>)
      %dma_wait3A = arith.constant 0 : i32
      %dma_wait3A_125 = tpu.memref_slice %arg19[%add3A_113, %dma_wait3A] : memref<64x1024xf32, #tpu.memory_space<hbm>> -> memref<1x1024xf32, #tpu.memory_space<hbm>>
      %dma_wait3A_126 = tpu.memref_squeeze %dma_wait3A_125 : memref<1x1024xf32, #tpu.memory_space<hbm>> -> memref<1024xf32, #tpu.memory_space<hbm>>
      %dma_wait3A_127 = arith.constant 0 : i32
      %dma_wait3A_128 = tpu.memref_slice %arg19[%add3A_113, %dma_wait3A_127] : memref<64x1024xf32, #tpu.memory_space<hbm>> -> memref<1x1024xf32, #tpu.memory_space<hbm>>
      %dma_wait3A_129 = tpu.memref_squeeze %dma_wait3A_128 : memref<1x1024xf32, #tpu.memory_space<hbm>> -> memref<1024xf32, #tpu.memory_space<hbm>>
      tpu.wait_dma2 semaphore(%run_scoped3A : memref<!tpu.dma_semaphore, #tpu.memory_space<semaphore_mem>>) src(%arg26 : memref<1024xf32, #tpu.memory_space<vmem>>) dst(%dma_wait3A_129 : memref<1024xf32, #tpu.memory_space<hbm>>)
      tpu.yield
    }) : () -> ()
    return
  }
}

module attributes {stable_mosaic.version = 14 : i64} {
  func.func @_dot_body(%arg0: i32, %arg1: memref<4096x1024xf32, #tpu.memory_space<vmem>>, %arg2: memref<1x1024xf32, #tpu.memory_space<vmem>>) attributes {dimension_semantics = [#tpu.dimension_semantics<arbitrary>], iteration_bounds = array<i64: 27>, scalar_prefetch = 0 : i64, scratch_operands = 0 : i64, tpu.core_type = #tpu.core_type<tc>, window_params = [{transform_indices = @transform_0, window_bounds = array<i64: 4096, 1024>}, {pipeline_mode = #tpu.pipeline_mode<synchronous>, transform_indices = @transform_1, window_bounds = array<i64: 1, 1024>}]} {
    %eq3A = arith.constant 0 : i32
    %eq3A_0 = arith.cmpi eq, %arg0, %eq3A : i32
    %convert_element_type3A = arith.extui %eq3A_0 : i1 to i32
    %cond3A = arith.constant 0 : i32
    %cond3A_1 = arith.cmpi ne, %convert_element_type3A, %cond3A : i32
    scf.if %cond3A_1 {
      %broadcast_in_dim3A = arith.constant 0.000000e+00 : f32
      %broadcast_in_dim3A_11 = vector.broadcast %broadcast_in_dim3A : f32 to vector<1x1024xf32>
      %swap3A = arith.constant 0 : index
      %swap3A_12 = arith.constant 0 : index
      %swap3A_13 = vector.load %arg2[%swap3A, %swap3A_12] : memref<1x1024xf32, #tpu.memory_space<vmem>>, vector<1x1024xf32>
      tpu.vector_store %arg2[%swap3A, %swap3A_12], %broadcast_in_dim3A_11 {strides = array<i32>} : memref<1x1024xf32, #tpu.memory_space<vmem>>, vector<1x1024xf32>,
    } else {
    }
    %lt3A = arith.constant 26 : i32
    %lt3A_2 = arith.cmpi slt, %arg0, %lt3A : i32
    %convert_element_type3A_3 = arith.extui %lt3A_2 : i1 to i32
    %cond3A_4 = arith.constant 0 : i32
    %cond3A_5 = arith.cmpi ne, %convert_element_type3A_3, %cond3A_4 : i32
    scf.if %cond3A_5 {
      %broadcast_in_dim3A = arith.constant 1.000000e+00 : f32
      %broadcast_in_dim3A_11 = vector.broadcast %broadcast_in_dim3A : f32 to vector<1x4096xf32>
      %get3A = arith.constant 0 : index
      %get3A_12 = arith.constant 0 : index
      %get3A_13 = vector.load %arg2[%get3A, %get3A_12] : memref<1x1024xf32, #tpu.memory_space<vmem>>, vector<1x1024xf32>
      %get3A_14 = arith.constant 0 : index
      %get3A_15 = arith.constant 0 : index
      %get3A_16 = vector.load %arg1[%get3A_14, %get3A_15] : memref<4096x1024xf32, #tpu.memory_space<vmem>>, vector<4096x1024xf32>
      %dot_general3A = arith.constant dense<0.000000e+00> : vector<1x1024xf32>
      %dot_general3A_17 = tpu.matmul %broadcast_in_dim3A_11, %get3A_16, %dot_general3A {dimension_numbers = #tpu.dot_dimension_numbers<[1], [0], [0], [1], [0, 0, 1, 1], [], []>, transpose_lhs_hint = false} : vector<1x4096xf32>, vector<4096x1024xf32>, vector<1x1024xf32> -> vector<1x1024xf32>
      %add3A = arith.addf %get3A_13, %dot_general3A_17 : vector<1x1024xf32>
      %swap3A = arith.constant 0 : index
      %swap3A_18 = arith.constant 0 : index
      %swap3A_19 = vector.load %arg2[%swap3A, %swap3A_18] : memref<1x1024xf32, #tpu.memory_space<vmem>>, vector<1x1024xf32>
      tpu.vector_store %arg2[%swap3A, %swap3A_18], %add3A {strides = array<i32>} : memref<1x1024xf32, #tpu.memory_space<vmem>>, vector<1x1024xf32>,
    } else {
    }
    %eq3A_6 = arith.constant 26 : i32
    %eq3A_7 = arith.cmpi eq, %arg0, %eq3A_6 : i32
    %convert_element_type3A_8 = arith.extui %eq3A_7 : i1 to i32
    %cond3A_9 = arith.constant 0 : i32
    %cond3A_10 = arith.cmpi ne, %convert_element_type3A_8, %cond3A_9 : i32
    scf.if %cond3A_10 {
      %iota3A = tpu.iota {dimensions = array<i32: 1>} : vector<1x4096xi32>
      %iota3A_11 = tpu.iota {dimensions = array<i32: 0>} : vector<4096x1xi32>
      %lt3A_12 = arith.constant 1580 : i32
      %lt3A_13 = vector.broadcast %lt3A_12 : i32 to vector<1x4096xi32>
      %lt3A_14 = arith.cmpi slt, %iota3A, %lt3A_13 : vector<1x4096xi32>
      %jit3A = arith.constant 1.000000e+00 : f32
      %jit3A_15 = arith.constant 0.000000e+00 : f32
      %broadcast_in_dim3A = vector.broadcast %jit3A : f32 to vector<1x4096xf32>
      %broadcast_in_dim3A_16 = vector.broadcast %jit3A_15 : f32 to vector<1x4096xf32>
      %select_n3A = arith.select %lt3A_14, %broadcast_in_dim3A, %broadcast_in_dim3A_16 : vector<1x4096xi1>, vector<1x4096xf32>
      %lt3A_17 = arith.constant 1580 : i32
      %lt3A_18 = vector.broadcast %lt3A_17 : i32 to vector<4096x1xi32>
      %lt3A_19 = arith.cmpi slt, %iota3A_11, %lt3A_18 : vector<4096x1xi32>
      %get3A = arith.constant 0 : index
      %get3A_20 = arith.constant 0 : index
      %get3A_21 = vector.load %arg1[%get3A, %get3A_20] : memref<4096x1024xf32, #tpu.memory_space<vmem>>, vector<4096x1024xf32>
      %jit3A_22 = arith.constant 0.000000e+00 : f32
      %broadcast_in_dim3A_23 = vector.shape_cast %lt3A_19 : vector<4096x1xi1> to vector<4096x1xi1>
      %broadcast_in_dim3A_24 = vector.broadcast %broadcast_in_dim3A_23 : vector<4096x1xi1> to vector<4096x1024xi1>
      %broadcast_in_dim3A_25 = vector.broadcast %jit3A_22 : f32 to vector<4096x1024xf32>
      %select_n3A_26 = arith.select %broadcast_in_dim3A_24, %get3A_21, %broadcast_in_dim3A_25 : vector<4096x1024xi1>, vector<4096x1024xf32>
      %get3A_27 = arith.constant 0 : index
      %get3A_28 = arith.constant 0 : index
      %get3A_29 = vector.load %arg2[%get3A_27, %get3A_28] : memref<1x1024xf32, #tpu.memory_space<vmem>>, vector<1x1024xf32>
      %dot_general3A = arith.constant dense<0.000000e+00> : vector<1x1024xf32>
      %dot_general3A_30 = tpu.matmul %select_n3A, %select_n3A_26, %dot_general3A {dimension_numbers = #tpu.dot_dimension_numbers<[1], [0], [0], [1], [0, 0, 1, 1], [], []>, transpose_lhs_hint = false} : vector<1x4096xf32>, vector<4096x1024xf32>, vector<1x1024xf32> -> vector<1x1024xf32>
      %add3A = arith.addf %get3A_29, %dot_general3A_30 : vector<1x1024xf32>
      %swap3A = arith.constant 0 : index
      %swap3A_31 = arith.constant 0 : index
      %swap3A_32 = vector.load %arg2[%swap3A, %swap3A_31] : memref<1x1024xf32, #tpu.memory_space<vmem>>, vector<1x1024xf32>
      tpu.vector_store %arg2[%swap3A, %swap3A_31], %add3A {strides = array<i32>} : memref<1x1024xf32, #tpu.memory_space<vmem>>, vector<1x1024xf32>,
    } else {
    }
    return
  }
  func.func @transform_0(%arg0: i32) -> (i32, i32) {
    %c0_i32 = arith.constant 0 : i32
    %c0_i32_0 = arith.constant 0 : i32
    return %arg0, %c0_i32 : i32, i32
  }
  func.func @transform_1(%arg0: i32) -> (i32, i32) {
    %c0_i32 = arith.constant 0 : i32
    %c0_i32_0 = arith.constant 0 : i32
    %c0_i32_1 = arith.constant 0 : i32
    return %c0_i32, %c0_i32_0 : i32, i32
  }
}

module attributes {stable_mosaic.version = 14 : i64} {
  func.func @_epilogue_body(%arg0: memref<1x1024xf32, #tpu.memory_space<vmem>>, %arg1: memref<64x1024xf32, #tpu.memory_space<vmem>>, %arg2: memref<64x1024xf32, #tpu.memory_space<vmem>>, %arg3: memref<64x1024xf32, #tpu.memory_space<vmem>>, %arg4: memref<64x1024xf32, #tpu.memory_space<vmem>>, %arg5: memref<64x1024xf32, #tpu.memory_space<vmem>>, %arg6: memref<64x1024xf32, #tpu.memory_space<vmem>>, %arg7: memref<20x1024xi32, #tpu.memory_space<vmem>>, %arg8: memref<32x64xf32, #tpu.memory_space<vmem>>, %arg9: memref<64x448xf32, #tpu.memory_space<vmem>>, %arg10: memref<32x64xf32, #tpu.memory_space<vmem>>, %arg11: memref<1x32xf32, #tpu.memory_space<vmem>>, %arg12: memref<1x1024xf32, #tpu.memory_space<vmem>>) attributes {dimension_semantics = [], scalar_prefetch = 0 : i64, scratch_operands = 0 : i64, tpu.core_type = #tpu.core_type<tc>} {
    %get3A = arith.constant 0 : index
    %get3A_0 = arith.constant 0 : index
    %get3A_1 = vector.load %arg7[%get3A, %get3A_0] : memref<20x1024xi32, #tpu.memory_space<vmem>>, vector<20x1024xi32>
    %broadcast_in_dim3A = arith.constant 0.000000e+00 : f32
    %broadcast_in_dim3A_2 = vector.broadcast %broadcast_in_dim3A : f32 to vector<32x1024xf32>
    %iota3A = tpu.iota {dimensions = array<i32: 0>} : vector<32x1xi32>
    %slice3A = vector.extract_strided_slice %get3A_1 {offsets = [0, 0], sizes = [1, 1024], strides = [1, 1]} : vector<20x1024xi32> to vector<1x1024xi32>
    %eq3A = vector.broadcast %iota3A : vector<32x1xi32> to vector<32x1024xi32>
    %eq3A_3 = vector.broadcast %slice3A : vector<1x1024xi32> to vector<32x1024xi32>
    %eq3A_4 = arith.cmpi eq, %eq3A, %eq3A_3 : vector<32x1024xi32>
    %convert_element_type3A = arith.extui %eq3A_4 : vector<32x1024xi1> to vector<32x1024xi32>
    %convert_element_type3A_5 = arith.sitofp %convert_element_type3A : vector<32x1024xi32> to vector<32x1024xf32>
    %add3A = arith.addf %broadcast_in_dim3A_2, %convert_element_type3A_5 : vector<32x1024xf32>
    %slice3A_6 = vector.extract_strided_slice %get3A_1 {offsets = [1, 0], sizes = [1, 1024], strides = [1, 1]} : vector<20x1024xi32> to vector<1x1024xi32>
    %eq3A_7 = vector.broadcast %iota3A : vector<32x1xi32> to vector<32x1024xi32>
    %eq3A_8 = vector.broadcast %slice3A_6 : vector<1x1024xi32> to vector<32x1024xi32>
    %eq3A_9 = arith.cmpi eq, %eq3A_7, %eq3A_8 : vector<32x1024xi32>
    %convert_element_type3A_10 = arith.extui %eq3A_9 : vector<32x1024xi1> to vector<32x1024xi32>
    %convert_element_type3A_11 = arith.sitofp %convert_element_type3A_10 : vector<32x1024xi32> to vector<32x1024xf32>
    %add3A_12 = arith.addf %add3A, %convert_element_type3A_11 : vector<32x1024xf32>
    %slice3A_13 = vector.extract_strided_slice %get3A_1 {offsets = [2, 0], sizes = [1, 1024], strides = [1, 1]} : vector<20x1024xi32> to vector<1x1024xi32>
    %eq3A_14 = vector.broadcast %iota3A : vector<32x1xi32> to vector<32x1024xi32>
    %eq3A_15 = vector.broadcast %slice3A_13 : vector<1x1024xi32> to vector<32x1024xi32>
    %eq3A_16 = arith.cmpi eq, %eq3A_14, %eq3A_15 : vector<32x1024xi32>
    %convert_element_type3A_17 = arith.extui %eq3A_16 : vector<32x1024xi1> to vector<32x1024xi32>
    %convert_element_type3A_18 = arith.sitofp %convert_element_type3A_17 : vector<32x1024xi32> to vector<32x1024xf32>
    %add3A_19 = arith.addf %add3A_12, %convert_element_type3A_18 : vector<32x1024xf32>
    %slice3A_20 = vector.extract_strided_slice %get3A_1 {offsets = [3, 0], sizes = [1, 1024], strides = [1, 1]} : vector<20x1024xi32> to vector<1x1024xi32>
    %eq3A_21 = vector.broadcast %iota3A : vector<32x1xi32> to vector<32x1024xi32>
    %eq3A_22 = vector.broadcast %slice3A_20 : vector<1x1024xi32> to vector<32x1024xi32>
    %eq3A_23 = arith.cmpi eq, %eq3A_21, %eq3A_22 : vector<32x1024xi32>
    %convert_element_type3A_24 = arith.extui %eq3A_23 : vector<32x1024xi1> to vector<32x1024xi32>
    %convert_element_type3A_25 = arith.sitofp %convert_element_type3A_24 : vector<32x1024xi32> to vector<32x1024xf32>
    %add3A_26 = arith.addf %add3A_19, %convert_element_type3A_25 : vector<32x1024xf32>
    %slice3A_27 = vector.extract_strided_slice %get3A_1 {offsets = [4, 0], sizes = [1, 1024], strides = [1, 1]} : vector<20x1024xi32> to vector<1x1024xi32>
    %eq3A_28 = vector.broadcast %iota3A : vector<32x1xi32> to vector<32x1024xi32>
    %eq3A_29 = vector.broadcast %slice3A_27 : vector<1x1024xi32> to vector<32x1024xi32>
    %eq3A_30 = arith.cmpi eq, %eq3A_28, %eq3A_29 : vector<32x1024xi32>
    %convert_element_type3A_31 = arith.extui %eq3A_30 : vector<32x1024xi1> to vector<32x1024xi32>
    %convert_element_type3A_32 = arith.sitofp %convert_element_type3A_31 : vector<32x1024xi32> to vector<32x1024xf32>
    %add3A_33 = arith.addf %add3A_26, %convert_element_type3A_32 : vector<32x1024xf32>
    %slice3A_34 = vector.extract_strided_slice %get3A_1 {offsets = [5, 0], sizes = [1, 1024], strides = [1, 1]} : vector<20x1024xi32> to vector<1x1024xi32>
    %eq3A_35 = vector.broadcast %iota3A : vector<32x1xi32> to vector<32x1024xi32>
    %eq3A_36 = vector.broadcast %slice3A_34 : vector<1x1024xi32> to vector<32x1024xi32>
    %eq3A_37 = arith.cmpi eq, %eq3A_35, %eq3A_36 : vector<32x1024xi32>
    %convert_element_type3A_38 = arith.extui %eq3A_37 : vector<32x1024xi1> to vector<32x1024xi32>
    %convert_element_type3A_39 = arith.sitofp %convert_element_type3A_38 : vector<32x1024xi32> to vector<32x1024xf32>
    %add3A_40 = arith.addf %add3A_33, %convert_element_type3A_39 : vector<32x1024xf32>
    %slice3A_41 = vector.extract_strided_slice %get3A_1 {offsets = [6, 0], sizes = [1, 1024], strides = [1, 1]} : vector<20x1024xi32> to vector<1x1024xi32>
    %eq3A_42 = vector.broadcast %iota3A : vector<32x1xi32> to vector<32x1024xi32>
    %eq3A_43 = vector.broadcast %slice3A_41 : vector<1x1024xi32> to vector<32x1024xi32>
    %eq3A_44 = arith.cmpi eq, %eq3A_42, %eq3A_43 : vector<32x1024xi32>
    %convert_element_type3A_45 = arith.extui %eq3A_44 : vector<32x1024xi1> to vector<32x1024xi32>
    %convert_element_type3A_46 = arith.sitofp %convert_element_type3A_45 : vector<32x1024xi32> to vector<32x1024xf32>
    %add3A_47 = arith.addf %add3A_40, %convert_element_type3A_46 : vector<32x1024xf32>
    %slice3A_48 = vector.extract_strided_slice %get3A_1 {offsets = [7, 0], sizes = [1, 1024], strides = [1, 1]} : vector<20x1024xi32> to vector<1x1024xi32>
    %eq3A_49 = vector.broadcast %iota3A : vector<32x1xi32> to vector<32x1024xi32>
    %eq3A_50 = vector.broadcast %slice3A_48 : vector<1x1024xi32> to vector<32x1024xi32>
    %eq3A_51 = arith.cmpi eq, %eq3A_49, %eq3A_50 : vector<32x1024xi32>
    %convert_element_type3A_52 = arith.extui %eq3A_51 : vector<32x1024xi1> to vector<32x1024xi32>
    %convert_element_type3A_53 = arith.sitofp %convert_element_type3A_52 : vector<32x1024xi32> to vector<32x1024xf32>
    %add3A_54 = arith.addf %add3A_47, %convert_element_type3A_53 : vector<32x1024xf32>
    %slice3A_55 = vector.extract_strided_slice %get3A_1 {offsets = [8, 0], sizes = [1, 1024], strides = [1, 1]} : vector<20x1024xi32> to vector<1x1024xi32>
    %eq3A_56 = vector.broadcast %iota3A : vector<32x1xi32> to vector<32x1024xi32>
    %eq3A_57 = vector.broadcast %slice3A_55 : vector<1x1024xi32> to vector<32x1024xi32>
    %eq3A_58 = arith.cmpi eq, %eq3A_56, %eq3A_57 : vector<32x1024xi32>
    %convert_element_type3A_59 = arith.extui %eq3A_58 : vector<32x1024xi1> to vector<32x1024xi32>
    %convert_element_type3A_60 = arith.sitofp %convert_element_type3A_59 : vector<32x1024xi32> to vector<32x1024xf32>
    %add3A_61 = arith.addf %add3A_54, %convert_element_type3A_60 : vector<32x1024xf32>
    %slice3A_62 = vector.extract_strided_slice %get3A_1 {offsets = [9, 0], sizes = [1, 1024], strides = [1, 1]} : vector<20x1024xi32> to vector<1x1024xi32>
    %eq3A_63 = vector.broadcast %iota3A : vector<32x1xi32> to vector<32x1024xi32>
    %eq3A_64 = vector.broadcast %slice3A_62 : vector<1x1024xi32> to vector<32x1024xi32>
    %eq3A_65 = arith.cmpi eq, %eq3A_63, %eq3A_64 : vector<32x1024xi32>
    %convert_element_type3A_66 = arith.extui %eq3A_65 : vector<32x1024xi1> to vector<32x1024xi32>
    %convert_element_type3A_67 = arith.sitofp %convert_element_type3A_66 : vector<32x1024xi32> to vector<32x1024xf32>
    %add3A_68 = arith.addf %add3A_61, %convert_element_type3A_67 : vector<32x1024xf32>
    %slice3A_69 = vector.extract_strided_slice %get3A_1 {offsets = [10, 0], sizes = [1, 1024], strides = [1, 1]} : vector<20x1024xi32> to vector<1x1024xi32>
    %eq3A_70 = vector.broadcast %iota3A : vector<32x1xi32> to vector<32x1024xi32>
    %eq3A_71 = vector.broadcast %slice3A_69 : vector<1x1024xi32> to vector<32x1024xi32>
    %eq3A_72 = arith.cmpi eq, %eq3A_70, %eq3A_71 : vector<32x1024xi32>
    %convert_element_type3A_73 = arith.extui %eq3A_72 : vector<32x1024xi1> to vector<32x1024xi32>
    %convert_element_type3A_74 = arith.sitofp %convert_element_type3A_73 : vector<32x1024xi32> to vector<32x1024xf32>
    %add3A_75 = arith.addf %add3A_68, %convert_element_type3A_74 : vector<32x1024xf32>
    %slice3A_76 = vector.extract_strided_slice %get3A_1 {offsets = [11, 0], sizes = [1, 1024], strides = [1, 1]} : vector<20x1024xi32> to vector<1x1024xi32>
    %eq3A_77 = vector.broadcast %iota3A : vector<32x1xi32> to vector<32x1024xi32>
    %eq3A_78 = vector.broadcast %slice3A_76 : vector<1x1024xi32> to vector<32x1024xi32>
    %eq3A_79 = arith.cmpi eq, %eq3A_77, %eq3A_78 : vector<32x1024xi32>
    %convert_element_type3A_80 = arith.extui %eq3A_79 : vector<32x1024xi1> to vector<32x1024xi32>
    %convert_element_type3A_81 = arith.sitofp %convert_element_type3A_80 : vector<32x1024xi32> to vector<32x1024xf32>
    %add3A_82 = arith.addf %add3A_75, %convert_element_type3A_81 : vector<32x1024xf32>
    %slice3A_83 = vector.extract_strided_slice %get3A_1 {offsets = [12, 0], sizes = [1, 1024], strides = [1, 1]} : vector<20x1024xi32> to vector<1x1024xi32>
    %eq3A_84 = vector.broadcast %iota3A : vector<32x1xi32> to vector<32x1024xi32>
    %eq3A_85 = vector.broadcast %slice3A_83 : vector<1x1024xi32> to vector<32x1024xi32>
    %eq3A_86 = arith.cmpi eq, %eq3A_84, %eq3A_85 : vector<32x1024xi32>
    %convert_element_type3A_87 = arith.extui %eq3A_86 : vector<32x1024xi1> to vector<32x1024xi32>
    %convert_element_type3A_88 = arith.sitofp %convert_element_type3A_87 : vector<32x1024xi32> to vector<32x1024xf32>
    %add3A_89 = arith.addf %add3A_82, %convert_element_type3A_88 : vector<32x1024xf32>
    %slice3A_90 = vector.extract_strided_slice %get3A_1 {offsets = [13, 0], sizes = [1, 1024], strides = [1, 1]} : vector<20x1024xi32> to vector<1x1024xi32>
    %eq3A_91 = vector.broadcast %iota3A : vector<32x1xi32> to vector<32x1024xi32>
    %eq3A_92 = vector.broadcast %slice3A_90 : vector<1x1024xi32> to vector<32x1024xi32>
    %eq3A_93 = arith.cmpi eq, %eq3A_91, %eq3A_92 : vector<32x1024xi32>
    %convert_element_type3A_94 = arith.extui %eq3A_93 : vector<32x1024xi1> to vector<32x1024xi32>
    %convert_element_type3A_95 = arith.sitofp %convert_element_type3A_94 : vector<32x1024xi32> to vector<32x1024xf32>
    %add3A_96 = arith.addf %add3A_89, %convert_element_type3A_95 : vector<32x1024xf32>
    %slice3A_97 = vector.extract_strided_slice %get3A_1 {offsets = [14, 0], sizes = [1, 1024], strides = [1, 1]} : vector<20x1024xi32> to vector<1x1024xi32>
    %eq3A_98 = vector.broadcast %iota3A : vector<32x1xi32> to vector<32x1024xi32>
    %eq3A_99 = vector.broadcast %slice3A_97 : vector<1x1024xi32> to vector<32x1024xi32>
    %eq3A_100 = arith.cmpi eq, %eq3A_98, %eq3A_99 : vector<32x1024xi32>
    %convert_element_type3A_101 = arith.extui %eq3A_100 : vector<32x1024xi1> to vector<32x1024xi32>
    %convert_element_type3A_102 = arith.sitofp %convert_element_type3A_101 : vector<32x1024xi32> to vector<32x1024xf32>
    %add3A_103 = arith.addf %add3A_96, %convert_element_type3A_102 : vector<32x1024xf32>
    %slice3A_104 = vector.extract_strided_slice %get3A_1 {offsets = [15, 0], sizes = [1, 1024], strides = [1, 1]} : vector<20x1024xi32> to vector<1x1024xi32>
    %eq3A_105 = vector.broadcast %iota3A : vector<32x1xi32> to vector<32x1024xi32>
    %eq3A_106 = vector.broadcast %slice3A_104 : vector<1x1024xi32> to vector<32x1024xi32>
    %eq3A_107 = arith.cmpi eq, %eq3A_105, %eq3A_106 : vector<32x1024xi32>
    %convert_element_type3A_108 = arith.extui %eq3A_107 : vector<32x1024xi1> to vector<32x1024xi32>
    %convert_element_type3A_109 = arith.sitofp %convert_element_type3A_108 : vector<32x1024xi32> to vector<32x1024xf32>
    %add3A_110 = arith.addf %add3A_103, %convert_element_type3A_109 : vector<32x1024xf32>
    %slice3A_111 = vector.extract_strided_slice %get3A_1 {offsets = [16, 0], sizes = [1, 1024], strides = [1, 1]} : vector<20x1024xi32> to vector<1x1024xi32>
    %eq3A_112 = vector.broadcast %iota3A : vector<32x1xi32> to vector<32x1024xi32>
    %eq3A_113 = vector.broadcast %slice3A_111 : vector<1x1024xi32> to vector<32x1024xi32>
    %eq3A_114 = arith.cmpi eq, %eq3A_112, %eq3A_113 : vector<32x1024xi32>
    %convert_element_type3A_115 = arith.extui %eq3A_114 : vector<32x1024xi1> to vector<32x1024xi32>
    %convert_element_type3A_116 = arith.sitofp %convert_element_type3A_115 : vector<32x1024xi32> to vector<32x1024xf32>
    %add3A_117 = arith.addf %add3A_110, %convert_element_type3A_116 : vector<32x1024xf32>
    %slice3A_118 = vector.extract_strided_slice %get3A_1 {offsets = [17, 0], sizes = [1, 1024], strides = [1, 1]} : vector<20x1024xi32> to vector<1x1024xi32>
    %eq3A_119 = vector.broadcast %iota3A : vector<32x1xi32> to vector<32x1024xi32>
    %eq3A_120 = vector.broadcast %slice3A_118 : vector<1x1024xi32> to vector<32x1024xi32>
    %eq3A_121 = arith.cmpi eq, %eq3A_119, %eq3A_120 : vector<32x1024xi32>
    %convert_element_type3A_122 = arith.extui %eq3A_121 : vector<32x1024xi1> to vector<32x1024xi32>
    %convert_element_type3A_123 = arith.sitofp %convert_element_type3A_122 : vector<32x1024xi32> to vector<32x1024xf32>
    %add3A_124 = arith.addf %add3A_117, %convert_element_type3A_123 : vector<32x1024xf32>
    %slice3A_125 = vector.extract_strided_slice %get3A_1 {offsets = [18, 0], sizes = [1, 1024], strides = [1, 1]} : vector<20x1024xi32> to vector<1x1024xi32>
    %eq3A_126 = vector.broadcast %iota3A : vector<32x1xi32> to vector<32x1024xi32>
    %eq3A_127 = vector.broadcast %slice3A_125 : vector<1x1024xi32> to vector<32x1024xi32>
    %eq3A_128 = arith.cmpi eq, %eq3A_126, %eq3A_127 : vector<32x1024xi32>
    %convert_element_type3A_129 = arith.extui %eq3A_128 : vector<32x1024xi1> to vector<32x1024xi32>
    %convert_element_type3A_130 = arith.sitofp %convert_element_type3A_129 : vector<32x1024xi32> to vector<32x1024xf32>
    %add3A_131 = arith.addf %add3A_124, %convert_element_type3A_130 : vector<32x1024xf32>
    %slice3A_132 = vector.extract_strided_slice %get3A_1 {offsets = [19, 0], sizes = [1, 1024], strides = [1, 1]} : vector<20x1024xi32> to vector<1x1024xi32>
    %eq3A_133 = vector.broadcast %iota3A : vector<32x1xi32> to vector<32x1024xi32>
    %eq3A_134 = vector.broadcast %slice3A_132 : vector<1x1024xi32> to vector<32x1024xi32>
    %eq3A_135 = arith.cmpi eq, %eq3A_133, %eq3A_134 : vector<32x1024xi32>
    %convert_element_type3A_136 = arith.extui %eq3A_135 : vector<32x1024xi1> to vector<32x1024xi32>
    %convert_element_type3A_137 = arith.sitofp %convert_element_type3A_136 : vector<32x1024xi32> to vector<32x1024xf32>
    %add3A_138 = arith.addf %add3A_131, %convert_element_type3A_137 : vector<32x1024xf32>
    %get3A_139 = arith.constant 0 : index
    %get3A_140 = arith.constant 0 : index
    %get3A_141 = vector.load %arg8[%get3A_139, %get3A_140] : memref<32x64xf32, #tpu.memory_space<vmem>>, vector<32x64xf32>
    %dot_general3A = arith.constant dense<0.000000e+00> : vector<64x1024xf32>
    %dot_general3A_142 = tpu.matmul %get3A_141, %add3A_138, %dot_general3A {dimension_numbers = #tpu.dot_dimension_numbers<[0], [0], [1], [1], [0, 1, 1, 1], [], []>, transpose_lhs_hint = false} : vector<32x64xf32>, vector<32x1024xf32>, vector<64x1024xf32> -> vector<64x1024xf32>
    %mul3A = arith.constant 5.000000e-02 : f32
    %mul3A_143 = vector.broadcast %mul3A : f32 to vector<64x1024xf32>
    %mul3A_144 = arith.mulf %dot_general3A_142, %mul3A_143 : vector<64x1024xf32>
    %get3A_145 = arith.constant 0 : index
    %get3A_146 = arith.constant 0 : index
    %get3A_147 = vector.load %arg1[%get3A_145, %get3A_146] : memref<64x1024xf32, #tpu.memory_space<vmem>>, vector<64x1024xf32>
    %get3A_148 = arith.constant 0 : index
    %get3A_149 = arith.constant 0 : index
    %get3A_150 = vector.load %arg2[%get3A_148, %get3A_149] : memref<64x1024xf32, #tpu.memory_space<vmem>>, vector<64x1024xf32>
    %get3A_151 = arith.constant 0 : index
    %get3A_152 = arith.constant 0 : index
    %get3A_153 = vector.load %arg3[%get3A_151, %get3A_152] : memref<64x1024xf32, #tpu.memory_space<vmem>>, vector<64x1024xf32>
    %get3A_154 = arith.constant 0 : index
    %get3A_155 = arith.constant 0 : index
    %get3A_156 = vector.load %arg4[%get3A_154, %get3A_155] : memref<64x1024xf32, #tpu.memory_space<vmem>>, vector<64x1024xf32>
    %get3A_157 = arith.constant 0 : index
    %get3A_158 = arith.constant 0 : index
    %get3A_159 = vector.load %arg5[%get3A_157, %get3A_158] : memref<64x1024xf32, #tpu.memory_space<vmem>>, vector<64x1024xf32>
    %get3A_160 = arith.constant 0 : index
    %get3A_161 = arith.constant 0 : index
    %get3A_162 = vector.load %arg6[%get3A_160, %get3A_161] : memref<64x1024xf32, #tpu.memory_space<vmem>>, vector<64x1024xf32>
    %broadcast_in_dim3A_163 = arith.constant 0.000000e+00 : f32
    %broadcast_in_dim3A_164 = vector.broadcast %broadcast_in_dim3A_163 : f32 to vector<1x1024xf32>
    %reduce_sum3A = arith.constant dense<0.000000e+00> : vector<1024xf32>
    %reduce_sum3A_165 = vector.multi_reduction <add>, %get3A_147, %reduce_sum3A [0] : vector<64x1024xf32> to vector<1024xf32>
    %broadcast_in_dim3A_166 = vector.shape_cast %reduce_sum3A_165 : vector<1024xf32> to vector<1x1024xf32>
    %mul3A_167 = arith.mulf %get3A_147, %get3A_147 : vector<64x1024xf32>
    %reduce_sum3A_168 = arith.constant dense<0.000000e+00> : vector<1024xf32>
    %reduce_sum3A_169 = vector.multi_reduction <add>, %mul3A_167, %reduce_sum3A_168 [0] : vector<64x1024xf32> to vector<1024xf32>
    %broadcast_in_dim3A_170 = vector.shape_cast %reduce_sum3A_169 : vector<1024xf32> to vector<1x1024xf32>
    %mul3A_171 = arith.mulf %broadcast_in_dim3A_166, %broadcast_in_dim3A_166 : vector<1x1024xf32>
    %sub3A = arith.subf %mul3A_171, %broadcast_in_dim3A_170 : vector<1x1024xf32>
    %add3A_172 = arith.addf %broadcast_in_dim3A_164, %sub3A : vector<1x1024xf32>
    %reduce_sum3A_173 = arith.constant dense<0.000000e+00> : vector<1024xf32>
    %reduce_sum3A_174 = vector.multi_reduction <add>, %get3A_150, %reduce_sum3A_173 [0] : vector<64x1024xf32> to vector<1024xf32>
    %broadcast_in_dim3A_175 = vector.shape_cast %reduce_sum3A_174 : vector<1024xf32> to vector<1x1024xf32>
    %mul3A_176 = arith.mulf %get3A_150, %get3A_150 : vector<64x1024xf32>
    %reduce_sum3A_177 = arith.constant dense<0.000000e+00> : vector<1024xf32>
    %reduce_sum3A_178 = vector.multi_reduction <add>, %mul3A_176, %reduce_sum3A_177 [0] : vector<64x1024xf32> to vector<1024xf32>
    %broadcast_in_dim3A_179 = vector.shape_cast %reduce_sum3A_178 : vector<1024xf32> to vector<1x1024xf32>
    %mul3A_180 = arith.mulf %broadcast_in_dim3A_175, %broadcast_in_dim3A_175 : vector<1x1024xf32>
    %sub3A_181 = arith.subf %mul3A_180, %broadcast_in_dim3A_179 : vector<1x1024xf32>
    %add3A_182 = arith.addf %add3A_172, %sub3A_181 : vector<1x1024xf32>
    %reduce_sum3A_183 = arith.constant dense<0.000000e+00> : vector<1024xf32>
    %reduce_sum3A_184 = vector.multi_reduction <add>, %get3A_153, %reduce_sum3A_183 [0] : vector<64x1024xf32> to vector<1024xf32>
    %broadcast_in_dim3A_185 = vector.shape_cast %reduce_sum3A_184 : vector<1024xf32> to vector<1x1024xf32>
    %mul3A_186 = arith.mulf %get3A_153, %get3A_153 : vector<64x1024xf32>
    %reduce_sum3A_187 = arith.constant dense<0.000000e+00> : vector<1024xf32>
    %reduce_sum3A_188 = vector.multi_reduction <add>, %mul3A_186, %reduce_sum3A_187 [0] : vector<64x1024xf32> to vector<1024xf32>
    %broadcast_in_dim3A_189 = vector.shape_cast %reduce_sum3A_188 : vector<1024xf32> to vector<1x1024xf32>
    %mul3A_190 = arith.mulf %broadcast_in_dim3A_185, %broadcast_in_dim3A_185 : vector<1x1024xf32>
    %sub3A_191 = arith.subf %mul3A_190, %broadcast_in_dim3A_189 : vector<1x1024xf32>
    %add3A_192 = arith.addf %add3A_182, %sub3A_191 : vector<1x1024xf32>
    %reduce_sum3A_193 = arith.constant dense<0.000000e+00> : vector<1024xf32>
    %reduce_sum3A_194 = vector.multi_reduction <add>, %get3A_156, %reduce_sum3A_193 [0] : vector<64x1024xf32> to vector<1024xf32>
    %broadcast_in_dim3A_195 = vector.shape_cast %reduce_sum3A_194 : vector<1024xf32> to vector<1x1024xf32>
    %mul3A_196 = arith.mulf %get3A_156, %get3A_156 : vector<64x1024xf32>
    %reduce_sum3A_197 = arith.constant dense<0.000000e+00> : vector<1024xf32>
    %reduce_sum3A_198 = vector.multi_reduction <add>, %mul3A_196, %reduce_sum3A_197 [0] : vector<64x1024xf32> to vector<1024xf32>
    %broadcast_in_dim3A_199 = vector.shape_cast %reduce_sum3A_198 : vector<1024xf32> to vector<1x1024xf32>
    %mul3A_200 = arith.mulf %broadcast_in_dim3A_195, %broadcast_in_dim3A_195 : vector<1x1024xf32>
    %sub3A_201 = arith.subf %mul3A_200, %broadcast_in_dim3A_199 : vector<1x1024xf32>
    %add3A_202 = arith.addf %add3A_192, %sub3A_201 : vector<1x1024xf32>
    %reduce_sum3A_203 = arith.constant dense<0.000000e+00> : vector<1024xf32>
    %reduce_sum3A_204 = vector.multi_reduction <add>, %get3A_159, %reduce_sum3A_203 [0] : vector<64x1024xf32> to vector<1024xf32>
    %broadcast_in_dim3A_205 = vector.shape_cast %reduce_sum3A_204 : vector<1024xf32> to vector<1x1024xf32>
    %mul3A_206 = arith.mulf %get3A_159, %get3A_159 : vector<64x1024xf32>
    %reduce_sum3A_207 = arith.constant dense<0.000000e+00> : vector<1024xf32>
    %reduce_sum3A_208 = vector.multi_reduction <add>, %mul3A_206, %reduce_sum3A_207 [0] : vector<64x1024xf32> to vector<1024xf32>
    %broadcast_in_dim3A_209 = vector.shape_cast %reduce_sum3A_208 : vector<1024xf32> to vector<1x1024xf32>
    %mul3A_210 = arith.mulf %broadcast_in_dim3A_205, %broadcast_in_dim3A_205 : vector<1x1024xf32>
    %sub3A_211 = arith.subf %mul3A_210, %broadcast_in_dim3A_209 : vector<1x1024xf32>
    %add3A_212 = arith.addf %add3A_202, %sub3A_211 : vector<1x1024xf32>
    %reduce_sum3A_213 = arith.constant dense<0.000000e+00> : vector<1024xf32>
    %reduce_sum3A_214 = vector.multi_reduction <add>, %get3A_162, %reduce_sum3A_213 [0] : vector<64x1024xf32> to vector<1024xf32>
    %broadcast_in_dim3A_215 = vector.shape_cast %reduce_sum3A_214 : vector<1024xf32> to vector<1x1024xf32>
    %mul3A_216 = arith.mulf %get3A_162, %get3A_162 : vector<64x1024xf32>
    %reduce_sum3A_217 = arith.constant dense<0.000000e+00> : vector<1024xf32>
    %reduce_sum3A_218 = vector.multi_reduction <add>, %mul3A_216, %reduce_sum3A_217 [0] : vector<64x1024xf32> to vector<1024xf32>
    %broadcast_in_dim3A_219 = vector.shape_cast %reduce_sum3A_218 : vector<1024xf32> to vector<1x1024xf32>
    %mul3A_220 = arith.mulf %broadcast_in_dim3A_215, %broadcast_in_dim3A_215 : vector<1x1024xf32>
    %sub3A_221 = arith.subf %mul3A_220, %broadcast_in_dim3A_219 : vector<1x1024xf32>
    %add3A_222 = arith.addf %add3A_212, %sub3A_221 : vector<1x1024xf32>
    %reduce_sum3A_223 = arith.constant dense<0.000000e+00> : vector<1024xf32>
    %reduce_sum3A_224 = vector.multi_reduction <add>, %mul3A_144, %reduce_sum3A_223 [0] : vector<64x1024xf32> to vector<1024xf32>
    %broadcast_in_dim3A_225 = vector.shape_cast %reduce_sum3A_224 : vector<1024xf32> to vector<1x1024xf32>
    %mul3A_226 = arith.mulf %mul3A_144, %mul3A_144 : vector<64x1024xf32>
    %reduce_sum3A_227 = arith.constant dense<0.000000e+00> : vector<1024xf32>
    %reduce_sum3A_228 = vector.multi_reduction <add>, %mul3A_226, %reduce_sum3A_227 [0] : vector<64x1024xf32> to vector<1024xf32>
    %broadcast_in_dim3A_229 = vector.shape_cast %reduce_sum3A_228 : vector<1024xf32> to vector<1x1024xf32>
    %mul3A_230 = arith.mulf %broadcast_in_dim3A_225, %broadcast_in_dim3A_225 : vector<1x1024xf32>
    %sub3A_231 = arith.subf %mul3A_230, %broadcast_in_dim3A_229 : vector<1x1024xf32>
    %add3A_232 = arith.addf %add3A_222, %sub3A_231 : vector<1x1024xf32>
    %mul3A_233 = arith.constant 5.000000e-01 : f32
    %mul3A_234 = vector.broadcast %mul3A_233 : f32 to vector<1x1024xf32>
    %mul3A_235 = arith.mulf %mul3A_234, %add3A_232 : vector<1x1024xf32>
    %concatenate3A = tpu.concatenate %get3A_147, %get3A_150, %get3A_153, %get3A_156, %get3A_159, %get3A_162, %mul3A_144 in 0 : vector<64x1024xf32>, vector<64x1024xf32>, vector<64x1024xf32>, vector<64x1024xf32>, vector<64x1024xf32>, vector<64x1024xf32>, vector<64x1024xf32> -> vector<448x1024xf32>
    %get3A_236 = arith.constant 0 : index
    %get3A_237 = arith.constant 0 : index
    %get3A_238 = vector.load %arg9[%get3A_236, %get3A_237] : memref<64x448xf32, #tpu.memory_space<vmem>>, vector<64x448xf32>
    %dot_general3A_239 = arith.constant dense<0.000000e+00> : vector<64x1024xf32>
    %dot_general3A_240 = tpu.matmul %get3A_238, %concatenate3A, %dot_general3A_239 {dimension_numbers = #tpu.dot_dimension_numbers<[1], [0], [0], [1], [0, 0, 1, 1], [], []>, transpose_lhs_hint = false} : vector<64x448xf32>, vector<448x1024xf32>, vector<64x1024xf32> -> vector<64x1024xf32>
    %max3A = arith.constant 0.000000e+00 : f32
    %max3A_241 = vector.broadcast %max3A : f32 to vector<64x1024xf32>
    %max3A_242 = arith.maximumf %dot_general3A_240, %max3A_241 : vector<64x1024xf32>
    %min3A = arith.constant 0.000000e+00 : f32
    %min3A_243 = vector.broadcast %min3A : f32 to vector<64x1024xf32>
    %min3A_244 = arith.minimumf %dot_general3A_240, %min3A_243 : vector<64x1024xf32>
    %mul3A_245 = arith.constant 2.500000e-01 : f32
    %mul3A_246 = vector.broadcast %mul3A_245 : f32 to vector<64x1024xf32>
    %mul3A_247 = arith.mulf %mul3A_246, %min3A_244 : vector<64x1024xf32>
    %add3A_248 = arith.addf %max3A_242, %mul3A_247 : vector<64x1024xf32>
    %get3A_249 = arith.constant 0 : index
    %get3A_250 = arith.constant 0 : index
    %get3A_251 = vector.load %arg10[%get3A_249, %get3A_250] : memref<32x64xf32, #tpu.memory_space<vmem>>, vector<32x64xf32>
    %dot_general3A_252 = arith.constant dense<0.000000e+00> : vector<32x1024xf32>
    %dot_general3A_253 = tpu.matmul %get3A_251, %add3A_248, %dot_general3A_252 {dimension_numbers = #tpu.dot_dimension_numbers<[1], [0], [0], [1], [0, 0, 1, 1], [], []>, transpose_lhs_hint = false} : vector<32x64xf32>, vector<64x1024xf32>, vector<32x1024xf32> -> vector<32x1024xf32>
    %max3A_254 = arith.constant 0.000000e+00 : f32
    %max3A_255 = vector.broadcast %max3A_254 : f32 to vector<32x1024xf32>
    %max3A_256 = arith.maximumf %dot_general3A_253, %max3A_255 : vector<32x1024xf32>
    %min3A_257 = arith.constant 0.000000e+00 : f32
    %min3A_258 = vector.broadcast %min3A_257 : f32 to vector<32x1024xf32>
    %min3A_259 = arith.minimumf %dot_general3A_253, %min3A_258 : vector<32x1024xf32>
    %mul3A_260 = arith.constant 2.500000e-01 : f32
    %mul3A_261 = vector.broadcast %mul3A_260 : f32 to vector<32x1024xf32>
    %mul3A_262 = arith.mulf %mul3A_261, %min3A_259 : vector<32x1024xf32>
    %add3A_263 = arith.addf %max3A_256, %mul3A_262 : vector<32x1024xf32>
    %get3A_264 = arith.constant 0 : index
    %get3A_265 = arith.constant 0 : index
    %get3A_266 = vector.load %arg11[%get3A_264, %get3A_265] : memref<1x32xf32, #tpu.memory_space<vmem>>, vector<1x32xf32>
    %dot_general3A_267 = arith.constant dense<0.000000e+00> : vector<1x1024xf32>
    %dot_general3A_268 = tpu.matmul %get3A_266, %add3A_263, %dot_general3A_267 {dimension_numbers = #tpu.dot_dimension_numbers<[1], [0], [0], [1], [0, 0, 1, 1], [], []>, transpose_lhs_hint = false} : vector<1x32xf32>, vector<32x1024xf32>, vector<1x1024xf32> -> vector<1x1024xf32>
    %get3A_269 = arith.constant 0 : index
    %get3A_270 = arith.constant 0 : index
    %get3A_271 = vector.load %arg0[%get3A_269, %get3A_270] : memref<1x1024xf32, #tpu.memory_space<vmem>>, vector<1x1024xf32>
    %mul3A_272 = arith.constant 2.000000e+00 : f32
    %mul3A_273 = vector.broadcast %mul3A_272 : f32 to vector<1x1024xf32>
    %mul3A_274 = arith.mulf %mul3A_273, %get3A_271 : vector<1x1024xf32>
    %add3A_275 = arith.addf %mul3A_274, %mul3A_235 : vector<1x1024xf32>
    %add3A_276 = arith.addf %add3A_275, %dot_general3A_268 : vector<1x1024xf32>
    %logistic3A = arith.negf %add3A_276 : vector<1x1024xf32>
    %logistic3A_277 = math.exp %logistic3A : vector<1x1024xf32>
    %logistic3A_278 = arith.constant 1.000000e+00 : f32
    %logistic3A_279 = vector.broadcast %logistic3A_278 : f32 to vector<1x1024xf32>
    %logistic3A_280 = arith.addf %logistic3A_279, %logistic3A_277 : vector<1x1024xf32>
    %logistic3A_281 = arith.divf %logistic3A_279, %logistic3A_280 : vector<1x1024xf32>
    %swap3A = arith.constant 0 : index
    %swap3A_282 = arith.constant 0 : index
    %swap3A_283 = vector.load %arg12[%swap3A, %swap3A_282] : memref<1x1024xf32, #tpu.memory_space<vmem>>, vector<1x1024xf32>
    tpu.vector_store %arg12[%swap3A, %swap3A_282], %logistic3A_281 {strides = array<i32>} : memref<1x1024xf32, #tpu.memory_space<vmem>>, vector<1x1024xf32>,
    return
  }
}

</mosaic_0001>

<sc_bundles>
// kernel: kernel.5.cloned.1.call-start
scs
__scs_entry_jumppad:
0x0: {  	(pc) =	sbr.rel $0x88, $3  }
0x1: {  	(tag) =	ssettag $0x0;
	lr =	simm.s32 $0x1  }
0x2: {  	[smem:$0x3F8F] =	sst lr;
	_ =	strace $0xD0000000  }
0x3: {  	_ = 	snop  }
0x4: {  	_ = 	snop  }
0x5: {  	_ = 	snop  }
0x6: {  	_ = 	snop  }
0x7: {  	_ = 	snop  }
__scs_overlays_trampoline_lowered:
0x8: {  	[smem:$0x3F9E] =	sst s0  }
0x9: {  	[smem:$0x3F9F] =	sst s1  }
0xa: {  	[smem:$0x3FA0] =	sst s2  }
0xb: {  	[smem:$0x3FA1] =	sst s3  }
0xc: {  	[smem:$0x3FA2] =	sst s4  }
0xd: {  	[smem:$0x3FA3] =	sst s5  }
0xe: {  	[smem:$0x3FA4] =	sst s6  }
0xf: {  	[smem:$0x3FA5] =	sst s7  }
0x10: {  	[smem:$0x3FA6] =	sst s8  }
0x11: {  	[smem:$0x3FA7] =	sst s9;
	s0 =	simm.s32 @!p0 $0x0  }
0x12: {  	s1 =	sld [smem:$0x3F8D];
	s0 =	simm.s32 @p0 $0x1  }
0x13: {  	[smem:$0x3FA8] =	sst s0;
	s0 =	simm.s32 @!p1 $0x0  }
0x14: {  	s2 =	sld [smem:$0x3F8C];
	s0 =	simm.s32 @p1 $0x1  }
0x15: {  	[smem:$0x3FA9] =	sst s0;
	s0 =	simm.s32 @!p2 $0x0  }
0x16: {  	s3 =	sld [smem:$0x3FDB];
	s0 =	simm.s32 @p2 $0x1  }
0x17: {  	s4 =	simm.s32 $0x1BF5;
	[smem:$0x3FAB] =	sst s0  }
0x18: {  	s0 =	sld [smem:$0x3F8E];
	_ =	swait.ge [sflag:s4], $0x0  }
0x19: {  	s7 =	sld [smem:$0x3F8F]  }
0x1a: {  	s8 =	sadd.s32 $0xFFFFE003, lr  }
0x1b: {  	s9 =	sadd.s32 $0xFFFFFEF7, lr;
	s5 =	simm.s32 $0xFFFFFFFF;
	p2 =	slt.u32 s8, $0xFFFFF086  }
0x1c: {  	p1 =	slt.u32 s9, $0xF7A;
	s5 =	simm.s32 @!p2 $0x0  }
0x1d: {  	s5 =	simm.s32 @p1 $0x1;
	p0 =	seq.s32 s7, s2  }
0x1e: {  	s7 =	smul.u32 @!p0 $0xF7A, s2;
	p2 =	seq.s32 @!p0 s5, $0x0  }
0x1f: {  	s9 =	smul.u32 $0xF7A, s1;
	s8 =	simm.s32 @!p0 $0x1BF5;
	p2 =	por !p2, p0  }
0x20: {  	[sflag:s8] =	ssyncset.s32 @!p0 $0xFFFFF086;
	s6 =	sadd.s32 @!p0 s3, s7;
	s7 =	simm.s32 @!p0 $0x108  }
0x21: {  	s3 =	sadd.s32 s3, s9;
	s6 =	sadd.s32 @!p0 $0x88, s6;
	s7 =	simm.s32 @p2 $0x1082  }
0x22: {  	[simem:s7], [sflag:s8] =	dma.local @!p0 [hbm:s6], $0xF7A  }
0x23: {  	s9 =	sor.u32 $0xD0000000, s2;
	s6 =	simm.s32 $0x108;
	_ =	swait.ge @!p0 [sflag:s8], $0x0  }
0x24: {  	s3 =	sadd.s32 $0x88, s3;
	s6 =	simm.s32 @!p1 $0x1082;
	[sflag:s4] =	ssyncset.s32 $0xFFFFF086  }
0x25: {  	[simem:s6], [sflag:s4] =	dma.local [hbm:s3], $0xF7A  }
0x26: {  	[smem:$0x3F8F] =	sst s1;
	(tag) =	ssettag s2;
	_ =	strace s9  }
0x27: {  	s1 =	sld [smem:$0x3F9F]  }
0x28: {  	s2 =	sld [smem:$0x3FA0]  }
0x29: {  	s4 =	sld [smem:$0x3FA2]  }
0x2a: {  	p0 =	seq.s32 s5, $0x0;
	s5 =	sld [smem:$0x3FA3]  }
0x2b: {  	s6 =	sld [smem:$0x3FA4]  }
0x2c: {  	s7 =	sld [smem:$0x3FA5]  }
0x2d: {  	s3 =	simm.s32 $0x108;
	s8 =	sld [smem:$0x3FA6]  }
0x2e: {  	s3 =	simm.s32 @!p0 $0x1082;
	s9 =	sld [smem:$0x3FA7]  }
0x2f: {  	lr =	sadd.s32 s0, s3;
	s0 =	sld [smem:$0x3F9E]  }
0x30: {  	s3 =	sld [smem:$0x3FA1]  }
0x31: {  	[smem:$0x3FAA] =	sst s10  }
0x32: {  	s10 =	sld [smem:$0x3FA8];
	_ =	sdelay $0x3  }
0x33: {  	p0 =	seq.s32 s10, $0x1;
	s10 =	sld [smem:$0x3FAA];
	_ =	sdelay $0x3  }
0x34: {  	[smem:$0x3FAA] =	sst s10  }
0x35: {  	s10 =	sld [smem:$0x3FA9];
	_ =	sdelay $0x3  }
0x36: {  	p1 =	seq.s32 s10, $0x1;
	s10 =	sld [smem:$0x3FAA];
	_ =	sdelay $0x3  }
0x37: {  	[smem:$0x3FAA] =	sst s10  }
0x38: {  	s10 =	sld [smem:$0x3FAB]  }
0x39: {  	_ = 	snop;
	(pc) =	sbr.ind lr, $3  }
0x3a: {  	_ = 	snop  }
0x3b: {  	_ = 	snop  }
0x3c: {  	p2 =	seq.s32 s10, $0x1;
	s10 =	sld [smem:$0x3FAA]  }
0x3d: {  	_ =	shalt  }
0x3e: {  	_ =	shalt  }
0x3f: {  	_ =	shalt  }
0x40: {  	_ =	shalt  }
0x41: {  	_ =	shalt  }
0x42: {  	_ =	shalt  }
0x43: {  	_ =	shalt  }
0x44: {  	_ =	shalt  }
0x45: {  	_ =	shalt  }
0x46: {  	_ =	shalt  }
0x47: {  	_ =	shalt  }
0x48: {  	_ =	shalt  }
0x49: {  	_ =	shalt  }
0x4a: {  	_ =	shalt  }
0x4b: {  	_ =	shalt  }
0x4c: {  	_ =	shalt  }
0x4d: {  	_ =	shalt  }
0x4e: {  	_ =	shalt  }
0x4f: {  	_ =	shalt  }
0x50: {  	_ =	shalt  }
0x51: {  	_ =	shalt  }
0x52: {  	_ =	shalt  }
0x53: {  	_ =	shalt  }
0x54: {  	_ =	shalt  }
0x55: {  	_ =	shalt  }
0x56: {  	_ =	shalt  }
0x57: {  	_ =	shalt  }
0x58: {  	_ =	shalt  }
0x59: {  	_ =	shalt  }
0x5a: {  	_ =	shalt  }
0x5b: {  	_ =	shalt  }
0x5c: {  	_ =	shalt  }
0x5d: {  	_ =	shalt  }
0x5e: {  	_ =	shalt  }
0x5f: {  	_ =	shalt  }
0x60: {  	_ =	shalt  }
0x61: {  	_ =	shalt  }
0x62: {  	_ =	shalt  }
0x63: {  	_ =	shalt  }
0x64: {  	_ =	shalt  }
0x65: {  	_ =	shalt  }
0x66: {  	_ =	shalt  }
0x67: {  	_ =	shalt  }
0x68: {  	_ =	shalt  }
0x69: {  	_ =	shalt  }
0x6a: {  	_ =	shalt  }
0x6b: {  	_ =	shalt  }
0x6c: {  	_ =	shalt  }
0x6d: {  	_ =	shalt  }
0x6e: {  	_ =	shalt  }
0x6f: {  	_ =	shalt  }
0x70: {  	_ =	shalt  }
0x71: {  	_ =	shalt  }
0x72: {  	_ =	shalt  }
0x73: {  	_ =	shalt  }
0x74: {  	_ =	shalt  }
0x75: {  	_ =	shalt  }
0x76: {  	_ =	shalt  }
0x77: {  	_ =	shalt  }
0x78: {  	_ =	shalt  }
0x79: {  	_ =	shalt  }
0x7a: {  	_ =	shalt  }
0x7b: {  	_ =	shalt  }
0x7c: {  	_ =	shalt  }
0x7d: {  	_ =	shalt  }
0x7e: {  	_ =	shalt  }
0x7f: {  	_ =	shalt  }
0x80: {  	_ =	shalt  }
0x81: {  	_ =	shalt  }
0x82: {  	_ =	shalt  }
0x83: {  	_ =	shalt  }
0x84: {  	_ =	shalt  }
0x85: {  	_ =	shalt  }
0x86: {  	_ =	shalt  }
0x87: {  	_ =	shalt  }
.Lfunc_end0:
.L_simem_size_0:
called_computation_lowered:
.L_overlay_start_0:
0x88: {  	s2 =	sld [smem:$0x3FD9]  }
0x89: {  	s3 =	sld [smem:$0x3FFE];
	_ =	sdelay $0x1  }
0x8a: {  	s1 =	srdreg.scid  }
0x8b: {  	s0 =	sand.u32 $0x1, s1  }
0x8c: {  	s30 =	sshll.u32 s0, $0xA;
	s2 =	sadd.s32 s3, s2  }
0x8d: {  	s2 =	sadd.s32 s2, s30  }
0x8e: {  	[smem:$0x3FB6] =	sst s2  }
0x8f: {  	_ = 	snop  }
0x90: {  	s5 =	sld [smem:$0x3FC9]  }
0x91: {  	s6 =	sld [smem:$0x3FC8]  }
0x92: {  	s2 =	sld [smem:$0x3FC7]  }
0x93: {  	s31 =	sld [smem:$0x3FC6]  }
0x94: {  	s4 =	sld [smem:$0x3FC5]  }
0x95: {  	s7 =	sld [smem:$0x3FC4]  }
0x96: {  	s8 =	sld [smem:$0x3FC1]  }
0x97: {  	s9 =	sld [smem:$0x3FC0]  }
0x98: {  	s10 =	sld [smem:$0x3FBF]  }
0x99: {  	s11 =	sld [smem:$0x3FBE]  }
0x9a: {  	s12 =	sld [smem:$0x3FBD]  }
0x9b: {  	s13 =	sld [smem:$0x3FBC];
	(tm) =	ssettm $0x1  }
0x9c: {  	s14 =	sld [smem:$0x3FFB];
	_ =	sdelay $0x3  }
0x9d: {  	_ =	strace s14  }
0x9e: {  	s14 =	sld [smem:$0x3FFC];
	_ =	sdelay $0x3  }
0x9f: {  	_ =	strace s14  }
0xa0: {  	s14 =	sld [smem:$0x3FFD];
	_ =	sdelay $0x3  }
0xa1: {  	_ =	strace s14  }
0xa2: {  	_ =	strace $0x8FFFFFFF  }
0xa3: {  	s19 =	sld [smem:$0x3FDB];
	_ =	sdelay $0x1  }
0xa4: {  	s15 =	simm.s32 $_scs_section_size  }
0xa5: {  	s16 =	simm.s32 $_size__tile_overlayer_lowered;
	s17 =	simm.s32 $_tile_overlayer_lowered  }
0xa6: {  	s22 =	simm.s32 $0x1BFF;
	s21 =	sshll.u32 s17, $0x1;
	s14 =	sadd.s32 s15, s19  }
0xa7: {  	s18 =	simm.s32 $0x0;
	s20 =	sshll.u32 s16, $0x1;
	s16 =	sadd.s32 s21, s14  }
0xa8: {  	[timem:s18], [sflag:s22] =	dma.local [hbm:s16], s20  }
0xa9: {  	_ =	swait.ge [sflag:s22], s20  }
0xaa: {  	s15 =	ssub.s32 $0x0, s20;
	[sflag:s22] =	ssyncset.done $0x0  }
0xab: {  	[sflag:s22] =	ssyncadd.s32 s15;
	_ =	sdelay $0x1  }
0xac: {  	s23 =	simm.s32 $0x1B8B  }
0xad: {  	_ =	swait.ge [sflag:s23], $0x1  }
0xae: {  	[sflag:s23] =	ssyncset.done $0x0  }
0xaf: {  	s25 =	simm.s32 $0x1B8E;
	s24 =	sld [smem:$0x3FFE];
	[sflag:s23] =	ssyncadd.s32 $0xFFFFFFFF  }
0xb0: {  	s26 =	simm.s32 $execute0_lowered;
	[smem:$0x3FD2] =	sst s25  }
0xb1: {  	s16 =	sshll.u32 s26, $0x1;
	_ =	strace $0x80000046;
	[dreg:$0x1] =	wrdreg $0xFFFFFFFF  }
0xb2: {  	s28 =	simm.s32 $_size_execute0_lowered;
	s14 =	sadd.s32 s14, s16;
	[dreg:$0x0] =	wrdreg $0x0  }
0xb3: {  	s16 =	sshll.u32 s28, $0x1;
	[dreg:$0x2] =	wrdreg s14  }
0xb4: {  	[dreg:$0x3] =	wrdreg s16  }
0xb5: {  	[dreg:$0x4] =	wrdreg $0xC0  }
0xb6: {  	_ =	task [dreg:s18], $0x5FFFF  }
0xb7: {  	[dreg:$0x1] =	wrdreg $0xFFFFFFFF  }
0xb8: {  	[dreg:$0x0] =	wrdreg $0x60  }
0xb9: {  	[dreg:$0x2] =	wrdreg s8  }
0xba: {  	[dreg:$0x3] =	wrdreg s9  }
0xbb: {  	[dreg:$0x4] =	wrdreg s13  }
0xbc: {  	[dreg:$0x5] =	wrdreg s10  }
0xbd: {  	[dreg:$0x6] =	wrdreg s11  }
0xbe: {  	[dreg:$0x7] =	wrdreg s12  }
0xbf: {  	[dreg:$0x8] =	wrdreg s5  }
0xc0: {  	[dreg:$0x9] =	wrdreg s6  }
0xc1: {  	[dreg:$0xa] =	wrdreg s7  }
0xc2: {  	[dreg:$0xb] =	wrdreg s2  }
0xc3: {  	[dreg:$0xc] =	wrdreg s31  }
0xc4: {  	[dreg:$0xd] =	wrdreg s4  }
0xc5: {  	[dreg:$0xe] =	wrdreg s24  }
0xc6: {  	[dreg:$0xf] =	wrdreg $0x9  }
0xc7: {  	_ =	task.clear_ibuf [dreg:s18], $0x10FFFF;
	_ =	strace $0x90000046  }
0xc8: {  	s29 =	simm.s32 $0x9;
	_ =	strace $0x80000048  }
0xc9: {  	_ =	swait.ge [sflag:s29], $0x1  }
0xca: {  	[sflag:s29] =	ssyncadd.s32 $0xFFFFFFFF  }
0xcb: {  	_ =	strace $0x90000048  }
0xcc: {  	_ =	sfence  }
0xcd: {  	s30 =	sld [smem:$0x0];
	_ =	sdelay $0x2  }
0xce: {  	s31 =	sshll.u32 s1, $0xD;
	s1 =	sshrl.u32 s1, $0x2  }
0xcf: {  	s3 =	sand.u32 $0x4000, s31;
	s1 =	sadd.s32 s1, s30  }
0xd0: {  	s0 =	sor.u32 s3, s0;
	s1 =	sshll.u32 s1, $0x11  }
0xd1: {  	s0 =	sor.u32 s1, s0  }
0xd2: {  	s0 =	sadd.s32 $0x8F2B, s0  }
0xd3: {  	[sflag:s0] =	ssyncadd.remote.s32 $0x1  }
0xd4: {  	_ =	sfence.sel $0xFFFF  }
0xd5: {  	[dreg:$0x0] =	wrdreg $0xFFFFFFFF;
	(pc) =	sbr.abs _section_cstart, $3  }
0xd6: {  	[dreg:$0x1] =	wrdreg $0xFFFFFFFF  }
0xd7: {  	_ =	task.clear_ibuf [dreg:s18], $0x2FFFF;
	_ =	strace $0x9FFFFFFF  }
0xd8: {  	(tm) =	ssettm $0x7FFFFFFF  }
0xd9: {  	_ =	shalt  }
tec
execute0_lowered:
.L_overlay_start_1:
0x0: {  	(tag) =	ssettag $0x1  }
0x1: {  	s0 =	rddreg [dreg:$0x0]  }
0x2: {  	s1 =	rddreg [dreg:$0x1]  }
0x3: {  	s2 =	rddreg [dreg:$0x2]  }
0x4: {  	s3 =	rddreg [dreg:$0xc];
	s5 =	simm.s32 $0x0;
	s9 =	srdreg.scid  }
0x5: {  	s12 =	stileid.u32;
	[smem:$0x7FF] =	sst s5  }
0x6: {  	s4 =	sadd.s32 $0x1E00, s3;
	s6 =	sadd.s32 $0x3E00, s3;
	s7 =	sadd.s32 $0x5E00, s3  }
0x7: {  	s8 =	sadd.s32 $0x7E00, s3;
	s17 =	sadd.s32 $0x9E00, s3;
	s9 =	sand.u32 $0x1, s9  }
0x8: {  	s3 =	sadd.s32 $0xBE00, s3;
	s10 =	sshll.u32 s12, $0x2;
	s15 =	sshrl.u32 s12, $0x1  }
0x9: {  	s11 =	sshll.u32 s9, $0x1;
	s9 =	ssub.s32 $0x2, s9;
	s12 =	smul.u32 $0xC3800, s15  }
0xa: {  	s19 =	sshll.u32 s15, $0xD;
	s22 =	sshll.u32 s15, $0xF;
	s20 =	sor.u32 s11, s10  }
0xb: {  	s13 =	sshrl.u32 s9, $0x1;
	s11 =	sshll.u32 s20, $0x7;
	s24 =	sor.u32 $0x1, s20  }
0xc: {  	s23 =	ssub.s32 s9, s13;
	v0 =	vmov s20;
	s20 =	simm.s32 $0x18700;
	s11 =	sand.u32 $0x300, s11  }
0xd: {  	s14 =	sshll.u32 s24, $0x7;
	s31 =	smax.u32 s23, $0x1;
	s23 =	simm.s32 $0x19700  }
0xe: {  	v1 =	vmov s24;
	s24 =	simm.s32 $0x0;
	s16 =	sor.u32 s12, s11;
	s18 =	sand.u32 $0x380, s14  }
0xf: {  	s21 =	sor.u32 s19, s11;
	s11 =	sor.u32 s22, s11;
	s9 =	sshrl.u32 s16, $0x3  }
0x10: {  	s12 =	sor.u32 s12, s18;
	s28 =	sshrl.u32 s21, $0x3;
	s25 =	sor.u32 s19, s18  }
0x11: {  	s26 =	sshrl.u32 s11, $0x3;
	s9 =	sadd.s32 s0, s9;
	s12 =	sshrl.u32 s12, $0x3  }
0x12: {  	s30 =	sshrl.u32 s25, $0x3;
	s11 =	sadd.s32 s1, s26;
	s13 =	sadd.s32 s2, s26  }
0x13: {  	s15 =	sadd.s32 s6, s28;
	s21 =	sadd.s32 s8, s28;
	s25 =	sadd.s32 s17, s28  }
0x14: {  	s29 =	sadd.s32 s3, s28;
	[dreg:$0xe] =	wrdreg s9;
	s0 =	sadd.s32 s0, s12  }
0x15: {  	s9 =	sadd.s32 s4, s28;
	s10 =	sadd.s32 s4, s30;
	s16 =	sadd.s32 s6, s30  }
0x16: {  	s19 =	sadd.s32 s7, s30;
	s26 =	sadd.s32 s17, s30;
	s6 =	simm.s32 $0x1  }
0x17: {  	s4 =	simm.s32 $0x400;
	s17 =	simm.s32 $0x1B100;
	[dreg:$0xf] =	wrdreg s0  }
0x18: {  	s0 =	sor.u32 s22, s18;
	s18 =	sadd.s32 s7, s28;
	s22 =	sadd.s32 s8, s30  }
0x19: {  	s30 =	sadd.s32 s3, s30;
	s3 =	simm.s32 $0x80;
	s0 =	sshrl.u32 s0, $0x3  }
0x1a: {  	_ =	strace $0x80000047;
	s12 =	sadd.s32 s1, s0;
	s14 =	sadd.s32 s2, s0  }
0x1b: {  	v0 =	vbroadcast v0, $0x0;
	v1 =	vbroadcast v1, $0x0;
	s0 =	simm.s32 $0x19900;
	s1 =	simm.s32 $0x19D00;
	s2 =	simm.s32 $0x1AD00  }
.LBB2_1:
0x1c: {  	s7 =	rddreg [dreg:$0x3]  }
0x1d: {  	[tilespmem:s23], [sflag:$0x1] =	stream.linear.gather [hbm4b:s7+s5], $0x200, $0x38;
	[tilespmem:$0x1B500] =	vst v63  }
0x1e: {  	_ =	swait.ge [sflag:s6], $0x200  }
0x1f: {  	[sflag:s6] =	ssyncset.done $0x0  }
0x20: {  	[sflag:s6] =	ssyncadd.s32 $0xFFFFFE00  }
0x21: {  	s8 =	rddreg [dreg:$0x4]  }
0x22: {  	[tilespmem:s0], [sflag:$0x1] =	stream.linear.gather [hbm4b:s8+s5], $0x400, $0x38;
	[tilespmem:$0x1B500] =	vst v63  }
0x23: {  	_ =	swait.ge [sflag:s6], $0x400  }
0x24: {  	[sflag:s6] =	ssyncset.done $0x0  }
0x25: {  	[sflag:s6] =	ssyncadd.s32 $0xFFFFFC00  }
0x26: {  	s8 =	rddreg [dreg:$0x5]  }
0x27: {  	[tilespmem:s1], [sflag:$0x1] =	stream.linear.gather [hbm4b:s8+s5], $0x1000, $0x38;
	[tilespmem:$0x1B500] =	vst v63  }
0x28: {  	_ =	swait.ge [sflag:s6], $0x1000  }
0x29: {  	[sflag:s6] =	ssyncset.done $0x0  }
0x2a: {  	[sflag:s6] =	ssyncadd.s32 $0xFFFFF000  }
0x2b: {  	s8 =	rddreg [dreg:$0x6]  }
0x2c: {  	[tilespmem:s2], [sflag:$0x1] =	stream.linear.gather [hbm4b:s8+s5], $0x400, $0x38;
	[tilespmem:$0x1B500] =	vst v63  }
0x2d: {  	_ =	swait.ge [sflag:s6], $0x400  }
0x2e: {  	[sflag:s6] =	ssyncset.done $0x0  }
0x2f: {  	s8 =	rddreg [dreg:$0xe];
	[sflag:s6] =	ssyncadd.s32 $0xFFFFFC00  }
0x30: {  	[tilespmem:s5], [sflag:$0x1] =	stream.strided.gather [hbm4b:s8+s3], $0x18700, s4, s3, $0x38;
	[tilespmem:$0x1B500] =	vst v63  }
0x31: {  	_ =	swait.ge [sflag:s6], $0x18700  }
0x32: {  	[sflag:s6] =	ssyncset.done $0x0  }
0x33: {  	s28 =	simm.s32 $0x0;
	[sflag:s6] =	ssyncadd.s32 $0xFFFE7900  }
0x34: {  	v2 =	vld [tilespmem:s28+$0x1AD00];
	_ =	sdelay $0x5  }
0x35: {  	v3 =	vld [tilespmem:s28+$0x1AD10];
	_ =	sdelay $0x1  }
0x36: {  	v2 =	vld.idx.msk [tilespmem:v2+s5+$0x0], $0xffff;
	_ =	sdelay $0x4  }
0x37: {  	v4 =	vld [tilespmem:s28+$0x1AD20];
	[tilespmem:s28+$0x1B100] =	vst v2  }
0x38: {  	v2 =	vld.idx.msk [tilespmem:v3+s5+$0x0], $0xffff;
	_ =	sdelay $0x4  }
0x39: {  	[tilespmem:s28+$0x1B110] =	vst v2;
	v2 =	vld [tilespmem:s28+$0x1AD30];
	_ =	sdelay $0x1  }
0x3a: {  	v3 =	vld.idx.msk [tilespmem:v4+s5+$0x0], $0xffff;
	_ =	sdelay $0x3  }
0x3b: {  	s7 =	simm.s32 $0x200;
	s8 =	simm.s32 $0x40  }
.LBB2_2:
0x3c: {  	p0 =	sne.s32 s7, $0xF00;
	v4 =	vld [tilespmem:s8+$0x1AD00];
	[tilespmem:s28+$0x1B120] =	vst v3  }
0x3d: {  	v2 =	vld.idx.msk [tilespmem:v2+s5+$0x0], $0xffff;
	_ =	sdelay $0x5  }
0x3e: {  	v3 =	vld [tilespmem:s8+$0x1AD10];
	[tilespmem:s28+$0x1B130] =	vst v2;
	s28 =	smov.u32 s8  }
0x3f: {  	v2 =	vld.idx.msk [tilespmem:v4+s5+$0x0], $0xffff;
	_ =	sdelay $0x5  }
0x40: {  	[tilespmem:s28+$0x1B100] =	vst v2;
	v4 =	vld [tilespmem:s28+$0x1AD20]  }
0x41: {  	v2 =	vld.idx.msk [tilespmem:v3+s5+$0x0], $0xffff;
	_ =	sdelay $0x5  }
0x42: {  	[tilespmem:s28+$0x1B110] =	vst v2;
	v2 =	vld [tilespmem:s28+$0x1AD30]  }
0x43: {  	v3 =	vld.idx.msk [tilespmem:v4+s5+$0x0], $0xffff  }
.Ltmp0:
0x44: {  	(pc) =	sbr.rel @p0 .LBB2_2-.Ltmp0, $2  }
0x45: {  	_ =	sdelay $0x2  }
0x46: {  	s8 =	sshra.s32 s7, $0x2;
	s7 =	sadd.s32 $0x100, s7  }
0x47: {  	_ =	sdelay $0x1  }
0x48: {  	v4 =	vld [tilespmem:s8+$0x1AD00]  }
0x49: {  	[tilespmem:s28+$0x1B120] =	vst v3  }
0x4a: {  	v2 =	vld.idx.msk [tilespmem:v2+s5+$0x0], $0xffff;
	_ =	sdelay $0x3  }
0x4b: {  	v3 =	vld [tilespmem:s8+$0x1AD10]  }
0x4c: {  	[tilespmem:s28+$0x1B130] =	vst v2  }
0x4d: {  	v2 =	vld.idx.msk [tilespmem:v4+s5+$0x0], $0xffff;
	_ =	sdelay $0x4  }
0x4e: {  	[tilespmem:s8+$0x1B100] =	vst v2;
	v2 =	vld [tilespmem:s8+$0x1AD20]  }
0x4f: {  	v3 =	vld.idx.msk [tilespmem:v3+s5+$0x0], $0xffff;
	_ =	sdelay $0x4  }
0x50: {  	[tilespmem:s8+$0x1B110] =	vst v3;
	v3 =	vld [tilespmem:s8+$0x1AD30];
	_ =	sdelay $0x1  }
0x51: {  	v2 =	vld.idx.msk [tilespmem:v2+s5+$0x0], $0xffff;
	_ =	sdelay $0x4  }
0x52: {  	[tilespmem:s8+$0x1B120] =	vst v2  }
0x53: {  	v2 =	vld.idx.msk [tilespmem:v3+s5+$0x0], $0xffff;
	_ =	sdelay $0x4  }
0x54: {  	[tilespmem:s8+$0x1B130] =	vst v2  }
0x55: {  	[hbm4b:s9+s3] =	stream.strided.scatter [tilespmem:s17], [sflag:$0x1], $0x400, s4, s3, $0x38;
	[tilespmem:$0x1B500] =	vst v63  }
0x56: {  	_ =	swait.ge [sflag:s6], $0x400  }
0x57: {  	[sflag:s6] =	ssyncset.done $0x0  }
0x58: {  	s7 =	simm.s32 $0x0;
	s8 =	rddreg [dreg:$0xf];
	[sflag:s6] =	ssyncadd.s32 $0xFFFFFC00  }
0x59: {  	[tilespmem:s7], [sflag:$0x1] =	stream.strided.gather [hbm4b:s8+s3], $0x18700, s4, s3, $0x38;
	[tilespmem:$0x1B500] =	vst v63  }
0x5a: {  	_ =	swait.ge [sflag:s6], $0x18700  }
0x5b: {  	[sflag:s6] =	ssyncset.done $0x0  }
0x5c: {  	s28 =	simm.s32 $0x0;
	[sflag:s6] =	ssyncadd.s32 $0xFFFE7900  }
0x5d: {  	v2 =	vld [tilespmem:s28+$0x1AD00];
	_ =	sdelay $0x5  }
0x5e: {  	v3 =	vld [tilespmem:s28+$0x1AD10];
	_ =	sdelay $0x1  }
0x5f: {  	v2 =	vld.idx.msk [tilespmem:v2+s5+$0x0], $0xffff;
	_ =	sdelay $0x4  }
0x60: {  	v4 =	vld [tilespmem:s28+$0x1AD20];
	[tilespmem:s28+$0x1B100] =	vst v2  }
0x61: {  	v2 =	vld.idx.msk [tilespmem:v3+s5+$0x0], $0xffff;
	_ =	sdelay $0x4  }
0x62: {  	[tilespmem:s28+$0x1B110] =	vst v2;
	v2 =	vld [tilespmem:s28+$0x1AD30];
	_ =	sdelay $0x1  }
0x63: {  	v3 =	vld.idx.msk [tilespmem:v4+s5+$0x0], $0xffff;
	_ =	sdelay $0x3  }
0x64: {  	s8 =	simm.s32 $0x40;
	s7 =	simm.s32 $0x200  }
.LBB2_4:
0x65: {  	p0 =	sne.s32 s7, $0xF00;
	v4 =	vld [tilespmem:s8+$0x1AD00];
	[tilespmem:s28+$0x1B120] =	vst v3  }
0x66: {  	v2 =	vld.idx.msk [tilespmem:v2+s5+$0x0], $0xffff;
	_ =	sdelay $0x5  }
0x67: {  	v3 =	vld [tilespmem:s8+$0x1AD10];
	[tilespmem:s28+$0x1B130] =	vst v2;
	s28 =	smov.u32 s8  }
0x68: {  	v2 =	vld.idx.msk [tilespmem:v4+s5+$0x0], $0xffff;
	_ =	sdelay $0x5  }
0x69: {  	[tilespmem:s28+$0x1B100] =	vst v2;
	v4 =	vld [tilespmem:s28+$0x1AD20]  }
0x6a: {  	v2 =	vld.idx.msk [tilespmem:v3+s5+$0x0], $0xffff;
	_ =	sdelay $0x5  }
0x6b: {  	[tilespmem:s28+$0x1B110] =	vst v2;
	v2 =	vld [tilespmem:s28+$0x1AD30]  }
0x6c: {  	v3 =	vld.idx.msk [tilespmem:v4+s5+$0x0], $0xffff  }
.Ltmp1:
0x6d: {  	(pc) =	sbr.rel @p0 .LBB2_4-.Ltmp1, $2  }
0x6e: {  	_ =	sdelay $0x2  }
0x6f: {  	s8 =	sshra.s32 s7, $0x2;
	s7 =	sadd.s32 $0x100, s7  }
0x70: {  	_ =	sdelay $0x1  }
0x71: {  	v4 =	vld [tilespmem:s8+$0x1AD00]  }
0x72: {  	[tilespmem:s28+$0x1B120] =	vst v3  }
0x73: {  	v2 =	vld.idx.msk [tilespmem:v2+s5+$0x0], $0xffff;
	_ =	sdelay $0x3  }
0x74: {  	v3 =	vld [tilespmem:s8+$0x1AD10]  }
0x75: {  	[tilespmem:s28+$0x1B130] =	vst v2  }
0x76: {  	v2 =	vld.idx.msk [tilespmem:v4+s5+$0x0], $0xffff;
	_ =	sdelay $0x4  }
0x77: {  	[tilespmem:s8+$0x1B100] =	vst v2;
	v2 =	vld [tilespmem:s8+$0x1AD20]  }
0x78: {  	v3 =	vld.idx.msk [tilespmem:v3+s5+$0x0], $0xffff;
	_ =	sdelay $0x4  }
0x79: {  	[tilespmem:s8+$0x1B110] =	vst v3;
	v3 =	vld [tilespmem:s8+$0x1AD30];
	_ =	sdelay $0x1  }
0x7a: {  	v2 =	vld.idx.msk [tilespmem:v2+s5+$0x0], $0xffff;
	_ =	sdelay $0x4  }
0x7b: {  	[tilespmem:s8+$0x1B120] =	vst v2  }
0x7c: {  	v2 =	vld.idx.msk [tilespmem:v3+s5+$0x0], $0xffff;
	_ =	sdelay $0x4  }
0x7d: {  	[tilespmem:s8+$0x1B130] =	vst v2  }
0x7e: {  	[hbm4b:s10+s3] =	stream.strided.scatter [tilespmem:s17], [sflag:$0x1], $0x400, s4, s3, $0x38;
	[tilespmem:$0x1B500] =	vst v63  }
0x7f: {  	_ =	swait.ge [sflag:s6], $0x400  }
0x80: {  	[sflag:s6] =	ssyncset.done $0x0  }
0x81: {  	[sflag:s6] =	ssyncadd.s32 $0xFFFFFC00  }
0x82: {  	s7 =	simm.s32 $0x0;
	s8 =	rddreg [dreg:$0x7]  }
0x83: {  	[tilespmem:s2], [sflag:$0x1] =	stream.linear.gather [hbm4b:s8+s7], $0x400, $0x38;
	[tilespmem:$0x1B500] =	vst v63  }
0x84: {  	_ =	swait.ge [sflag:s6], $0x400  }
0x85: {  	[sflag:s6] =	ssyncset.done $0x0  }
0x86: {  	[sflag:s6] =	ssyncadd.s32 $0xFFFFFC00  }
0x87: {  	[tilespmem:s20], [sflag:$0x1] =	stream.strided.gather [hbm4b:s11+s3], $0x1000, s4, s3, $0x38;
	[tilespmem:$0x1B500] =	vst v63  }
0x88: {  	_ =	swait.ge [sflag:s6], $0x1000  }
0x89: {  	[sflag:s6] =	ssyncset.done $0x0  }
0x8a: {  	s28 =	simm.s32 $0x0;
	[sflag:s6] =	ssyncadd.s32 $0xFFFFF000  }
0x8b: {  	v2 =	vld [tilespmem:s28+$0x1AD00];
	_ =	sdelay $0x5  }
0x8c: {  	v3 =	vld [tilespmem:s28+$0x1AD10];
	_ =	sdelay $0x1  }
0x8d: {  	v2 =	vld.idx.msk [tilespmem:v2+s20+$0x0], $0xffff;
	_ =	sdelay $0x4  }
0x8e: {  	v4 =	vld [tilespmem:s28+$0x1AD20];
	[tilespmem:s28+$0x1B100] =	vst v2  }
0x8f: {  	v2 =	vld.idx.msk [tilespmem:v3+s20+$0x0], $0xffff;
	_ =	sdelay $0x4  }
0x90: {  	[tilespmem:s28+$0x1B110] =	vst v2;
	v2 =	vld [tilespmem:s28+$0x1AD30];
	_ =	sdelay $0x1  }
0x91: {  	v3 =	vld.idx.msk [tilespmem:v4+s20+$0x0], $0xffff;
	_ =	sdelay $0x3  }
0x92: {  	s8 =	simm.s32 $0x40;
	s7 =	simm.s32 $0x200  }
.LBB2_6:
0x93: {  	p0 =	sne.s32 s7, $0xF00;
	v4 =	vld [tilespmem:s8+$0x1AD00];
	[tilespmem:s28+$0x1B120] =	vst v3  }
0x94: {  	v2 =	vld.idx.msk [tilespmem:v2+s20+$0x0], $0xffff;
	_ =	sdelay $0x5  }
0x95: {  	v3 =	vld [tilespmem:s8+$0x1AD10];
	[tilespmem:s28+$0x1B130] =	vst v2;
	s28 =	smov.u32 s8  }
0x96: {  	v2 =	vld.idx.msk [tilespmem:v4+s20+$0x0], $0xffff;
	_ =	sdelay $0x5  }
0x97: {  	[tilespmem:s28+$0x1B100] =	vst v2;
	v4 =	vld [tilespmem:s28+$0x1AD20]  }
0x98: {  	v2 =	vld.idx.msk [tilespmem:v3+s20+$0x0], $0xffff;
	_ =	sdelay $0x5  }
0x99: {  	[tilespmem:s28+$0x1B110] =	vst v2;
	v2 =	vld [tilespmem:s28+$0x1AD30]  }
0x9a: {  	v3 =	vld.idx.msk [tilespmem:v4+s20+$0x0], $0xffff  }
.Ltmp2:
0x9b: {  	(pc) =	sbr.rel @p0 .LBB2_6-.Ltmp2, $2  }
0x9c: {  	_ =	sdelay $0x2  }
0x9d: {  	s8 =	sshra.s32 s7, $0x2;
	s7 =	sadd.s32 $0x100, s7  }
0x9e: {  	_ =	sdelay $0x1  }
0x9f: {  	v4 =	vld [tilespmem:s8+$0x1AD00]  }
0xa0: {  	[tilespmem:s28+$0x1B120] =	vst v3  }
0xa1: {  	v2 =	vld.idx.msk [tilespmem:v2+s20+$0x0], $0xffff;
	_ =	sdelay $0x3  }
0xa2: {  	v3 =	vld [tilespmem:s8+$0x1AD10]  }
0xa3: {  	[tilespmem:s28+$0x1B130] =	vst v2  }
0xa4: {  	v2 =	vld.idx.msk [tilespmem:v4+s20+$0x0], $0xffff;
	_ =	sdelay $0x4  }
0xa5: {  	[tilespmem:s8+$0x1B100] =	vst v2;
	v2 =	vld [tilespmem:s8+$0x1AD20]  }
0xa6: {  	v3 =	vld.idx.msk [tilespmem:v3+s20+$0x0], $0xffff;
	_ =	sdelay $0x4  }
0xa7: {  	[tilespmem:s8+$0x1B110] =	vst v3;
	v3 =	vld [tilespmem:s8+$0x1AD30];
	_ =	sdelay $0x1  }
0xa8: {  	v2 =	vld.idx.msk [tilespmem:v2+s20+$0x0], $0xffff;
	_ =	sdelay $0x4  }
0xa9: {  	[tilespmem:s8+$0x1B120] =	vst v2  }
0xaa: {  	v2 =	vld.idx.msk [tilespmem:v3+s20+$0x0], $0xffff;
	_ =	sdelay $0x4  }
0xab: {  	[tilespmem:s8+$0x1B130] =	vst v2  }
0xac: {  	[hbm4b:s15+s3] =	stream.strided.scatter [tilespmem:s17], [sflag:$0x1], $0x400, s4, s3, $0x38;
	[tilespmem:$0x1B500] =	vst v63  }
0xad: {  	_ =	swait.ge [sflag:s6], $0x400  }
0xae: {  	[sflag:s6] =	ssyncset.done $0x0  }
0xaf: {  	[sflag:s6] =	ssyncadd.s32 $0xFFFFFC00  }
0xb0: {  	[tilespmem:s20], [sflag:$0x1] =	stream.strided.gather [hbm4b:s12+s3], $0x1000, s4, s3, $0x38;
	[tilespmem:$0x1B500] =	vst v63  }
0xb1: {  	_ =	swait.ge [sflag:s6], $0x1000  }
0xb2: {  	[sflag:s6] =	ssyncset.done $0x0  }
0xb3: {  	s28 =	simm.s32 $0x0;
	[sflag:s6] =	ssyncadd.s32 $0xFFFFF000  }
0xb4: {  	v2 =	vld [tilespmem:s28+$0x1AD00];
	_ =	sdelay $0x5  }
0xb5: {  	v3 =	vld [tilespmem:s28+$0x1AD10];
	_ =	sdelay $0x1  }
0xb6: {  	v2 =	vld.idx.msk [tilespmem:v2+s20+$0x0], $0xffff;
	_ =	sdelay $0x4  }
0xb7: {  	v4 =	vld [tilespmem:s28+$0x1AD20];
	[tilespmem:s28+$0x1B100] =	vst v2  }
0xb8: {  	v2 =	vld.idx.msk [tilespmem:v3+s20+$0x0], $0xffff;
	_ =	sdelay $0x4  }
0xb9: {  	[tilespmem:s28+$0x1B110] =	vst v2;
	v2 =	vld [tilespmem:s28+$0x1AD30];
	_ =	sdelay $0x1  }
0xba: {  	v3 =	vld.idx.msk [tilespmem:v4+s20+$0x0], $0xffff;
	_ =	sdelay $0x3  }
0xbb: {  	s7 =	simm.s32 $0x200;
	s8 =	simm.s32 $0x40  }
.LBB2_8:
0xbc: {  	p0 =	sne.s32 s7, $0xF00;
	v4 =	vld [tilespmem:s8+$0x1AD00];
	[tilespmem:s28+$0x1B120] =	vst v3  }
0xbd: {  	v2 =	vld.idx.msk [tilespmem:v2+s20+$0x0], $0xffff;
	_ =	sdelay $0x5  }
0xbe: {  	v3 =	vld [tilespmem:s8+$0x1AD10];
	[tilespmem:s28+$0x1B130] =	vst v2;
	s28 =	smov.u32 s8  }
0xbf: {  	v2 =	vld.idx.msk [tilespmem:v4+s20+$0x0], $0xffff;
	_ =	sdelay $0x5  }
0xc0: {  	[tilespmem:s28+$0x1B100] =	vst v2;
	v4 =	vld [tilespmem:s28+$0x1AD20]  }
0xc1: {  	v2 =	vld.idx.msk [tilespmem:v3+s20+$0x0], $0xffff;
	_ =	sdelay $0x5  }
0xc2: {  	[tilespmem:s28+$0x1B110] =	vst v2;
	v2 =	vld [tilespmem:s28+$0x1AD30]  }
0xc3: {  	v3 =	vld.idx.msk [tilespmem:v4+s20+$0x0], $0xffff  }
.Ltmp3:
0xc4: {  	(pc) =	sbr.rel @p0 .LBB2_8-.Ltmp3, $2  }
0xc5: {  	_ =	sdelay $0x2  }
0xc6: {  	s8 =	sshra.s32 s7, $0x2;
	s7 =	sadd.s32 $0x100, s7  }
0xc7: {  	_ =	sdelay $0x1  }
0xc8: {  	v4 =	vld [tilespmem:s8+$0x1AD00]  }
0xc9: {  	[tilespmem:s28+$0x1B120] =	vst v3  }
0xca: {  	v2 =	vld.idx.msk [tilespmem:v2+s20+$0x0], $0xffff;
	_ =	sdelay $0x3  }
0xcb: {  	v3 =	vld [tilespmem:s8+$0x1AD10]  }
0xcc: {  	[tilespmem:s28+$0x1B130] =	vst v2  }
0xcd: {  	v2 =	vld.idx.msk [tilespmem:v4+s20+$0x0], $0xffff;
	_ =	sdelay $0x4  }
0xce: {  	[tilespmem:s8+$0x1B100] =	vst v2;
	v2 =	vld [tilespmem:s8+$0x1AD20]  }
0xcf: {  	v3 =	vld.idx.msk [tilespmem:v3+s20+$0x0], $0xffff;
	_ =	sdelay $0x4  }
0xd0: {  	[tilespmem:s8+$0x1B110] =	vst v3;
	v3 =	vld [tilespmem:s8+$0x1AD30];
	_ =	sdelay $0x1  }
0xd1: {  	v2 =	vld.idx.msk [tilespmem:v2+s20+$0x0], $0xffff;
	_ =	sdelay $0x4  }
0xd2: {  	[tilespmem:s8+$0x1B120] =	vst v2  }
0xd3: {  	v2 =	vld.idx.msk [tilespmem:v3+s20+$0x0], $0xffff;
	_ =	sdelay $0x4  }
0xd4: {  	[tilespmem:s8+$0x1B130] =	vst v2  }
0xd5: {  	[hbm4b:s16+s3] =	stream.strided.scatter [tilespmem:s17], [sflag:$0x1], $0x400, s4, s3, $0x38;
	[tilespmem:$0x1B500] =	vst v63  }
0xd6: {  	_ =	swait.ge [sflag:s6], $0x400  }
0xd7: {  	[sflag:s6] =	ssyncset.done $0x0  }
0xd8: {  	[sflag:s6] =	ssyncadd.s32 $0xFFFFFC00  }
0xd9: {  	s7 =	simm.s32 $0x0;
	s8 =	rddreg [dreg:$0x8]  }
0xda: {  	[tilespmem:s2], [sflag:$0x1] =	stream.linear.gather [hbm4b:s8+s7], $0x400, $0x38;
	[tilespmem:$0x1B500] =	vst v63  }
0xdb: {  	_ =	swait.ge [sflag:s6], $0x400  }
0xdc: {  	[sflag:s6] =	ssyncset.done $0x0  }
0xdd: {  	[sflag:s6] =	ssyncadd.s32 $0xFFFFFC00  }
0xde: {  	[tilespmem:s20], [sflag:$0x1] =	stream.strided.gather [hbm4b:s13+s3], $0x1000, s4, s3, $0x38;
	[tilespmem:$0x1B500] =	vst v63  }
0xdf: {  	_ =	swait.ge [sflag:s6], $0x1000  }
0xe0: {  	[sflag:s6] =	ssyncset.done $0x0  }
0xe1: {  	s28 =	simm.s32 $0x0;
	[sflag:s6] =	ssyncadd.s32 $0xFFFFF000  }
0xe2: {  	v2 =	vld [tilespmem:s28+$0x1AD00];
	_ =	sdelay $0x5  }
0xe3: {  	v3 =	vld [tilespmem:s28+$0x1AD10];
	_ =	sdelay $0x1  }
0xe4: {  	v2 =	vld.idx.msk [tilespmem:v2+s20+$0x0], $0xffff;
	_ =	sdelay $0x4  }
0xe5: {  	v4 =	vld [tilespmem:s28+$0x1AD20];
	[tilespmem:s28+$0x1B100] =	vst v2  }
0xe6: {  	v2 =	vld.idx.msk [tilespmem:v3+s20+$0x0], $0xffff;
	_ =	sdelay $0x4  }
0xe7: {  	[tilespmem:s28+$0x1B110] =	vst v2;
	v2 =	vld [tilespmem:s28+$0x1AD30];
	_ =	sdelay $0x1  }
0xe8: {  	v3 =	vld.idx.msk [tilespmem:v4+s20+$0x0], $0xffff;
	_ =	sdelay $0x3  }
0xe9: {  	s8 =	simm.s32 $0x40;
	s7 =	simm.s32 $0x200  }
.LBB2_10:
0xea: {  	p0 =	sne.s32 s7, $0xF00;
	v4 =	vld [tilespmem:s8+$0x1AD00];
	[tilespmem:s28+$0x1B120] =	vst v3  }
0xeb: {  	v2 =	vld.idx.msk [tilespmem:v2+s20+$0x0], $0xffff;
	_ =	sdelay $0x5  }
0xec: {  	v3 =	vld [tilespmem:s8+$0x1AD10];
	[tilespmem:s28+$0x1B130] =	vst v2;
	s28 =	smov.u32 s8  }
0xed: {  	v2 =	vld.idx.msk [tilespmem:v4+s20+$0x0], $0xffff;
	_ =	sdelay $0x5  }
0xee: {  	[tilespmem:s28+$0x1B100] =	vst v2;
	v4 =	vld [tilespmem:s28+$0x1AD20]  }
0xef: {  	v2 =	vld.idx.msk [tilespmem:v3+s20+$0x0], $0xffff;
	_ =	sdelay $0x5  }
0xf0: {  	[tilespmem:s28+$0x1B110] =	vst v2;
	v2 =	vld [tilespmem:s28+$0x1AD30]  }
0xf1: {  	v3 =	vld.idx.msk [tilespmem:v4+s20+$0x0], $0xffff  }
.Ltmp4:
0xf2: {  	(pc) =	sbr.rel @p0 .LBB2_10-.Ltmp4, $2  }
0xf3: {  	_ =	sdelay $0x2  }
0xf4: {  	s8 =	sshra.s32 s7, $0x2;
	s7 =	sadd.s32 $0x100, s7  }
0xf5: {  	_ =	sdelay $0x1  }
0xf6: {  	v4 =	vld [tilespmem:s8+$0x1AD00]  }
0xf7: {  	[tilespmem:s28+$0x1B120] =	vst v3  }
0xf8: {  	v2 =	vld.idx.msk [tilespmem:v2+s20+$0x0], $0xffff;
	_ =	sdelay $0x3  }
0xf9: {  	v3 =	vld [tilespmem:s8+$0x1AD10]  }
0xfa: {  	[tilespmem:s28+$0x1B130] =	vst v2  }
0xfb: {  	v2 =	vld.idx.msk [tilespmem:v4+s20+$0x0], $0xffff;
	_ =	sdelay $0x4  }
0xfc: {  	[tilespmem:s8+$0x1B100] =	vst v2;
	v2 =	vld [tilespmem:s8+$0x1AD20]  }
0xfd: {  	v3 =	vld.idx.msk [tilespmem:v3+s20+$0x0], $0xffff;
	_ =	sdelay $0x4  }
0xfe: {  	[tilespmem:s8+$0x1B110] =	vst v3;
	v3 =	vld [tilespmem:s8+$0x1AD30];
	_ =	sdelay $0x1  }
0xff: {  	v2 =	vld.idx.msk [tilespmem:v2+s20+$0x0], $0xffff;
	_ =	sdelay $0x4  }
0x100: {  	[tilespmem:s8+$0x1B120] =	vst v2  }
0x101: {  	v2 =	vld.idx.msk [tilespmem:v3+s20+$0x0], $0xffff;
	_ =	sdelay $0x4  }
0x102: {  	[tilespmem:s8+$0x1B130] =	vst v2  }
0x103: {  	[hbm4b:s18+s3] =	stream.strided.scatter [tilespmem:s17], [sflag:$0x1], $0x400, s4, s3, $0x38;
	[tilespmem:$0x1B500] =	vst v63  }
0x104: {  	_ =	swait.ge [sflag:s6], $0x400  }
0x105: {  	[sflag:s6] =	ssyncset.done $0x0  }
0x106: {  	[sflag:s6] =	ssyncadd.s32 $0xFFFFFC00  }
0x107: {  	[tilespmem:s20], [sflag:$0x1] =	stream.strided.gather [hbm4b:s14+s3], $0x1000, s4, s3, $0x38;
	[tilespmem:$0x1B500] =	vst v63  }
0x108: {  	_ =	swait.ge [sflag:s6], $0x1000  }
0x109: {  	[sflag:s6] =	ssyncset.done $0x0  }
0x10a: {  	s28 =	simm.s32 $0x0;
	[sflag:s6] =	ssyncadd.s32 $0xFFFFF000  }
0x10b: {  	v2 =	vld [tilespmem:s28+$0x1AD00];
	_ =	sdelay $0x5  }
0x10c: {  	v3 =	vld [tilespmem:s28+$0x1AD10];
	_ =	sdelay $0x1  }
0x10d: {  	v2 =	vld.idx.msk [tilespmem:v2+s20+$0x0], $0xffff;
	_ =	sdelay $0x4  }
0x10e: {  	v4 =	vld [tilespmem:s28+$0x1AD20];
	[tilespmem:s28+$0x1B100] =	vst v2  }
0x10f: {  	v2 =	vld.idx.msk [tilespmem:v3+s20+$0x0], $0xffff;
	_ =	sdelay $0x4  }
0x110: {  	[tilespmem:s28+$0x1B110] =	vst v2;
	v2 =	vld [tilespmem:s28+$0x1AD30];
	_ =	sdelay $0x1  }
0x111: {  	v3 =	vld.idx.msk [tilespmem:v4+s20+$0x0], $0xffff;
	_ =	sdelay $0x3  }
0x112: {  	s7 =	simm.s32 $0x200;
	s8 =	simm.s32 $0x40  }
.LBB2_12:
0x113: {  	p0 =	sne.s32 s7, $0xF00;
	v4 =	vld [tilespmem:s8+$0x1AD00];
	[tilespmem:s28+$0x1B120] =	vst v3  }
0x114: {  	v2 =	vld.idx.msk [tilespmem:v2+s20+$0x0], $0xffff;
	_ =	sdelay $0x5  }
0x115: {  	v3 =	vld [tilespmem:s8+$0x1AD10];
	[tilespmem:s28+$0x1B130] =	vst v2;
	s28 =	smov.u32 s8  }
0x116: {  	v2 =	vld.idx.msk [tilespmem:v4+s20+$0x0], $0xffff;
	_ =	sdelay $0x5  }
0x117: {  	[tilespmem:s28+$0x1B100] =	vst v2;
	v4 =	vld [tilespmem:s28+$0x1AD20]  }
0x118: {  	v2 =	vld.idx.msk [tilespmem:v3+s20+$0x0], $0xffff;
	_ =	sdelay $0x5  }
0x119: {  	[tilespmem:s28+$0x1B110] =	vst v2;
	v2 =	vld [tilespmem:s28+$0x1AD30]  }
0x11a: {  	v3 =	vld.idx.msk [tilespmem:v4+s20+$0x0], $0xffff  }
.Ltmp5:
0x11b: {  	(pc) =	sbr.rel @p0 .LBB2_12-.Ltmp5, $2  }
0x11c: {  	_ =	sdelay $0x2  }
0x11d: {  	s8 =	sshra.s32 s7, $0x2;
	s7 =	sadd.s32 $0x100, s7  }
0x11e: {  	_ =	sdelay $0x1  }
0x11f: {  	v4 =	vld [tilespmem:s8+$0x1AD00]  }
0x120: {  	[tilespmem:s28+$0x1B120] =	vst v3  }
0x121: {  	v2 =	vld.idx.msk [tilespmem:v2+s20+$0x0], $0xffff;
	_ =	sdelay $0x3  }
0x122: {  	v3 =	vld [tilespmem:s8+$0x1AD10]  }
0x123: {  	[tilespmem:s28+$0x1B130] =	vst v2  }
0x124: {  	v2 =	vld.idx.msk [tilespmem:v4+s20+$0x0], $0xffff;
	_ =	sdelay $0x4  }
0x125: {  	[tilespmem:s8+$0x1B100] =	vst v2;
	v2 =	vld [tilespmem:s8+$0x1AD20]  }
0x126: {  	v3 =	vld.idx.msk [tilespmem:v3+s20+$0x0], $0xffff;
	_ =	sdelay $0x4  }
0x127: {  	[tilespmem:s8+$0x1B110] =	vst v3;
	v3 =	vld [tilespmem:s8+$0x1AD30];
	_ =	sdelay $0x1  }
0x128: {  	v2 =	vld.idx.msk [tilespmem:v2+s20+$0x0], $0xffff;
	_ =	sdelay $0x4  }
0x129: {  	[tilespmem:s8+$0x1B120] =	vst v2  }
0x12a: {  	v2 =	vld.idx.msk [tilespmem:v3+s20+$0x0], $0xffff;
	_ =	sdelay $0x4  }
0x12b: {  	[tilespmem:s8+$0x1B130] =	vst v2  }
0x12c: {  	[hbm4b:s19+s3] =	stream.strided.scatter [tilespmem:s17], [sflag:$0x1], $0x400, s4, s3, $0x38;
	[tilespmem:$0x1B500] =	vst v63  }
0x12d: {  	_ =	swait.ge [sflag:s6], $0x400  }
0x12e: {  	[sflag:s6] =	ssyncset.done $0x0  }
0x12f: {  	[sflag:s6] =	ssyncadd.s32 $0xFFFFFC00  }
0x130: {  	s7 =	simm.s32 $0x0;
	s8 =	rddreg [dreg:$0x9]  }
0x131: {  	[tilespmem:s2], [sflag:$0x1] =	stream.linear.gather [hbm4b:s8+s7], $0x400, $0x38;
	[tilespmem:$0x1B500] =	vst v63  }
0x132: {  	_ =	swait.ge [sflag:s6], $0x400  }
0x133: {  	[sflag:s6] =	ssyncset.done $0x0  }
0x134: {  	s28 =	simm.s32 $0x0;
	[sflag:s6] =	ssyncadd.s32 $0xFFFFFC00  }
0x135: {  	v2 =	vld [tilespmem:s28+$0x1AD00];
	_ =	sdelay $0x4  }
0x136: {  	v2 =	vshll.u32 v2, $0x7  }
0x137: {  	v3 =	vld [tilespmem:s28+$0x1AD10];
	v2 =	vor.u32 v0, v2;
	_ =	sdelay $0x4  }
0x138: {  	v3 =	vshll.u32 v3, $0x7;
	v2 =	vld.idx.msk [tilespmem:v2+s23+$0x0], $0xffff  }
0x139: {  	v4 =	vld [tilespmem:s28+$0x1AD20];
	v3 =	vor.u32 v0, v3;
	_ =	sdelay $0x3  }
0x13a: {  	[tilespmem:s28+$0x1B100] =	vst v2  }
0x13b: {  	v2 =	vld.idx.msk [tilespmem:v3+s23+$0x0], $0xffff;
	v3 =	vshll.u32 v4, $0x7  }
0x13c: {  	v4 =	vld [tilespmem:s28+$0x1AD30];
	v3 =	vor.u32 v0, v3;
	_ =	sdelay $0x3  }
0x13d: {  	[tilespmem:s28+$0x1B110] =	vst v2  }
0x13e: {  	v4 =	vshll.u32 v4, $0x7;
	v2 =	vld.idx.msk [tilespmem:v3+s23+$0x0], $0xffff  }
0x13f: {  	s8 =	simm.s32 $0x40;
	s7 =	simm.s32 $0x200;
	v3 =	vor.u32 v0, v4  }
.LBB2_14:
0x140: {  	p0 =	sne.s32 s7, $0xF00;
	v4 =	vld [tilespmem:s8+$0x1AD00];
	_ =	sdelay $0x2  }
0x141: {  	[tilespmem:s28+$0x1B120] =	vst v2  }
0x142: {  	v2 =	vld.idx.msk [tilespmem:v3+s23+$0x0], $0xffff  }
0x143: {  	v3 =	vshll.u32 v4, $0x7  }
0x144: {  	v3 =	vor.u32 v0, v3  }
0x145: {  	v4 =	vld [tilespmem:s8+$0x1AD10];
	_ =	sdelay $0x2  }
0x146: {  	[tilespmem:s28+$0x1B130] =	vst v2;
	s28 =	smov.u32 s8  }
0x147: {  	v2 =	vld.idx.msk [tilespmem:v3+s23+$0x0], $0xffff  }
0x148: {  	v3 =	vshll.u32 v4, $0x7  }
0x149: {  	v3 =	vor.u32 v0, v3  }
0x14a: {  	v4 =	vld [tilespmem:s28+$0x1AD20];
	_ =	sdelay $0x2  }
0x14b: {  	[tilespmem:s28+$0x1B100] =	vst v2  }
0x14c: {  	v2 =	vld.idx.msk [tilespmem:v3+s23+$0x0], $0xffff  }
0x14d: {  	v3 =	vshll.u32 v4, $0x7  }
0x14e: {  	v3 =	vor.u32 v0, v3  }
0x14f: {  	v4 =	vld [tilespmem:s28+$0x1AD30];
	_ =	sdelay $0x1  }
.Ltmp6:
0x150: {  	(pc) =	sbr.rel @p0 .LBB2_14-.Ltmp6, $4  }
0x151: {  	[tilespmem:s28+$0x1B110] =	vst v2  }
0x152: {  	v2 =	vld.idx.msk [tilespmem:v3+s23+$0x0], $0xffff  }
0x153: {  	v3 =	vshll.u32 v4, $0x7  }
0x154: {  	s8 =	sshra.s32 s7, $0x2;
	s7 =	sadd.s32 $0x100, s7;
	v3 =	vor.u32 v0, v3  }
0x155: {  	v4 =	vld [tilespmem:s8+$0x1AD00];
	_ =	sdelay $0x3  }
0x156: {  	[tilespmem:s28+$0x1B120] =	vst v2  }
0x157: {  	v2 =	vld.idx.msk [tilespmem:v3+s23+$0x0], $0xffff;
	v3 =	vshll.u32 v4, $0x7  }
0x158: {  	v4 =	vld [tilespmem:s8+$0x1AD10];
	v3 =	vor.u32 v0, v3;
	_ =	sdelay $0x3  }
0x159: {  	[tilespmem:s28+$0x1B130] =	vst v2  }
0x15a: {  	v2 =	vld.idx.msk [tilespmem:v3+s23+$0x0], $0xffff;
	v3 =	vshll.u32 v4, $0x7  }
0x15b: {  	v4 =	vld [tilespmem:s8+$0x1AD20];
	v3 =	vor.u32 v0, v3;
	_ =	sdelay $0x3  }
0x15c: {  	[tilespmem:s8+$0x1B100] =	vst v2  }
0x15d: {  	v2 =	vld.idx.msk [tilespmem:v3+s23+$0x0], $0xffff;
	v3 =	vshll.u32 v4, $0x7  }
0x15e: {  	v4 =	vld [tilespmem:s8+$0x1AD30];
	v3 =	vor.u32 v0, v3;
	_ =	sdelay $0x3  }
0x15f: {  	[tilespmem:s8+$0x1B110] =	vst v2  }
0x160: {  	v2 =	vld.idx.msk [tilespmem:v3+s23+$0x0], $0xffff;
	v3 =	vshll.u32 v4, $0x7  }
0x161: {  	v3 =	vor.u32 v0, v3;
	_ =	sdelay $0x3  }
0x162: {  	[tilespmem:s8+$0x1B120] =	vst v2  }
0x163: {  	v2 =	vld.idx.msk [tilespmem:v3+s23+$0x0], $0xffff;
	_ =	sdelay $0x4  }
0x164: {  	[tilespmem:s8+$0x1B130] =	vst v2  }
0x165: {  	[hbm4b:s21+s3] =	stream.strided.scatter [tilespmem:s17], [sflag:$0x1], $0x400, s4, s3, $0x38;
	[tilespmem:$0x1B500] =	vst v63  }
0x166: {  	_ =	swait.ge [sflag:s6], $0x400  }
0x167: {  	[sflag:s6] =	ssyncset.done $0x0  }
0x168: {  	s28 =	simm.s32 $0x0;
	[sflag:s6] =	ssyncadd.s32 $0xFFFFFC00  }
0x169: {  	v2 =	vld [tilespmem:s28+$0x1AD00];
	_ =	sdelay $0x4  }
0x16a: {  	v2 =	vshll.u32 v2, $0x7  }
0x16b: {  	v3 =	vld [tilespmem:s28+$0x1AD10];
	v2 =	vor.u32 v1, v2;
	_ =	sdelay $0x4  }
0x16c: {  	v3 =	vshll.u32 v3, $0x7;
	v2 =	vld.idx.msk [tilespmem:v2+s23+$0x0], $0xffff  }
0x16d: {  	v4 =	vld [tilespmem:s28+$0x1AD20];
	v3 =	vor.u32 v1, v3;
	_ =	sdelay $0x3  }
0x16e: {  	[tilespmem:s28+$0x1B100] =	vst v2  }
0x16f: {  	v2 =	vld.idx.msk [tilespmem:v3+s23+$0x0], $0xffff;
	v3 =	vshll.u32 v4, $0x7  }
0x170: {  	v4 =	vld [tilespmem:s28+$0x1AD30];
	v3 =	vor.u32 v1, v3;
	_ =	sdelay $0x3  }
0x171: {  	[tilespmem:s28+$0x1B110] =	vst v2  }
0x172: {  	v4 =	vshll.u32 v4, $0x7;
	v2 =	vld.idx.msk [tilespmem:v3+s23+$0x0], $0xffff  }
0x173: {  	s7 =	simm.s32 $0x200;
	s8 =	simm.s32 $0x40;
	v3 =	vor.u32 v1, v4  }
.LBB2_16:
0x174: {  	p0 =	sne.s32 s7, $0xF00;
	v4 =	vld [tilespmem:s8+$0x1AD00];
	_ =	sdelay $0x2  }
0x175: {  	[tilespmem:s28+$0x1B120] =	vst v2  }
0x176: {  	v2 =	vld.idx.msk [tilespmem:v3+s23+$0x0], $0xffff  }
0x177: {  	v3 =	vshll.u32 v4, $0x7  }
0x178: {  	v3 =	vor.u32 v1, v3  }
0x179: {  	v4 =	vld [tilespmem:s8+$0x1AD10];
	_ =	sdelay $0x2  }
0x17a: {  	[tilespmem:s28+$0x1B130] =	vst v2;
	s28 =	smov.u32 s8  }
0x17b: {  	v2 =	vld.idx.msk [tilespmem:v3+s23+$0x0], $0xffff  }
0x17c: {  	v3 =	vshll.u32 v4, $0x7  }
0x17d: {  	v3 =	vor.u32 v1, v3  }
0x17e: {  	v4 =	vld [tilespmem:s28+$0x1AD20];
	_ =	sdelay $0x2  }
0x17f: {  	[tilespmem:s28+$0x1B100] =	vst v2  }
0x180: {  	v2 =	vld.idx.msk [tilespmem:v3+s23+$0x0], $0xffff  }
0x181: {  	v3 =	vshll.u32 v4, $0x7  }
0x182: {  	v3 =	vor.u32 v1, v3  }
0x183: {  	v4 =	vld [tilespmem:s28+$0x1AD30];
	_ =	sdelay $0x1  }
.Ltmp7:
0x184: {  	(pc) =	sbr.rel @p0 .LBB2_16-.Ltmp7, $4  }
0x185: {  	[tilespmem:s28+$0x1B110] =	vst v2  }
0x186: {  	v2 =	vld.idx.msk [tilespmem:v3+s23+$0x0], $0xffff  }
0x187: {  	v3 =	vshll.u32 v4, $0x7  }
0x188: {  	s8 =	sshra.s32 s7, $0x2;
	s7 =	sadd.s32 $0x100, s7;
	v3 =	vor.u32 v1, v3  }
0x189: {  	v4 =	vld [tilespmem:s8+$0x1AD00];
	_ =	sdelay $0x3  }
0x18a: {  	[tilespmem:s28+$0x1B120] =	vst v2  }
0x18b: {  	v2 =	vld.idx.msk [tilespmem:v3+s23+$0x0], $0xffff;
	v3 =	vshll.u32 v4, $0x7  }
0x18c: {  	v4 =	vld [tilespmem:s8+$0x1AD10];
	v3 =	vor.u32 v1, v3;
	_ =	sdelay $0x3  }
0x18d: {  	[tilespmem:s28+$0x1B130] =	vst v2  }
0x18e: {  	v2 =	vld.idx.msk [tilespmem:v3+s23+$0x0], $0xffff;
	v3 =	vshll.u32 v4, $0x7  }
0x18f: {  	v4 =	vld [tilespmem:s8+$0x1AD20];
	v3 =	vor.u32 v1, v3;
	_ =	sdelay $0x3  }
0x190: {  	[tilespmem:s8+$0x1B100] =	vst v2  }
0x191: {  	v2 =	vld.idx.msk [tilespmem:v3+s23+$0x0], $0xffff;
	v3 =	vshll.u32 v4, $0x7  }
0x192: {  	v4 =	vld [tilespmem:s8+$0x1AD30];
	v3 =	vor.u32 v1, v3;
	_ =	sdelay $0x3  }
0x193: {  	[tilespmem:s8+$0x1B110] =	vst v2  }
0x194: {  	v2 =	vld.idx.msk [tilespmem:v3+s23+$0x0], $0xffff;
	v3 =	vshll.u32 v4, $0x7  }
0x195: {  	v3 =	vor.u32 v1, v3;
	_ =	sdelay $0x3  }
0x196: {  	[tilespmem:s8+$0x1B120] =	vst v2  }
0x197: {  	v2 =	vld.idx.msk [tilespmem:v3+s23+$0x0], $0xffff;
	_ =	sdelay $0x4  }
0x198: {  	[tilespmem:s8+$0x1B130] =	vst v2  }
0x199: {  	[hbm4b:s22+s3] =	stream.strided.scatter [tilespmem:s17], [sflag:$0x1], $0x400, s4, s3, $0x38;
	[tilespmem:$0x1B500] =	vst v63  }
0x19a: {  	_ =	swait.ge [sflag:s6], $0x400  }
0x19b: {  	[sflag:s6] =	ssyncset.done $0x0  }
0x19c: {  	[sflag:s6] =	ssyncadd.s32 $0xFFFFFC00  }
0x19d: {  	s7 =	simm.s32 $0x0;
	s8 =	rddreg [dreg:$0xa]  }
0x19e: {  	[tilespmem:s2], [sflag:$0x1] =	stream.linear.gather [hbm4b:s8+s7], $0x400, $0x38;
	[tilespmem:$0x1B500] =	vst v63  }
0x19f: {  	_ =	swait.ge [sflag:s6], $0x400  }
0x1a0: {  	[sflag:s6] =	ssyncset.done $0x0  }
0x1a1: {  	s28 =	simm.s32 $0x0;
	[sflag:s6] =	ssyncadd.s32 $0xFFFFFC00  }
0x1a2: {  	v2 =	vld [tilespmem:s28+$0x1AD00];
	_ =	sdelay $0x4  }
0x1a3: {  	v2 =	vshll.u32 v2, $0x7  }
0x1a4: {  	v3 =	vld [tilespmem:s28+$0x1AD10];
	v2 =	vor.u32 v0, v2;
	_ =	sdelay $0x4  }
0x1a5: {  	v3 =	vshll.u32 v3, $0x7;
	v2 =	vld.idx.msk [tilespmem:v2+s0+$0x0], $0xffff  }
0x1a6: {  	v4 =	vld [tilespmem:s28+$0x1AD20];
	v3 =	vor.u32 v0, v3;
	_ =	sdelay $0x3  }
0x1a7: {  	[tilespmem:s28+$0x1B100] =	vst v2  }
0x1a8: {  	v2 =	vld.idx.msk [tilespmem:v3+s0+$0x0], $0xffff;
	v3 =	vshll.u32 v4, $0x7  }
0x1a9: {  	v4 =	vld [tilespmem:s28+$0x1AD30];
	v3 =	vor.u32 v0, v3;
	_ =	sdelay $0x3  }
0x1aa: {  	[tilespmem:s28+$0x1B110] =	vst v2  }
0x1ab: {  	v4 =	vshll.u32 v4, $0x7;
	v2 =	vld.idx.msk [tilespmem:v3+s0+$0x0], $0xffff  }
0x1ac: {  	s8 =	simm.s32 $0x40;
	s7 =	simm.s32 $0x200;
	v3 =	vor.u32 v0, v4  }
.LBB2_18:
0x1ad: {  	p0 =	sne.s32 s7, $0xF00;
	v4 =	vld [tilespmem:s8+$0x1AD00];
	_ =	sdelay $0x2  }
0x1ae: {  	[tilespmem:s28+$0x1B120] =	vst v2  }
0x1af: {  	v2 =	vld.idx.msk [tilespmem:v3+s0+$0x0], $0xffff  }
0x1b0: {  	v3 =	vshll.u32 v4, $0x7  }
0x1b1: {  	v3 =	vor.u32 v0, v3  }
0x1b2: {  	v4 =	vld [tilespmem:s8+$0x1AD10];
	_ =	sdelay $0x2  }
0x1b3: {  	[tilespmem:s28+$0x1B130] =	vst v2;
	s28 =	smov.u32 s8  }
0x1b4: {  	v2 =	vld.idx.msk [tilespmem:v3+s0+$0x0], $0xffff  }
0x1b5: {  	v3 =	vshll.u32 v4, $0x7  }
0x1b6: {  	v3 =	vor.u32 v0, v3  }
0x1b7: {  	v4 =	vld [tilespmem:s28+$0x1AD20];
	_ =	sdelay $0x2  }
0x1b8: {  	[tilespmem:s28+$0x1B100] =	vst v2  }
0x1b9: {  	v2 =	vld.idx.msk [tilespmem:v3+s0+$0x0], $0xffff  }
0x1ba: {  	v3 =	vshll.u32 v4, $0x7  }
0x1bb: {  	v3 =	vor.u32 v0, v3  }
0x1bc: {  	v4 =	vld [tilespmem:s28+$0x1AD30];
	_ =	sdelay $0x1  }
.Ltmp8:
0x1bd: {  	(pc) =	sbr.rel @p0 .LBB2_18-.Ltmp8, $4  }
0x1be: {  	[tilespmem:s28+$0x1B110] =	vst v2  }
0x1bf: {  	v2 =	vld.idx.msk [tilespmem:v3+s0+$0x0], $0xffff  }
0x1c0: {  	v3 =	vshll.u32 v4, $0x7  }
0x1c1: {  	s8 =	sshra.s32 s7, $0x2;
	s7 =	sadd.s32 $0x100, s7;
	v3 =	vor.u32 v0, v3  }
0x1c2: {  	v4 =	vld [tilespmem:s8+$0x1AD00];
	_ =	sdelay $0x3  }
0x1c3: {  	[tilespmem:s28+$0x1B120] =	vst v2  }
0x1c4: {  	v2 =	vld.idx.msk [tilespmem:v3+s0+$0x0], $0xffff;
	v3 =	vshll.u32 v4, $0x7  }
0x1c5: {  	v4 =	vld [tilespmem:s8+$0x1AD10];
	v3 =	vor.u32 v0, v3;
	_ =	sdelay $0x3  }
0x1c6: {  	[tilespmem:s28+$0x1B130] =	vst v2  }
0x1c7: {  	v2 =	vld.idx.msk [tilespmem:v3+s0+$0x0], $0xffff;
	v3 =	vshll.u32 v4, $0x7  }
0x1c8: {  	v4 =	vld [tilespmem:s8+$0x1AD20];
	v3 =	vor.u32 v0, v3;
	_ =	sdelay $0x3  }
0x1c9: {  	[tilespmem:s8+$0x1B100] =	vst v2  }
0x1ca: {  	v2 =	vld.idx.msk [tilespmem:v3+s0+$0x0], $0xffff;
	v3 =	vshll.u32 v4, $0x7  }
0x1cb: {  	v4 =	vld [tilespmem:s8+$0x1AD30];
	v3 =	vor.u32 v0, v3;
	_ =	sdelay $0x3  }
0x1cc: {  	[tilespmem:s8+$0x1B110] =	vst v2  }
0x1cd: {  	v2 =	vld.idx.msk [tilespmem:v3+s0+$0x0], $0xffff;
	v3 =	vshll.u32 v4, $0x7  }
0x1ce: {  	v3 =	vor.u32 v0, v3;
	_ =	sdelay $0x3  }
0x1cf: {  	[tilespmem:s8+$0x1B120] =	vst v2  }
0x1d0: {  	v2 =	vld.idx.msk [tilespmem:v3+s0+$0x0], $0xffff;
	_ =	sdelay $0x4  }
0x1d1: {  	[tilespmem:s8+$0x1B130] =	vst v2  }
0x1d2: {  	[hbm4b:s25+s3] =	stream.strided.scatter [tilespmem:s17], [sflag:$0x1], $0x400, s4, s3, $0x38;
	[tilespmem:$0x1B500] =	vst v63  }
0x1d3: {  	_ =	swait.ge [sflag:s6], $0x400  }
0x1d4: {  	[sflag:s6] =	ssyncset.done $0x0  }
0x1d5: {  	s28 =	simm.s32 $0x0;
	[sflag:s6] =	ssyncadd.s32 $0xFFFFFC00  }
0x1d6: {  	v2 =	vld [tilespmem:s28+$0x1AD00];
	_ =	sdelay $0x4  }
0x1d7: {  	v2 =	vshll.u32 v2, $0x7  }
0x1d8: {  	v3 =	vld [tilespmem:s28+$0x1AD10];
	v2 =	vor.u32 v1, v2;
	_ =	sdelay $0x4  }
0x1d9: {  	v3 =	vshll.u32 v3, $0x7;
	v2 =	vld.idx.msk [tilespmem:v2+s0+$0x0], $0xffff  }
0x1da: {  	v4 =	vld [tilespmem:s28+$0x1AD20];
	v3 =	vor.u32 v1, v3;
	_ =	sdelay $0x3  }
0x1db: {  	[tilespmem:s28+$0x1B100] =	vst v2  }
0x1dc: {  	v2 =	vld.idx.msk [tilespmem:v3+s0+$0x0], $0xffff;
	v3 =	vshll.u32 v4, $0x7  }
0x1dd: {  	v4 =	vld [tilespmem:s28+$0x1AD30];
	v3 =	vor.u32 v1, v3;
	_ =	sdelay $0x3  }
0x1de: {  	[tilespmem:s28+$0x1B110] =	vst v2  }
0x1df: {  	v4 =	vshll.u32 v4, $0x7;
	v2 =	vld.idx.msk [tilespmem:v3+s0+$0x0], $0xffff  }
0x1e0: {  	s7 =	simm.s32 $0x200;
	s8 =	simm.s32 $0x40;
	v3 =	vor.u32 v1, v4  }
.LBB2_20:
0x1e1: {  	p0 =	sne.s32 s7, $0xF00;
	v4 =	vld [tilespmem:s8+$0x1AD00];
	_ =	sdelay $0x2  }
0x1e2: {  	[tilespmem:s28+$0x1B120] =	vst v2  }
0x1e3: {  	v2 =	vld.idx.msk [tilespmem:v3+s0+$0x0], $0xffff  }
0x1e4: {  	v3 =	vshll.u32 v4, $0x7  }
0x1e5: {  	v3 =	vor.u32 v1, v3  }
0x1e6: {  	v4 =	vld [tilespmem:s8+$0x1AD10];
	_ =	sdelay $0x2  }
0x1e7: {  	[tilespmem:s28+$0x1B130] =	vst v2;
	s28 =	smov.u32 s8  }
0x1e8: {  	v2 =	vld.idx.msk [tilespmem:v3+s0+$0x0], $0xffff  }
0x1e9: {  	v3 =	vshll.u32 v4, $0x7  }
0x1ea: {  	v3 =	vor.u32 v1, v3  }
0x1eb: {  	v4 =	vld [tilespmem:s28+$0x1AD20];
	_ =	sdelay $0x2  }
0x1ec: {  	[tilespmem:s28+$0x1B100] =	vst v2  }
0x1ed: {  	v2 =	vld.idx.msk [tilespmem:v3+s0+$0x0], $0xffff  }
0x1ee: {  	v3 =	vshll.u32 v4, $0x7  }
0x1ef: {  	v3 =	vor.u32 v1, v3  }
0x1f0: {  	v4 =	vld [tilespmem:s28+$0x1AD30];
	_ =	sdelay $0x1  }
.Ltmp9:
0x1f1: {  	(pc) =	sbr.rel @p0 .LBB2_20-.Ltmp9, $4  }
0x1f2: {  	[tilespmem:s28+$0x1B110] =	vst v2  }
0x1f3: {  	v2 =	vld.idx.msk [tilespmem:v3+s0+$0x0], $0xffff  }
0x1f4: {  	v3 =	vshll.u32 v4, $0x7  }
0x1f5: {  	s8 =	sshra.s32 s7, $0x2;
	s7 =	sadd.s32 $0x100, s7;
	v3 =	vor.u32 v1, v3  }
0x1f6: {  	v4 =	vld [tilespmem:s8+$0x1AD00];
	_ =	sdelay $0x3  }
0x1f7: {  	[tilespmem:s28+$0x1B120] =	vst v2  }
0x1f8: {  	v2 =	vld.idx.msk [tilespmem:v3+s0+$0x0], $0xffff;
	v3 =	vshll.u32 v4, $0x7  }
0x1f9: {  	v4 =	vld [tilespmem:s8+$0x1AD10];
	v3 =	vor.u32 v1, v3;
	_ =	sdelay $0x3  }
0x1fa: {  	[tilespmem:s28+$0x1B130] =	vst v2  }
0x1fb: {  	v2 =	vld.idx.msk [tilespmem:v3+s0+$0x0], $0xffff;
	v3 =	vshll.u32 v4, $0x7  }
0x1fc: {  	v4 =	vld [tilespmem:s8+$0x1AD20];
	v3 =	vor.u32 v1, v3;
	_ =	sdelay $0x3  }
0x1fd: {  	[tilespmem:s8+$0x1B100] =	vst v2  }
0x1fe: {  	v2 =	vld.idx.msk [tilespmem:v3+s0+$0x0], $0xffff;
	v3 =	vshll.u32 v4, $0x7  }
0x1ff: {  	v4 =	vld [tilespmem:s8+$0x1AD30];
	v3 =	vor.u32 v1, v3;
	_ =	sdelay $0x3  }
0x200: {  	[tilespmem:s8+$0x1B110] =	vst v2  }
0x201: {  	v2 =	vld.idx.msk [tilespmem:v3+s0+$0x0], $0xffff;
	v3 =	vshll.u32 v4, $0x7  }
0x202: {  	v3 =	vor.u32 v1, v3;
	_ =	sdelay $0x3  }
0x203: {  	[tilespmem:s8+$0x1B120] =	vst v2  }
0x204: {  	v2 =	vld.idx.msk [tilespmem:v3+s0+$0x0], $0xffff;
	_ =	sdelay $0x4  }
0x205: {  	[tilespmem:s8+$0x1B130] =	vst v2  }
0x206: {  	[hbm4b:s26+s3] =	stream.strided.scatter [tilespmem:s17], [sflag:$0x1], $0x400, s4, s3, $0x38;
	[tilespmem:$0x1B500] =	vst v63  }
0x207: {  	_ =	swait.ge [sflag:s6], $0x400  }
0x208: {  	[sflag:s6] =	ssyncset.done $0x0  }
0x209: {  	[sflag:s6] =	ssyncadd.s32 $0xFFFFFC00  }
0x20a: {  	s7 =	simm.s32 $0x0;
	s8 =	rddreg [dreg:$0xb]  }
0x20b: {  	[tilespmem:s2], [sflag:$0x1] =	stream.linear.gather [hbm4b:s8+s7], $0x400, $0x38;
	[tilespmem:$0x1B500] =	vst v63  }
0x20c: {  	_ =	swait.ge [sflag:s6], $0x400  }
0x20d: {  	[sflag:s6] =	ssyncset.done $0x0  }
0x20e: {  	s28 =	simm.s32 $0x0;
	[sflag:s6] =	ssyncadd.s32 $0xFFFFFC00  }
0x20f: {  	v2 =	vld [tilespmem:s28+$0x1AD00];
	_ =	sdelay $0x4  }
0x210: {  	v2 =	vshll.u32 v2, $0x7  }
0x211: {  	v3 =	vld [tilespmem:s28+$0x1AD10];
	v2 =	vor.u32 v0, v2;
	_ =	sdelay $0x4  }
0x212: {  	v3 =	vshll.u32 v3, $0x7;
	v2 =	vld.idx.msk [tilespmem:v2+s1+$0x0], $0xffff  }
0x213: {  	v4 =	vld [tilespmem:s28+$0x1AD20];
	v3 =	vor.u32 v0, v3;
	_ =	sdelay $0x3  }
0x214: {  	[tilespmem:s28+$0x1B100] =	vst v2  }
0x215: {  	v2 =	vld.idx.msk [tilespmem:v3+s1+$0x0], $0xffff;
	v3 =	vshll.u32 v4, $0x7  }
0x216: {  	v4 =	vld [tilespmem:s28+$0x1AD30];
	v3 =	vor.u32 v0, v3;
	_ =	sdelay $0x3  }
0x217: {  	[tilespmem:s28+$0x1B110] =	vst v2  }
0x218: {  	v4 =	vshll.u32 v4, $0x7;
	v2 =	vld.idx.msk [tilespmem:v3+s1+$0x0], $0xffff  }
0x219: {  	s8 =	simm.s32 $0x40;
	s7 =	simm.s32 $0x200;
	v3 =	vor.u32 v0, v4  }
.LBB2_22:
0x21a: {  	p0 =	sne.s32 s7, $0xF00;
	v4 =	vld [tilespmem:s8+$0x1AD00];
	_ =	sdelay $0x2  }
0x21b: {  	[tilespmem:s28+$0x1B120] =	vst v2  }
0x21c: {  	v2 =	vld.idx.msk [tilespmem:v3+s1+$0x0], $0xffff  }
0x21d: {  	v3 =	vshll.u32 v4, $0x7  }
0x21e: {  	v3 =	vor.u32 v0, v3  }
0x21f: {  	v4 =	vld [tilespmem:s8+$0x1AD10];
	_ =	sdelay $0x2  }
0x220: {  	[tilespmem:s28+$0x1B130] =	vst v2;
	s28 =	smov.u32 s8  }
0x221: {  	v2 =	vld.idx.msk [tilespmem:v3+s1+$0x0], $0xffff  }
0x222: {  	v3 =	vshll.u32 v4, $0x7  }
0x223: {  	v3 =	vor.u32 v0, v3  }
0x224: {  	v4 =	vld [tilespmem:s28+$0x1AD20];
	_ =	sdelay $0x2  }
0x225: {  	[tilespmem:s28+$0x1B100] =	vst v2  }
0x226: {  	v2 =	vld.idx.msk [tilespmem:v3+s1+$0x0], $0xffff  }
0x227: {  	v3 =	vshll.u32 v4, $0x7  }
0x228: {  	v3 =	vor.u32 v0, v3  }
0x229: {  	v4 =	vld [tilespmem:s28+$0x1AD30];
	_ =	sdelay $0x1  }
.Ltmp10:
0x22a: {  	(pc) =	sbr.rel @p0 .LBB2_22-.Ltmp10, $4  }
0x22b: {  	[tilespmem:s28+$0x1B110] =	vst v2  }
0x22c: {  	v2 =	vld.idx.msk [tilespmem:v3+s1+$0x0], $0xffff  }
0x22d: {  	v3 =	vshll.u32 v4, $0x7  }
0x22e: {  	s8 =	sshra.s32 s7, $0x2;
	s7 =	sadd.s32 $0x100, s7;
	v3 =	vor.u32 v0, v3  }
0x22f: {  	v4 =	vld [tilespmem:s8+$0x1AD00];
	_ =	sdelay $0x3  }
0x230: {  	[tilespmem:s28+$0x1B120] =	vst v2  }
0x231: {  	v2 =	vld.idx.msk [tilespmem:v3+s1+$0x0], $0xffff;
	v3 =	vshll.u32 v4, $0x7  }
0x232: {  	v4 =	vld [tilespmem:s8+$0x1AD10];
	v3 =	vor.u32 v0, v3;
	_ =	sdelay $0x3  }
0x233: {  	[tilespmem:s28+$0x1B130] =	vst v2  }
0x234: {  	v2 =	vld.idx.msk [tilespmem:v3+s1+$0x0], $0xffff;
	v3 =	vshll.u32 v4, $0x7  }
0x235: {  	v4 =	vld [tilespmem:s8+$0x1AD20];
	v3 =	vor.u32 v0, v3;
	_ =	sdelay $0x3  }
0x236: {  	[tilespmem:s8+$0x1B100] =	vst v2  }
0x237: {  	v2 =	vld.idx.msk [tilespmem:v3+s1+$0x0], $0xffff;
	v3 =	vshll.u32 v4, $0x7  }
0x238: {  	v4 =	vld [tilespmem:s8+$0x1AD30];
	v3 =	vor.u32 v0, v3;
	_ =	sdelay $0x3  }
0x239: {  	[tilespmem:s8+$0x1B110] =	vst v2  }
0x23a: {  	v2 =	vld.idx.msk [tilespmem:v3+s1+$0x0], $0xffff;
	v3 =	vshll.u32 v4, $0x7  }
0x23b: {  	v3 =	vor.u32 v0, v3;
	_ =	sdelay $0x3  }
0x23c: {  	[tilespmem:s8+$0x1B120] =	vst v2  }
0x23d: {  	v2 =	vld.idx.msk [tilespmem:v3+s1+$0x0], $0xffff;
	_ =	sdelay $0x4  }
0x23e: {  	[tilespmem:s8+$0x1B130] =	vst v2  }
0x23f: {  	[hbm4b:s29+s3] =	stream.strided.scatter [tilespmem:s17], [sflag:$0x1], $0x400, s4, s3, $0x38;
	[tilespmem:$0x1B500] =	vst v63  }
0x240: {  	_ =	swait.ge [sflag:s6], $0x400  }
0x241: {  	[sflag:s6] =	ssyncset.done $0x0  }
0x242: {  	s28 =	simm.s32 $0x0;
	[sflag:s6] =	ssyncadd.s32 $0xFFFFFC00  }
0x243: {  	v2 =	vld [tilespmem:s28+$0x1AD00];
	_ =	sdelay $0x4  }
0x244: {  	v2 =	vshll.u32 v2, $0x7  }
0x245: {  	v3 =	vld [tilespmem:s28+$0x1AD10];
	v2 =	vor.u32 v1, v2;
	_ =	sdelay $0x4  }
0x246: {  	v3 =	vshll.u32 v3, $0x7;
	v2 =	vld.idx.msk [tilespmem:v2+s1+$0x0], $0xffff  }
0x247: {  	v4 =	vld [tilespmem:s28+$0x1AD20];
	v3 =	vor.u32 v1, v3;
	_ =	sdelay $0x3  }
0x248: {  	[tilespmem:s28+$0x1B100] =	vst v2  }
0x249: {  	v2 =	vld.idx.msk [tilespmem:v3+s1+$0x0], $0xffff;
	v3 =	vshll.u32 v4, $0x7  }
0x24a: {  	v4 =	vld [tilespmem:s28+$0x1AD30];
	v3 =	vor.u32 v1, v3;
	_ =	sdelay $0x3  }
0x24b: {  	[tilespmem:s28+$0x1B110] =	vst v2  }
0x24c: {  	v4 =	vshll.u32 v4, $0x7;
	v2 =	vld.idx.msk [tilespmem:v3+s1+$0x0], $0xffff  }
0x24d: {  	s7 =	simm.s32 $0x200;
	s8 =	simm.s32 $0x40;
	v3 =	vor.u32 v1, v4  }
.LBB2_24:
0x24e: {  	p0 =	sne.s32 s7, $0xF00;
	v4 =	vld [tilespmem:s8+$0x1AD00];
	_ =	sdelay $0x2  }
0x24f: {  	[tilespmem:s28+$0x1B120] =	vst v2  }
0x250: {  	v2 =	vld.idx.msk [tilespmem:v3+s1+$0x0], $0xffff  }
0x251: {  	v3 =	vshll.u32 v4, $0x7  }
0x252: {  	v3 =	vor.u32 v1, v3  }
0x253: {  	v4 =	vld [tilespmem:s8+$0x1AD10];
	_ =	sdelay $0x2  }
0x254: {  	[tilespmem:s28+$0x1B130] =	vst v2;
	s28 =	smov.u32 s8  }
0x255: {  	v2 =	vld.idx.msk [tilespmem:v3+s1+$0x0], $0xffff  }
0x256: {  	v3 =	vshll.u32 v4, $0x7  }
0x257: {  	v3 =	vor.u32 v1, v3  }
0x258: {  	v4 =	vld [tilespmem:s28+$0x1AD20];
	_ =	sdelay $0x2  }
0x259: {  	[tilespmem:s28+$0x1B100] =	vst v2  }
0x25a: {  	v2 =	vld.idx.msk [tilespmem:v3+s1+$0x0], $0xffff  }
0x25b: {  	v3 =	vshll.u32 v4, $0x7  }
0x25c: {  	v3 =	vor.u32 v1, v3  }
0x25d: {  	v4 =	vld [tilespmem:s28+$0x1AD30];
	_ =	sdelay $0x1  }
.Ltmp11:
0x25e: {  	(pc) =	sbr.rel @p0 .LBB2_24-.Ltmp11, $4  }
0x25f: {  	[tilespmem:s28+$0x1B110] =	vst v2  }
0x260: {  	v2 =	vld.idx.msk [tilespmem:v3+s1+$0x0], $0xffff  }
0x261: {  	v3 =	vshll.u32 v4, $0x7  }
0x262: {  	s8 =	sshra.s32 s7, $0x2;
	s7 =	sadd.s32 $0x100, s7;
	v3 =	vor.u32 v1, v3  }
0x263: {  	v4 =	vld [tilespmem:s8+$0x1AD00];
	_ =	sdelay $0x3  }
0x264: {  	[tilespmem:s28+$0x1B120] =	vst v2  }
0x265: {  	v2 =	vld.idx.msk [tilespmem:v3+s1+$0x0], $0xffff;
	v3 =	vshll.u32 v4, $0x7  }
0x266: {  	v61 =	vld [tilespmem:s8+$0x1AD10];
	v3 =	vor.u32 v1, v3;
	_ =	sdelay $0x3  }
0x267: {  	[tilespmem:s28+$0x1B130] =	vst v2  }
0x268: {  	v2 =	vld.idx.msk [tilespmem:v3+s1+$0x0], $0xffff;
	v3 =	vshll.u32 v61, $0x7  }
0x269: {  	v62 =	vld [tilespmem:s8+$0x1AD20];
	v3 =	vor.u32 v1, v3;
	_ =	sdelay $0x3  }
0x26a: {  	[tilespmem:s8+$0x1B100] =	vst v2  }
0x26b: {  	v2 =	vld.idx.msk [tilespmem:v3+s1+$0x0], $0xffff;
	v3 =	vshll.u32 v62, $0x7  }
0x26c: {  	v63 =	vld [tilespmem:s8+$0x1AD30];
	v3 =	vor.u32 v1, v3;
	_ =	sdelay $0x3  }
0x26d: {  	[tilespmem:s8+$0x1B110] =	vst v2  }
0x26e: {  	v2 =	vld.idx.msk [tilespmem:v3+s1+$0x0], $0xffff;
	v3 =	vshll.u32 v63, $0x7  }
0x26f: {  	v3 =	vor.u32 v1, v3;
	_ =	sdelay $0x3  }
0x270: {  	[tilespmem:s8+$0x1B120] =	vst v2  }
0x271: {  	v2 =	vld.idx.msk [tilespmem:v3+s1+$0x0], $0xffff;
	_ =	sdelay $0x2  }
0x272: {  	s24 =	sadd.s32 $0x1, s24  }
0x273: {  	p0 =	sne.s32 s24, s31  }
.Ltmp12:
0x274: {  	[tilespmem:s8+$0x1B130] =	vst v2;
	(pc) =	sbr.rel @p0 .LBB2_1-.Ltmp12, $4  }
0x275: {  	[hbm4b:s30+s3] =	stream.strided.scatter [tilespmem:s17], [sflag:$0x1], $0x400, s4, s3, $0x38;
	[tilespmem:$0x1B500] =	vst v63  }
0x276: {  	_ =	swait.ge [sflag:s6], $0x400  }
0x277: {  	[sflag:s6] =	ssyncset.done $0x0  }
0x278: {  	[sflag:s6] =	ssyncadd.s32 $0xFFFFFC00  }
0x279: {  	_ =	sfence.sel $0x180000  }
0x27a: {  	[bflag:$0x0] =	sbarrier.arrive $0xFFFF  }
0x27b: {  	_ =	strace $0x90000047  }
0x27c: {  	s0 =	stileid.u32;
	[bflag:$0x2] =	sbarrier.arrive $0xFFFF  }
0x27d: {  	p0 =	sne.s32 s0, $0x0;
	s0 =	rddreg [dreg:$0xd]  }
0x27e: {  	s0 =	sadd.s32 @!p0 $0x100000, s0  }
0x27f: {  	[sflag:s0] =	ssyncadd.tile.s32 @!p0 $0x1;
	_ =	shalt  }
.Lfunc_end2:
_tile_overlayer_lowered:
.L_overlay_start_2:
0x280: {  	(tag) =	ssettag $0x2  }
0x281: {  	s0 =	rddreg [dreg:$0x0];
	s2 =	stileid.u32  }
0x282: {  	s1 =	rddreg [dreg:$0x1];
	p0 =	sne.s32 s2, $0x0  }
0x283: {  	s3 =	rddreg [dreg:$0x2];
	[bflag:$0x3] =	sbarrier.arrive $0xFFFF;
	s2 =	simm.s32 @!p0 $0x1C01  }
0x284: {  	[timem:s3], [sflag:s2] =	dma.local @!p0 [hbm:s0], s1  }
0x285: {  	s0 =	simm.s32 @!p0 $0x1  }
0x286: {  	_ =	swait.ge @!p0 [sflag:s0], s1  }
0x287: {  	s1 =	ssub.s32 @!p0 $0x0, s1;
	[sflag:s0] =	ssyncset.done @!p0 $0x0  }
0x288: {  	[sflag:s0] =	ssyncadd.s32 @!p0 s1  }
0x289: {  	[bflag:$0x3] =	sbarrier.arrive $0xFFFF  }
0x28a: {  	_ =	shalt  }

</sc_bundles>
